<compile_context>
chip_gen: v7x
topology: tpu7x:2x2x1
jax: 0.10.2.dev20260603
libtpu: 0.0.44.dev20260713+nightly
codegen_flags: <defaults>
</compile_context>

<pallas_src>
import functools

import jax
import jax.numpy as jnp
from jax import lax
from jax.experimental import pallas as pl
from jax.experimental.pallas import tpu as pltpu
from jax.experimental.pallas import tpu_sc as plsc

_TEMP = 3.0
_NUM_WORKERS = 32
_LANE = 128


def _tile_order(x):
    r, c = x.shape
    return (
        x.reshape(r // 8, 8, c // _LANE, _LANE)
        .transpose(0, 2, 1, 3)
        .reshape(r * c)
    )


def _untile_order(x1d, r, c):
    return (
        x1d.reshape(r // 8, c // _LANE, 8, _LANE)
        .transpose(0, 2, 1, 3)
        .reshape(r, c)
    )


def _sc_gather(logits_t, idx_t, n, v, k):
    n_idx = n * k
    per_w = n_idx // _NUM_WORKERS
    kb_n = k // _LANE
    rows = per_w // _LANE
    rb_n = rows // (8 * kb_n)
    row_stride = (v // _LANE) * 1024
    mesh = plsc.VectorSubcoreMesh(core_axis_name="c", subcore_axis_name="s")

    @functools.partial(
        pl.kernel,
        mesh=mesh,
        out_type=jax.ShapeDtypeStruct((n_idx,), jnp.float32),
        scratch_types=[
            pltpu.VMEM((per_w,), jnp.int32),
            pltpu.VMEM((per_w,), jnp.float32),
            pltpu.SemaphoreType.DMA,
        ],
    )
    def gather_kernel(logits_hbm, idx_hbm, out_hbm, idx_v, vals_v, sem):
        wid = lax.axis_index("s") * 2 + lax.axis_index("c")
        base = wid * per_w
        pltpu.sync_copy(idx_hbm.at[pl.ds(base, per_w)], idx_v)

        w_rb = wid * rb_n

        @pl.loop(0, rb_n)
        def _rowblock(rb):
            s_base = (w_rb + rb) * row_stride
            for kb in range(kb_n):
                for r8 in range(8):
                    s_off = s_base + r8 * _LANE
                    row = (rb * kb_n + kb) * 8 + r8
                    for j in range(_LANE // 16):
                        sl = idx_v.at[pl.ds(row * _LANE + j * 16, 16)]
                        c = sl[...]
                        q = lax.shift_right_logical(c, 7)
                        sl[...] = c + q * 896 + s_off

        pltpu.async_copy(logits_hbm.at[idx_v], vals_v, sem).wait()
        pltpu.sync_copy(vals_v, out_hbm.at[pl.ds(base, per_w)])

    return gather_kernel(logits_t, idx_t)


def _tc_loss_body(g_ref, tv_ref, m_ref, out_ref, acc_ref):
    i = pl.program_id(0)
    inv_t = 1.0 / _TEMP
    g = g_ref[...]
    tv = tv_ref[...]
    e_t = jnp.exp(tv * inv_t)
    e_s = jnp.exp(g * inv_t)
    z_t = jnp.sum(e_t, axis=-1)
    s_s = jnp.sum(e_s, axis=-1)
    w = jnp.sum(e_t * (tv - g), axis=-1)
    kl = inv_t * w / z_t + jnp.log(s_s) - jnp.log(z_t)
    mf = m_ref[0, 0, :]
    part = jnp.sum(kl * mf)
    cnt = jnp.sum(mf)

    @pl.when(i == 0)
    def _init():
        acc_ref[0] = 0.0
        acc_ref[1] = 0.0

    acc_ref[0] += part
    acc_ref[1] += cnt

    @pl.when(i == pl.num_programs(0) - 1)
    def _fin():
        total = acc_ref[0] * (_TEMP * _TEMP)
        out_ref[...] = (total / jnp.maximum(acc_ref[1], 1.0)).reshape(1, 1)


def _tc_loss(gathered, teacher_vals, mask_f, blocks=2):
    n, k = gathered.shape
    blk = n // blocks
    return pl.pallas_call(
        _tc_loss_body,
        grid=(blocks,),
        in_specs=[
            pl.BlockSpec((blk, k), lambda i: (i, 0)),
            pl.BlockSpec((blk, k), lambda i: (i, 0)),
            pl.BlockSpec((1, 1, blk), lambda i: (i, 0, 0)),
        ],
        out_specs=pl.BlockSpec((1, 1), lambda i: (0, 0)),
        out_shape=jax.ShapeDtypeStruct((1, 1), jnp.float32),
        scratch_shapes=[pltpu.SMEM((2,), jnp.float32)],
    )(gathered, teacher_vals, mask_f.reshape(blocks, 1, blk))


def kernel(student_logits, teacher_vals, teacher_idxs, mask):
    b, s, v = student_logits.shape
    k = teacher_vals.shape[-1]
    n = b * s
    logits_t = _tile_order(student_logits.reshape(n, v))
    idx_t = _tile_order(teacher_idxs.astype(jnp.int32).reshape(n, k))
    gathered_t = _sc_gather(logits_t, idx_t, n, v, k)
    gathered = _untile_order(gathered_t, n, k)
    mask_f = mask.astype(jnp.float32).reshape(n)
    out = _tc_loss(gathered, teacher_vals.reshape(n, k), mask_f)
    return out[0, 0]

# --- scband reference (transcript-rebuilt; emitter-appended) ---
"""Pipeline reference for scband-sparse-logit-kdloss-7284264534665 (READ-ONLY COPY).

The authoritative reference and input builder live on the scoring server;
editing this copy changes nothing except your own understanding.
"""

import jax, jax.numpy as jnp
import numpy as np

TEMPERATURE = 3.0

def setup_inputs(seed: int = 0) -> dict:
    key = jax.random.key(seed)
    k1, k2, k3, k4 = jax.random.split(key, 4)
    B, S, V, K = 2, 2048, 32000, 256
    student_logits = jax.random.normal(k1, (B, S, V), dtype=jnp.float32)
    teacher_vals = jax.random.normal(k2, (B, S, K), dtype=jnp.float32)
    teacher_idxs = jax.random.randint(k3, (B, S, K), 0, V, dtype=jnp.int64) if jax.config.jax_enable_x64 else jax.random.randint(k3, (B, S, K), 0, V, dtype=jnp.int32)
    mask = jax.random.randint(k4, (B, S), 0, 2, dtype=jnp.int32).astype(jnp.bool_)
    return {"student_logits": student_logits, "teacher_vals": teacher_vals, "teacher_idxs": teacher_idxs, "mask": mask}

def reference(student_logits, teacher_vals, teacher_idxs, mask):
    T_temp = TEMPERATURE
    teacher_probs = jax.nn.softmax(teacher_vals / T_temp, axis=-1)
    student_at_teacher = jnp.take_along_axis(student_logits, teacher_idxs, axis=-1)
    student_log_probs = jax.nn.log_softmax(student_at_teacher / T_temp, axis=-1)
    # F.kl_div(input=log_probs, target=probs, log_target=False): target*(log(target)-input), 0 where target==0
    safe_tp = jnp.where(teacher_probs > 0, teacher_probs, 1.0)
    kl = jnp.where(teacher_probs > 0, teacher_probs * (jnp.log(safe_tp) - student_log_probs), 0.0)
    kl = kl.sum(axis=-1)
    kl = kl * (T_temp ** 2)
    kl = kl * mask.astype(jnp.float32)
    return kl.sum() / jnp.maximum(mask.astype(jnp.float32).sum(), 1.0)

if __name__ == "__main__":
    import jax
    _d = setup_inputs()
    print(jax.jit(kernel)(*tuple(_d.values())))

</pallas_src>

<mosaic_0001>
#map = affine_map<(d0, d1) -> (0)>
module attributes {stable_mosaic.version = 14 : i64} {
  func.func @gather_kernel(%arg0: i32, %arg1: i32, %arg2: memref<131072000xf32, #tpu.memory_space<hbm>>, %arg3: memref<1048576xi32, #tpu.memory_space<hbm>>, %arg4: memref<1048576xf32, #tpu.memory_space<hbm>>, %arg5: memref<32768xi32, #tpu.memory_space<vmem>>, %arg6: memref<32768xf32, #tpu.memory_space<vmem>>, %arg7: memref<!tpu.dma_semaphore, #tpu.memory_space<semaphore_mem>>) attributes {dimension_semantics = [#tpu.dimension_semantics<core_parallel>, #tpu.dimension_semantics<subcore_parallel>], iteration_bounds = array<i64: 2, 16>, scalar_prefetch = 0 : i64, scratch_operands = 3 : i64, tpu.core_type = #tpu.core_type<sc_vector_subcore>, window_params = [{transform_indices = #map}, {transform_indices = #map}, {transform_indices = #map}]} {
    %mul3A = arith.constant 2 : i32
    %mul3A_0 = arith.muli %arg1, %mul3A : i32
    %add3A = arith.addi %mul3A_0, %arg0 : i32
    %mul3A_1 = arith.constant 32768 : i32
    %mul3A_2 = arith.muli %add3A, %mul3A_1 : i32
    "tpu.region"() ({
      %run_scoped3A = tpu.sem_alloc : memref<!tpu.dma_semaphore, #tpu.memory_space<semaphore_mem>>
      %dma_start3A_11 = tpu.memref_slice %arg3[%mul3A_2] : memref<1048576xi32, #tpu.memory_space<hbm>> -> memref<32768xi32, #tpu.memory_space<hbm>>
      %dma_start3A_12 = tpu.memref_slice %arg3[%mul3A_2] : memref<1048576xi32, #tpu.memory_space<hbm>> -> memref<32768xi32, #tpu.memory_space<hbm>>
      tpu.enqueue_dma source(%dma_start3A_12 : memref<32768xi32, #tpu.memory_space<hbm>>) target(%arg5 : memref<32768xi32, #tpu.memory_space<vmem>>) target_semaphore(%run_scoped3A : memref<!tpu.dma_semaphore, #tpu.memory_space<semaphore_mem>>)
      %dma_wait3A_13 = tpu.memref_slice %arg3[%mul3A_2] : memref<1048576xi32, #tpu.memory_space<hbm>> -> memref<32768xi32, #tpu.memory_space<hbm>>
      %dma_wait3A_14 = tpu.memref_slice %arg3[%mul3A_2] : memref<1048576xi32, #tpu.memory_space<hbm>> -> memref<32768xi32, #tpu.memory_space<hbm>>
      tpu.wait_dma2 semaphore(%run_scoped3A : memref<!tpu.dma_semaphore, #tpu.memory_space<semaphore_mem>>) src(%dma_wait3A_14 : memref<32768xi32, #tpu.memory_space<hbm>>) dst(%arg5 : memref<32768xi32, #tpu.memory_space<vmem>>)
      tpu.yield
    }) : () -> ()
    %mul3A_3 = arith.constant 16 : i32
    %mul3A_4 = arith.muli %add3A, %mul3A_3 : i32
    %scan3A = arith.constant 0 : i32
    %scan3A_5 = arith.constant 16 : i32
    %scan3A_6 = arith.addi %scan3A, %scan3A_5 : i32
    %scan3A_7 = arith.constant 1 : i32
    scf.for %scan3A_11 = %scan3A to %scan3A_6 step %scan3A_7  : i32 {
      %mul3A_12 = arith.constant 1 : i32
      %mul3A_13 = arith.muli %scan3A_11, %mul3A_12 : i32
      %add3A_14 = arith.constant 0 : i32
      %add3A_15 = arith.addi %add3A_14, %mul3A_13 : i32
      %add3A_16 = arith.addi %mul3A_4, %add3A_15 : i32
      %mul3A_17 = arith.constant 256000 : i32
      %mul3A_18 = arith.muli %add3A_16, %mul3A_17 : i32
      %add3A_19 = arith.constant 0 : i32
      %add3A_20 = arith.addi %mul3A_18, %add3A_19 : i32
      %mul3A_21 = arith.constant 2 : i32
      %mul3A_22 = arith.muli %add3A_15, %mul3A_21 : i32
      %add3A_23 = arith.constant 0 : i32
      %add3A_24 = arith.addi %mul3A_22, %add3A_23 : i32
      %mul3A_25 = arith.constant 8 : i32
      %mul3A_26 = arith.muli %add3A_24, %mul3A_25 : i32
      %add3A_27 = arith.constant 0 : i32
      %add3A_28 = arith.addi %mul3A_26, %add3A_27 : i32
      %mul3A_29 = arith.constant 128 : i32
      %mul3A_30 = arith.muli %add3A_28, %mul3A_29 : i32
      %add3A_31 = arith.constant 0 : i32
      %add3A_32 = arith.addi %mul3A_30, %add3A_31 : i32
      %get3A = arith.index_cast %add3A_32 : i32 to index
      %get3A_33 = tpu.vector_load %arg5[%get3A] {strides = array<i32>} : memref<32768xi32, #tpu.memory_space<vmem>>, vector<16xi32>,
      %get3A_34 = vector.shape_cast %get3A_33 : vector<16xi32> to vector<16xi32>
      %shift_right_logical3A = arith.constant 7 : i32
      %shift_right_logical3A_35 = vector.broadcast %shift_right_logical3A : i32 to vector<16xi32>
      %shift_right_logical3A_36 = arith.shrui %get3A_34, %shift_right_logical3A_35 : vector<16xi32>
      %mul3A_37 = arith.constant 896 : i32
      %mul3A_38 = vector.broadcast %mul3A_37 : i32 to vector<16xi32>
      %mul3A_39 = arith.muli %shift_right_logical3A_36, %mul3A_38 : vector<16xi32>
      %add3A_40 = arith.addi %get3A_34, %mul3A_39 : vector<16xi32>
      %add3A_41 = vector.broadcast %add3A_20 : i32 to vector<16xi32>
      %add3A_42 = arith.addi %add3A_40, %add3A_41 : vector<16xi32>
      %swap3A = arith.index_cast %add3A_32 : i32 to index
      %swap3A_43 = tpu.vector_load %arg5[%swap3A] {strides = array<i32>} : memref<32768xi32, #tpu.memory_space<vmem>>, vector<16xi32>,
      %swap3A_44 = vector.shape_cast %swap3A_43 : vector<16xi32> to vector<16xi32>
      %swap3A_45 = vector.shape_cast %add3A_42 : vector<16xi32> to vector<16xi32>
      tpu.vector_store %arg5[%swap3A], %swap3A_45 {strides = array<i32>} : memref<32768xi32, #tpu.memory_space<vmem>>, vector<16xi32>,
      %mul3A_46 = arith.constant 128 : i32
      %mul3A_47 = arith.muli %add3A_28, %mul3A_46 : i32
      %add3A_48 = arith.constant 16 : i32
      %add3A_49 = arith.addi %mul3A_47, %add3A_48 : i32
      %get3A_50 = arith.index_cast %add3A_49 : i32 to index
      %get3A_51 = tpu.vector_load %arg5[%get3A_50] {strides = array<i32>} : memref<32768xi32, #tpu.memory_space<vmem>>, vector<16xi32>,
      %get3A_52 = vector.shape_cast %get3A_51 : vector<16xi32> to vector<16xi32>
      %shift_right_logical3A_53 = arith.constant 7 : i32
      %shift_right_logical3A_54 = vector.broadcast %shift_right_logical3A_53 : i32 to vector<16xi32>
      %shift_right_logical3A_55 = arith.shrui %get3A_52, %shift_right_logical3A_54 : vector<16xi32>
      %mul3A_56 = arith.constant 896 : i32
      %mul3A_57 = vector.broadcast %mul3A_56 : i32 to vector<16xi32>
      %mul3A_58 = arith.muli %shift_right_logical3A_55, %mul3A_57 : vector<16xi32>
      %add3A_59 = arith.addi %get3A_52, %mul3A_58 : vector<16xi32>
      %add3A_60 = vector.broadcast %add3A_20 : i32 to vector<16xi32>
      %add3A_61 = arith.addi %add3A_59, %add3A_60 : vector<16xi32>
      %swap3A_62 = arith.index_cast %add3A_49 : i32 to index
      %swap3A_63 = tpu.vector_load %arg5[%swap3A_62] {strides = array<i32>} : memref<32768xi32, #tpu.memory_space<vmem>>, vector<16xi32>,
      %swap3A_64 = vector.shape_cast %swap3A_63 : vector<16xi32> to vector<16xi32>
      %swap3A_65 = vector.shape_cast %add3A_61 : vector<16xi32> to vector<16xi32>
      tpu.vector_store %arg5[%swap3A_62], %swap3A_65 {strides = array<i32>} : memref<32768xi32, #tpu.memory_space<vmem>>, vector<16xi32>,
      %mul3A_66 = arith.constant 128 : i32
      %mul3A_67 = arith.muli %add3A_28, %mul3A_66 : i32
      %add3A_68 = arith.constant 32 : i32
      %add3A_69 = arith.addi %mul3A_67, %add3A_68 : i32
      %get3A_70 = arith.index_cast %add3A_69 : i32 to index
      %get3A_71 = tpu.vector_load %arg5[%get3A_70] {strides = array<i32>} : memref<32768xi32, #tpu.memory_space<vmem>>, vector<16xi32>,
      %get3A_72 = vector.shape_cast %get3A_71 : vector<16xi32> to vector<16xi32>
      %shift_right_logical3A_73 = arith.constant 7 : i32
      %shift_right_logical3A_74 = vector.broadcast %shift_right_logical3A_73 : i32 to vector<16xi32>
      %shift_right_logical3A_75 = arith.shrui %get3A_72, %shift_right_logical3A_74 : vector<16xi32>
      %mul3A_76 = arith.constant 896 : i32
      %mul3A_77 = vector.broadcast %mul3A_76 : i32 to vector<16xi32>
      %mul3A_78 = arith.muli %shift_right_logical3A_75, %mul3A_77 : vector<16xi32>
      %add3A_79 = arith.addi %get3A_72, %mul3A_78 : vector<16xi32>
      %add3A_80 = vector.broadcast %add3A_20 : i32 to vector<16xi32>
      %add3A_81 = arith.addi %add3A_79, %add3A_80 : vector<16xi32>
      %swap3A_82 = arith.index_cast %add3A_69 : i32 to index
      %swap3A_83 = tpu.vector_load %arg5[%swap3A_82] {strides = array<i32>} : memref<32768xi32, #tpu.memory_space<vmem>>, vector<16xi32>,
      %swap3A_84 = vector.shape_cast %swap3A_83 : vector<16xi32> to vector<16xi32>
      %swap3A_85 = vector.shape_cast %add3A_81 : vector<16xi32> to vector<16xi32>
      tpu.vector_store %arg5[%swap3A_82], %swap3A_85 {strides = array<i32>} : memref<32768xi32, #tpu.memory_space<vmem>>, vector<16xi32>,
      %mul3A_86 = arith.constant 128 : i32
      %mul3A_87 = arith.muli %add3A_28, %mul3A_86 : i32
      %add3A_88 = arith.constant 48 : i32
      %add3A_89 = arith.addi %mul3A_87, %add3A_88 : i32
      %get3A_90 = arith.index_cast %add3A_89 : i32 to index
      %get3A_91 = tpu.vector_load %arg5[%get3A_90] {strides = array<i32>} : memref<32768xi32, #tpu.memory_space<vmem>>, vector<16xi32>,
      %get3A_92 = vector.shape_cast %get3A_91 : vector<16xi32> to vector<16xi32>
      %shift_right_logical3A_93 = arith.constant 7 : i32
      %shift_right_logical3A_94 = vector.broadcast %shift_right_logical3A_93 : i32 to vector<16xi32>
      %shift_right_logical3A_95 = arith.shrui %get3A_92, %shift_right_logical3A_94 : vector<16xi32>
      %mul3A_96 = arith.constant 896 : i32
      %mul3A_97 = vector.broadcast %mul3A_96 : i32 to vector<16xi32>
      %mul3A_98 = arith.muli %shift_right_logical3A_95, %mul3A_97 : vector<16xi32>
      %add3A_99 = arith.addi %get3A_92, %mul3A_98 : vector<16xi32>
      %add3A_100 = vector.broadcast %add3A_20 : i32 to vector<16xi32>
      %add3A_101 = arith.addi %add3A_99, %add3A_100 : vector<16xi32>
      %swap3A_102 = arith.index_cast %add3A_89 : i32 to index
      %swap3A_103 = tpu.vector_load %arg5[%swap3A_102] {strides = array<i32>} : memref<32768xi32, #tpu.memory_space<vmem>>, vector<16xi32>,
      %swap3A_104 = vector.shape_cast %swap3A_103 : vector<16xi32> to vector<16xi32>
      %swap3A_105 = vector.shape_cast %add3A_101 : vector<16xi32> to vector<16xi32>
      tpu.vector_store %arg5[%swap3A_102], %swap3A_105 {strides = array<i32>} : memref<32768xi32, #tpu.memory_space<vmem>>, vector<16xi32>,
      %mul3A_106 = arith.constant 128 : i32
      %mul3A_107 = arith.muli %add3A_28, %mul3A_106 : i32
      %add3A_108 = arith.constant 64 : i32
      %add3A_109 = arith.addi %mul3A_107, %add3A_108 : i32
      %get3A_110 = arith.index_cast %add3A_109 : i32 to index
      %get3A_111 = tpu.vector_load %arg5[%get3A_110] {strides = array<i32>} : memref<32768xi32, #tpu.memory_space<vmem>>, vector<16xi32>,
      %get3A_112 = vector.shape_cast %get3A_111 : vector<16xi32> to vector<16xi32>
      %shift_right_logical3A_113 = arith.constant 7 : i32
      %shift_right_logical3A_114 = vector.broadcast %shift_right_logical3A_113 : i32 to vector<16xi32>
      %shift_right_logical3A_115 = arith.shrui %get3A_112, %shift_right_logical3A_114 : vector<16xi32>
      %mul3A_116 = arith.constant 896 : i32
      %mul3A_117 = vector.broadcast %mul3A_116 : i32 to vector<16xi32>
      %mul3A_118 = arith.muli %shift_right_logical3A_115, %mul3A_117 : vector<16xi32>
      %add3A_119 = arith.addi %get3A_112, %mul3A_118 : vector<16xi32>
      %add3A_120 = vector.broadcast %add3A_20 : i32 to vector<16xi32>
      %add3A_121 = arith.addi %add3A_119, %add3A_120 : vector<16xi32>
      %swap3A_122 = arith.index_cast %add3A_109 : i32 to index
      %swap3A_123 = tpu.vector_load %arg5[%swap3A_122] {strides = array<i32>} : memref<32768xi32, #tpu.memory_space<vmem>>, vector<16xi32>,
      %swap3A_124 = vector.shape_cast %swap3A_123 : vector<16xi32> to vector<16xi32>
      %swap3A_125 = vector.shape_cast %add3A_121 : vector<16xi32> to vector<16xi32>
      tpu.vector_store %arg5[%swap3A_122], %swap3A_125 {strides = array<i32>} : memref<32768xi32, #tpu.memory_space<vmem>>, vector<16xi32>,
      %mul3A_126 = arith.constant 128 : i32
      %mul3A_127 = arith.muli %add3A_28, %mul3A_126 : i32
      %add3A_128 = arith.constant 80 : i32
      %add3A_129 = arith.addi %mul3A_127, %add3A_128 : i32
      %get3A_130 = arith.index_cast %add3A_129 : i32 to index
      %get3A_131 = tpu.vector_load %arg5[%get3A_130] {strides = array<i32>} : memref<32768xi32, #tpu.memory_space<vmem>>, vector<16xi32>,
      %get3A_132 = vector.shape_cast %get3A_131 : vector<16xi32> to vector<16xi32>
      %shift_right_logical3A_133 = arith.constant 7 : i32
      %shift_right_logical3A_134 = vector.broadcast %shift_right_logical3A_133 : i32 to vector<16xi32>
      %shift_right_logical3A_135 = arith.shrui %get3A_132, %shift_right_logical3A_134 : vector<16xi32>
      %mul3A_136 = arith.constant 896 : i32
      %mul3A_137 = vector.broadcast %mul3A_136 : i32 to vector<16xi32>
      %mul3A_138 = arith.muli %shift_right_logical3A_135, %mul3A_137 : vector<16xi32>
      %add3A_139 = arith.addi %get3A_132, %mul3A_138 : vector<16xi32>
      %add3A_140 = vector.broadcast %add3A_20 : i32 to vector<16xi32>
      %add3A_141 = arith.addi %add3A_139, %add3A_140 : vector<16xi32>
      %swap3A_142 = arith.index_cast %add3A_129 : i32 to index
      %swap3A_143 = tpu.vector_load %arg5[%swap3A_142] {strides = array<i32>} : memref<32768xi32, #tpu.memory_space<vmem>>, vector<16xi32>,
      %swap3A_144 = vector.shape_cast %swap3A_143 : vector<16xi32> to vector<16xi32>
      %swap3A_145 = vector.shape_cast %add3A_141 : vector<16xi32> to vector<16xi32>
      tpu.vector_store %arg5[%swap3A_142], %swap3A_145 {strides = array<i32>} : memref<32768xi32, #tpu.memory_space<vmem>>, vector<16xi32>,
      %mul3A_146 = arith.constant 128 : i32
      %mul3A_147 = arith.muli %add3A_28, %mul3A_146 : i32
      %add3A_148 = arith.constant 96 : i32
      %add3A_149 = arith.addi %mul3A_147, %add3A_148 : i32
      %get3A_150 = arith.index_cast %add3A_149 : i32 to index
      %get3A_151 = tpu.vector_load %arg5[%get3A_150] {strides = array<i32>} : memref<32768xi32, #tpu.memory_space<vmem>>, vector<16xi32>,
      %get3A_152 = vector.shape_cast %get3A_151 : vector<16xi32> to vector<16xi32>
      %shift_right_logical3A_153 = arith.constant 7 : i32
      %shift_right_logical3A_154 = vector.broadcast %shift_right_logical3A_153 : i32 to vector<16xi32>
      %shift_right_logical3A_155 = arith.shrui %get3A_152, %shift_right_logical3A_154 : vector<16xi32>
      %mul3A_156 = arith.constant 896 : i32
      %mul3A_157 = vector.broadcast %mul3A_156 : i32 to vector<16xi32>
      %mul3A_158 = arith.muli %shift_right_logical3A_155, %mul3A_157 : vector<16xi32>
      %add3A_159 = arith.addi %get3A_152, %mul3A_158 : vector<16xi32>
      %add3A_160 = vector.broadcast %add3A_20 : i32 to vector<16xi32>
      %add3A_161 = arith.addi %add3A_159, %add3A_160 : vector<16xi32>
      %swap3A_162 = arith.index_cast %add3A_149 : i32 to index
      %swap3A_163 = tpu.vector_load %arg5[%swap3A_162] {strides = array<i32>} : memref<32768xi32, #tpu.memory_space<vmem>>, vector<16xi32>,
      %swap3A_164 = vector.shape_cast %swap3A_163 : vector<16xi32> to vector<16xi32>
      %swap3A_165 = vector.shape_cast %add3A_161 : vector<16xi32> to vector<16xi32>
      tpu.vector_store %arg5[%swap3A_162], %swap3A_165 {strides = array<i32>} : memref<32768xi32, #tpu.memory_space<vmem>>, vector<16xi32>,
      %mul3A_166 = arith.constant 128 : i32
      %mul3A_167 = arith.muli %add3A_28, %mul3A_166 : i32
      %add3A_168 = arith.constant 112 : i32
      %add3A_169 = arith.addi %mul3A_167, %add3A_168 : i32
      %get3A_170 = arith.index_cast %add3A_169 : i32 to index
      %get3A_171 = tpu.vector_load %arg5[%get3A_170] {strides = array<i32>} : memref<32768xi32, #tpu.memory_space<vmem>>, vector<16xi32>,
      %get3A_172 = vector.shape_cast %get3A_171 : vector<16xi32> to vector<16xi32>
      %shift_right_logical3A_173 = arith.constant 7 : i32
      %shift_right_logical3A_174 = vector.broadcast %shift_right_logical3A_173 : i32 to vector<16xi32>
      %shift_right_logical3A_175 = arith.shrui %get3A_172, %shift_right_logical3A_174 : vector<16xi32>
      %mul3A_176 = arith.constant 896 : i32
      %mul3A_177 = vector.broadcast %mul3A_176 : i32 to vector<16xi32>
      %mul3A_178 = arith.muli %shift_right_logical3A_175, %mul3A_177 : vector<16xi32>
      %add3A_179 = arith.addi %get3A_172, %mul3A_178 : vector<16xi32>
      %add3A_180 = vector.broadcast %add3A_20 : i32 to vector<16xi32>
      %add3A_181 = arith.addi %add3A_179, %add3A_180 : vector<16xi32>
      %swap3A_182 = arith.index_cast %add3A_169 : i32 to index
      %swap3A_183 = tpu.vector_load %arg5[%swap3A_182] {strides = array<i32>} : memref<32768xi32, #tpu.memory_space<vmem>>, vector<16xi32>,
      %swap3A_184 = vector.shape_cast %swap3A_183 : vector<16xi32> to vector<16xi32>
      %swap3A_185 = vector.shape_cast %add3A_181 : vector<16xi32> to vector<16xi32>
      tpu.vector_store %arg5[%swap3A_182], %swap3A_185 {strides = array<i32>} : memref<32768xi32, #tpu.memory_space<vmem>>, vector<16xi32>,
      %add3A_186 = arith.constant 128 : i32
      %add3A_187 = arith.addi %mul3A_18, %add3A_186 : i32
      %mul3A_188 = arith.constant 2 : i32
      %mul3A_189 = arith.muli %add3A_15, %mul3A_188 : i32
      %add3A_190 = arith.constant 0 : i32
      %add3A_191 = arith.addi %mul3A_189, %add3A_190 : i32
      %mul3A_192 = arith.constant 8 : i32
      %mul3A_193 = arith.muli %add3A_191, %mul3A_192 : i32
      %add3A_194 = arith.constant 1 : i32
      %add3A_195 = arith.addi %mul3A_193, %add3A_194 : i32
      %mul3A_196 = arith.constant 128 : i32
      %mul3A_197 = arith.muli %add3A_195, %mul3A_196 : i32
      %add3A_198 = arith.constant 0 : i32
      %add3A_199 = arith.addi %mul3A_197, %add3A_198 : i32
      %get3A_200 = arith.index_cast %add3A_199 : i32 to index
      %get3A_201 = tpu.vector_load %arg5[%get3A_200] {strides = array<i32>} : memref<32768xi32, #tpu.memory_space<vmem>>, vector<16xi32>,
      %get3A_202 = vector.shape_cast %get3A_201 : vector<16xi32> to vector<16xi32>
      %shift_right_logical3A_203 = arith.constant 7 : i32
      %shift_right_logical3A_204 = vector.broadcast %shift_right_logical3A_203 : i32 to vector<16xi32>
      %shift_right_logical3A_205 = arith.shrui %get3A_202, %shift_right_logical3A_204 : vector<16xi32>
      %mul3A_206 = arith.constant 896 : i32
      %mul3A_207 = vector.broadcast %mul3A_206 : i32 to vector<16xi32>
      %mul3A_208 = arith.muli %shift_right_logical3A_205, %mul3A_207 : vector<16xi32>
      %add3A_209 = arith.addi %get3A_202, %mul3A_208 : vector<16xi32>
      %add3A_210 = vector.broadcast %add3A_187 : i32 to vector<16xi32>
      %add3A_211 = arith.addi %add3A_209, %add3A_210 : vector<16xi32>
      %swap3A_212 = arith.index_cast %add3A_199 : i32 to index
      %swap3A_213 = tpu.vector_load %arg5[%swap3A_212] {strides = array<i32>} : memref<32768xi32, #tpu.memory_space<vmem>>, vector<16xi32>,
      %swap3A_214 = vector.shape_cast %swap3A_213 : vector<16xi32> to vector<16xi32>
      %swap3A_215 = vector.shape_cast %add3A_211 : vector<16xi32> to vector<16xi32>
      tpu.vector_store %arg5[%swap3A_212], %swap3A_215 {strides = array<i32>} : memref<32768xi32, #tpu.memory_space<vmem>>, vector<16xi32>,
      %mul3A_216 = arith.constant 128 : i32
      %mul3A_217 = arith.muli %add3A_195, %mul3A_216 : i32
      %add3A_218 = arith.constant 16 : i32
      %add3A_219 = arith.addi %mul3A_217, %add3A_218 : i32
      %get3A_220 = arith.index_cast %add3A_219 : i32 to index
      %get3A_221 = tpu.vector_load %arg5[%get3A_220] {strides = array<i32>} : memref<32768xi32, #tpu.memory_space<vmem>>, vector<16xi32>,
      %get3A_222 = vector.shape_cast %get3A_221 : vector<16xi32> to vector<16xi32>
      %shift_right_logical3A_223 = arith.constant 7 : i32
      %shift_right_logical3A_224 = vector.broadcast %shift_right_logical3A_223 : i32 to vector<16xi32>
      %shift_right_logical3A_225 = arith.shrui %get3A_222, %shift_right_logical3A_224 : vector<16xi32>
      %mul3A_226 = arith.constant 896 : i32
      %mul3A_227 = vector.broadcast %mul3A_226 : i32 to vector<16xi32>
      %mul3A_228 = arith.muli %shift_right_logical3A_225, %mul3A_227 : vector<16xi32>
      %add3A_229 = arith.addi %get3A_222, %mul3A_228 : vector<16xi32>
      %add3A_230 = vector.broadcast %add3A_187 : i32 to vector<16xi32>
      %add3A_231 = arith.addi %add3A_229, %add3A_230 : vector<16xi32>
      %swap3A_232 = arith.index_cast %add3A_219 : i32 to index
      %swap3A_233 = tpu.vector_load %arg5[%swap3A_232] {strides = array<i32>} : memref<32768xi32, #tpu.memory_space<vmem>>, vector<16xi32>,
      %swap3A_234 = vector.shape_cast %swap3A_233 : vector<16xi32> to vector<16xi32>
      %swap3A_235 = vector.shape_cast %add3A_231 : vector<16xi32> to vector<16xi32>
      tpu.vector_store %arg5[%swap3A_232], %swap3A_235 {strides = array<i32>} : memref<32768xi32, #tpu.memory_space<vmem>>, vector<16xi32>,
      %mul3A_236 = arith.constant 128 : i32
      %mul3A_237 = arith.muli %add3A_195, %mul3A_236 : i32
      %add3A_238 = arith.constant 32 : i32
      %add3A_239 = arith.addi %mul3A_237, %add3A_238 : i32
      %get3A_240 = arith.index_cast %add3A_239 : i32 to index
      %get3A_241 = tpu.vector_load %arg5[%get3A_240] {strides = array<i32>} : memref<32768xi32, #tpu.memory_space<vmem>>, vector<16xi32>,
      %get3A_242 = vector.shape_cast %get3A_241 : vector<16xi32> to vector<16xi32>
      %shift_right_logical3A_243 = arith.constant 7 : i32
      %shift_right_logical3A_244 = vector.broadcast %shift_right_logical3A_243 : i32 to vector<16xi32>
      %shift_right_logical3A_245 = arith.shrui %get3A_242, %shift_right_logical3A_244 : vector<16xi32>
      %mul3A_246 = arith.constant 896 : i32
      %mul3A_247 = vector.broadcast %mul3A_246 : i32 to vector<16xi32>
      %mul3A_248 = arith.muli %shift_right_logical3A_245, %mul3A_247 : vector<16xi32>
      %add3A_249 = arith.addi %get3A_242, %mul3A_248 : vector<16xi32>
      %add3A_250 = vector.broadcast %add3A_187 : i32 to vector<16xi32>
      %add3A_251 = arith.addi %add3A_249, %add3A_250 : vector<16xi32>
      %swap3A_252 = arith.index_cast %add3A_239 : i32 to index
      %swap3A_253 = tpu.vector_load %arg5[%swap3A_252] {strides = array<i32>} : memref<32768xi32, #tpu.memory_space<vmem>>, vector<16xi32>,
      %swap3A_254 = vector.shape_cast %swap3A_253 : vector<16xi32> to vector<16xi32>
      %swap3A_255 = vector.shape_cast %add3A_251 : vector<16xi32> to vector<16xi32>
      tpu.vector_store %arg5[%swap3A_252], %swap3A_255 {strides = array<i32>} : memref<32768xi32, #tpu.memory_space<vmem>>, vector<16xi32>,
      %mul3A_256 = arith.constant 128 : i32
      %mul3A_257 = arith.muli %add3A_195, %mul3A_256 : i32
      %add3A_258 = arith.constant 48 : i32
      %add3A_259 = arith.addi %mul3A_257, %add3A_258 : i32
      %get3A_260 = arith.index_cast %add3A_259 : i32 to index
      %get3A_261 = tpu.vector_load %arg5[%get3A_260] {strides = array<i32>} : memref<32768xi32, #tpu.memory_space<vmem>>, vector<16xi32>,
      %get3A_262 = vector.shape_cast %get3A_261 : vector<16xi32> to vector<16xi32>
      %shift_right_logical3A_263 = arith.constant 7 : i32
      %shift_right_logical3A_264 = vector.broadcast %shift_right_logical3A_263 : i32 to vector<16xi32>
      %shift_right_logical3A_265 = arith.shrui %get3A_262, %shift_right_logical3A_264 : vector<16xi32>
      %mul3A_266 = arith.constant 896 : i32
      %mul3A_267 = vector.broadcast %mul3A_266 : i32 to vector<16xi32>
      %mul3A_268 = arith.muli %shift_right_logical3A_265, %mul3A_267 : vector<16xi32>
      %add3A_269 = arith.addi %get3A_262, %mul3A_268 : vector<16xi32>
      %add3A_270 = vector.broadcast %add3A_187 : i32 to vector<16xi32>
      %add3A_271 = arith.addi %add3A_269, %add3A_270 : vector<16xi32>
      %swap3A_272 = arith.index_cast %add3A_259 : i32 to index
      %swap3A_273 = tpu.vector_load %arg5[%swap3A_272] {strides = array<i32>} : memref<32768xi32, #tpu.memory_space<vmem>>, vector<16xi32>,
      %swap3A_274 = vector.shape_cast %swap3A_273 : vector<16xi32> to vector<16xi32>
      %swap3A_275 = vector.shape_cast %add3A_271 : vector<16xi32> to vector<16xi32>
      tpu.vector_store %arg5[%swap3A_272], %swap3A_275 {strides = array<i32>} : memref<32768xi32, #tpu.memory_space<vmem>>, vector<16xi32>,
      %mul3A_276 = arith.constant 128 : i32
      %mul3A_277 = arith.muli %add3A_195, %mul3A_276 : i32
      %add3A_278 = arith.constant 64 : i32
      %add3A_279 = arith.addi %mul3A_277, %add3A_278 : i32
      %get3A_280 = arith.index_cast %add3A_279 : i32 to index
      %get3A_281 = tpu.vector_load %arg5[%get3A_280] {strides = array<i32>} : memref<32768xi32, #tpu.memory_space<vmem>>, vector<16xi32>,
      %get3A_282 = vector.shape_cast %get3A_281 : vector<16xi32> to vector<16xi32>
      %shift_right_logical3A_283 = arith.constant 7 : i32
      %shift_right_logical3A_284 = vector.broadcast %shift_right_logical3A_283 : i32 to vector<16xi32>
      %shift_right_logical3A_285 = arith.shrui %get3A_282, %shift_right_logical3A_284 : vector<16xi32>
      %mul3A_286 = arith.constant 896 : i32
      %mul3A_287 = vector.broadcast %mul3A_286 : i32 to vector<16xi32>
      %mul3A_288 = arith.muli %shift_right_logical3A_285, %mul3A_287 : vector<16xi32>
      %add3A_289 = arith.addi %get3A_282, %mul3A_288 : vector<16xi32>
      %add3A_290 = vector.broadcast %add3A_187 : i32 to vector<16xi32>
      %add3A_291 = arith.addi %add3A_289, %add3A_290 : vector<16xi32>
      %swap3A_292 = arith.index_cast %add3A_279 : i32 to index
      %swap3A_293 = tpu.vector_load %arg5[%swap3A_292] {strides = array<i32>} : memref<32768xi32, #tpu.memory_space<vmem>>, vector<16xi32>,
      %swap3A_294 = vector.shape_cast %swap3A_293 : vector<16xi32> to vector<16xi32>
      %swap3A_295 = vector.shape_cast %add3A_291 : vector<16xi32> to vector<16xi32>
      tpu.vector_store %arg5[%swap3A_292], %swap3A_295 {strides = array<i32>} : memref<32768xi32, #tpu.memory_space<vmem>>, vector<16xi32>,
      %mul3A_296 = arith.constant 128 : i32
      %mul3A_297 = arith.muli %add3A_195, %mul3A_296 : i32
      %add3A_298 = arith.constant 80 : i32
      %add3A_299 = arith.addi %mul3A_297, %add3A_298 : i32
      %get3A_300 = arith.index_cast %add3A_299 : i32 to index
      %get3A_301 = tpu.vector_load %arg5[%get3A_300] {strides = array<i32>} : memref<32768xi32, #tpu.memory_space<vmem>>, vector<16xi32>,
      %get3A_302 = vector.shape_cast %get3A_301 : vector<16xi32> to vector<16xi32>
      %shift_right_logical3A_303 = arith.constant 7 : i32
      %shift_right_logical3A_304 = vector.broadcast %shift_right_logical3A_303 : i32 to vector<16xi32>
      %shift_right_logical3A_305 = arith.shrui %get3A_302, %shift_right_logical3A_304 : vector<16xi32>
      %mul3A_306 = arith.constant 896 : i32
      %mul3A_307 = vector.broadcast %mul3A_306 : i32 to vector<16xi32>
      %mul3A_308 = arith.muli %shift_right_logical3A_305, %mul3A_307 : vector<16xi32>
      %add3A_309 = arith.addi %get3A_302, %mul3A_308 : vector<16xi32>
      %add3A_310 = vector.broadcast %add3A_187 : i32 to vector<16xi32>
      %add3A_311 = arith.addi %add3A_309, %add3A_310 : vector<16xi32>
      %swap3A_312 = arith.index_cast %add3A_299 : i32 to index
      %swap3A_313 = tpu.vector_load %arg5[%swap3A_312] {strides = array<i32>} : memref<32768xi32, #tpu.memory_space<vmem>>, vector<16xi32>,
      %swap3A_314 = vector.shape_cast %swap3A_313 : vector<16xi32> to vector<16xi32>
      %swap3A_315 = vector.shape_cast %add3A_311 : vector<16xi32> to vector<16xi32>
      tpu.vector_store %arg5[%swap3A_312], %swap3A_315 {strides = array<i32>} : memref<32768xi32, #tpu.memory_space<vmem>>, vector<16xi32>,
      %mul3A_316 = arith.constant 128 : i32
      %mul3A_317 = arith.muli %add3A_195, %mul3A_316 : i32
      %add3A_318 = arith.constant 96 : i32
      %add3A_319 = arith.addi %mul3A_317, %add3A_318 : i32
      %get3A_320 = arith.index_cast %add3A_319 : i32 to index
      %get3A_321 = tpu.vector_load %arg5[%get3A_320] {strides = array<i32>} : memref<32768xi32, #tpu.memory_space<vmem>>, vector<16xi32>,
      %get3A_322 = vector.shape_cast %get3A_321 : vector<16xi32> to vector<16xi32>
      %shift_right_logical3A_323 = arith.constant 7 : i32
      %shift_right_logical3A_324 = vector.broadcast %shift_right_logical3A_323 : i32 to vector<16xi32>
      %shift_right_logical3A_325 = arith.shrui %get3A_322, %shift_right_logical3A_324 : vector<16xi32>
      %mul3A_326 = arith.constant 896 : i32
      %mul3A_327 = vector.broadcast %mul3A_326 : i32 to vector<16xi32>
      %mul3A_328 = arith.muli %shift_right_logical3A_325, %mul3A_327 : vector<16xi32>
      %add3A_329 = arith.addi %get3A_322, %mul3A_328 : vector<16xi32>
      %add3A_330 = vector.broadcast %add3A_187 : i32 to vector<16xi32>
      %add3A_331 = arith.addi %add3A_329, %add3A_330 : vector<16xi32>
      %swap3A_332 = arith.index_cast %add3A_319 : i32 to index
      %swap3A_333 = tpu.vector_load %arg5[%swap3A_332] {strides = array<i32>} : memref<32768xi32, #tpu.memory_space<vmem>>, vector<16xi32>,
      %swap3A_334 = vector.shape_cast %swap3A_333 : vector<16xi32> to vector<16xi32>
      %swap3A_335 = vector.shape_cast %add3A_331 : vector<16xi32> to vector<16xi32>
      tpu.vector_store %arg5[%swap3A_332], %swap3A_335 {strides = array<i32>} : memref<32768xi32, #tpu.memory_space<vmem>>, vector<16xi32>,
      %mul3A_336 = arith.constant 128 : i32
      %mul3A_337 = arith.muli %add3A_195, %mul3A_336 : i32
      %add3A_338 = arith.constant 112 : i32
      %add3A_339 = arith.addi %mul3A_337, %add3A_338 : i32
      %get3A_340 = arith.index_cast %add3A_339 : i32 to index
      %get3A_341 = tpu.vector_load %arg5[%get3A_340] {strides = array<i32>} : memref<32768xi32, #tpu.memory_space<vmem>>, vector<16xi32>,
      %get3A_342 = vector.shape_cast %get3A_341 : vector<16xi32> to vector<16xi32>
      %shift_right_logical3A_343 = arith.constant 7 : i32
      %shift_right_logical3A_344 = vector.broadcast %shift_right_logical3A_343 : i32 to vector<16xi32>
      %shift_right_logical3A_345 = arith.shrui %get3A_342, %shift_right_logical3A_344 : vector<16xi32>
      %mul3A_346 = arith.constant 896 : i32
      %mul3A_347 = vector.broadcast %mul3A_346 : i32 to vector<16xi32>
      %mul3A_348 = arith.muli %shift_right_logical3A_345, %mul3A_347 : vector<16xi32>
      %add3A_349 = arith.addi %get3A_342, %mul3A_348 : vector<16xi32>
      %add3A_350 = vector.broadcast %add3A_187 : i32 to vector<16xi32>
      %add3A_351 = arith.addi %add3A_349, %add3A_350 : vector<16xi32>
      %swap3A_352 = arith.index_cast %add3A_339 : i32 to index
      %swap3A_353 = tpu.vector_load %arg5[%swap3A_352] {strides = array<i32>} : memref<32768xi32, #tpu.memory_space<vmem>>, vector<16xi32>,
      %swap3A_354 = vector.shape_cast %swap3A_353 : vector<16xi32> to vector<16xi32>
      %swap3A_355 = vector.shape_cast %add3A_351 : vector<16xi32> to vector<16xi32>
      tpu.vector_store %arg5[%swap3A_352], %swap3A_355 {strides = array<i32>} : memref<32768xi32, #tpu.memory_space<vmem>>, vector<16xi32>,
      %add3A_356 = arith.constant 256 : i32
      %add3A_357 = arith.addi %mul3A_18, %add3A_356 : i32
      %mul3A_358 = arith.constant 2 : i32
      %mul3A_359 = arith.muli %add3A_15, %mul3A_358 : i32
      %add3A_360 = arith.constant 0 : i32
      %add3A_361 = arith.addi %mul3A_359, %add3A_360 : i32
      %mul3A_362 = arith.constant 8 : i32
      %mul3A_363 = arith.muli %add3A_361, %mul3A_362 : i32
      %add3A_364 = arith.constant 2 : i32
      %add3A_365 = arith.addi %mul3A_363, %add3A_364 : i32
      %mul3A_366 = arith.constant 128 : i32
      %mul3A_367 = arith.muli %add3A_365, %mul3A_366 : i32
      %add3A_368 = arith.constant 0 : i32
      %add3A_369 = arith.addi %mul3A_367, %add3A_368 : i32
      %get3A_370 = arith.index_cast %add3A_369 : i32 to index
      %get3A_371 = tpu.vector_load %arg5[%get3A_370] {strides = array<i32>} : memref<32768xi32, #tpu.memory_space<vmem>>, vector<16xi32>,
      %get3A_372 = vector.shape_cast %get3A_371 : vector<16xi32> to vector<16xi32>
      %shift_right_logical3A_373 = arith.constant 7 : i32
      %shift_right_logical3A_374 = vector.broadcast %shift_right_logical3A_373 : i32 to vector<16xi32>
      %shift_right_logical3A_375 = arith.shrui %get3A_372, %shift_right_logical3A_374 : vector<16xi32>
      %mul3A_376 = arith.constant 896 : i32
      %mul3A_377 = vector.broadcast %mul3A_376 : i32 to vector<16xi32>
      %mul3A_378 = arith.muli %shift_right_logical3A_375, %mul3A_377 : vector<16xi32>
      %add3A_379 = arith.addi %get3A_372, %mul3A_378 : vector<16xi32>
      %add3A_380 = vector.broadcast %add3A_357 : i32 to vector<16xi32>
      %add3A_381 = arith.addi %add3A_379, %add3A_380 : vector<16xi32>
      %swap3A_382 = arith.index_cast %add3A_369 : i32 to index
      %swap3A_383 = tpu.vector_load %arg5[%swap3A_382] {strides = array<i32>} : memref<32768xi32, #tpu.memory_space<vmem>>, vector<16xi32>,
      %swap3A_384 = vector.shape_cast %swap3A_383 : vector<16xi32> to vector<16xi32>
      %swap3A_385 = vector.shape_cast %add3A_381 : vector<16xi32> to vector<16xi32>
      tpu.vector_store %arg5[%swap3A_382], %swap3A_385 {strides = array<i32>} : memref<32768xi32, #tpu.memory_space<vmem>>, vector<16xi32>,
      %mul3A_386 = arith.constant 128 : i32
      %mul3A_387 = arith.muli %add3A_365, %mul3A_386 : i32
      %add3A_388 = arith.constant 16 : i32
      %add3A_389 = arith.addi %mul3A_387, %add3A_388 : i32
      %get3A_390 = arith.index_cast %add3A_389 : i32 to index
      %get3A_391 = tpu.vector_load %arg5[%get3A_390] {strides = array<i32>} : memref<32768xi32, #tpu.memory_space<vmem>>, vector<16xi32>,
      %get3A_392 = vector.shape_cast %get3A_391 : vector<16xi32> to vector<16xi32>
      %shift_right_logical3A_393 = arith.constant 7 : i32
      %shift_right_logical3A_394 = vector.broadcast %shift_right_logical3A_393 : i32 to vector<16xi32>
      %shift_right_logical3A_395 = arith.shrui %get3A_392, %shift_right_logical3A_394 : vector<16xi32>
      %mul3A_396 = arith.constant 896 : i32
      %mul3A_397 = vector.broadcast %mul3A_396 : i32 to vector<16xi32>
      %mul3A_398 = arith.muli %shift_right_logical3A_395, %mul3A_397 : vector<16xi32>
      %add3A_399 = arith.addi %get3A_392, %mul3A_398 : vector<16xi32>
      %add3A_400 = vector.broadcast %add3A_357 : i32 to vector<16xi32>
      %add3A_401 = arith.addi %add3A_399, %add3A_400 : vector<16xi32>
      %swap3A_402 = arith.index_cast %add3A_389 : i32 to index
      %swap3A_403 = tpu.vector_load %arg5[%swap3A_402] {strides = array<i32>} : memref<32768xi32, #tpu.memory_space<vmem>>, vector<16xi32>,
      %swap3A_404 = vector.shape_cast %swap3A_403 : vector<16xi32> to vector<16xi32>
      %swap3A_405 = vector.shape_cast %add3A_401 : vector<16xi32> to vector<16xi32>
      tpu.vector_store %arg5[%swap3A_402], %swap3A_405 {strides = array<i32>} : memref<32768xi32, #tpu.memory_space<vmem>>, vector<16xi32>,
      %mul3A_406 = arith.constant 128 : i32
      %mul3A_407 = arith.muli %add3A_365, %mul3A_406 : i32
      %add3A_408 = arith.constant 32 : i32
      %add3A_409 = arith.addi %mul3A_407, %add3A_408 : i32
      %get3A_410 = arith.index_cast %add3A_409 : i32 to index
      %get3A_411 = tpu.vector_load %arg5[%get3A_410] {strides = array<i32>} : memref<32768xi32, #tpu.memory_space<vmem>>, vector<16xi32>,
      %get3A_412 = vector.shape_cast %get3A_411 : vector<16xi32> to vector<16xi32>
      %shift_right_logical3A_413 = arith.constant 7 : i32
      %shift_right_logical3A_414 = vector.broadcast %shift_right_logical3A_413 : i32 to vector<16xi32>
      %shift_right_logical3A_415 = arith.shrui %get3A_412, %shift_right_logical3A_414 : vector<16xi32>
      %mul3A_416 = arith.constant 896 : i32
      %mul3A_417 = vector.broadcast %mul3A_416 : i32 to vector<16xi32>
      %mul3A_418 = arith.muli %shift_right_logical3A_415, %mul3A_417 : vector<16xi32>
      %add3A_419 = arith.addi %get3A_412, %mul3A_418 : vector<16xi32>
      %add3A_420 = vector.broadcast %add3A_357 : i32 to vector<16xi32>
      %add3A_421 = arith.addi %add3A_419, %add3A_420 : vector<16xi32>
      %swap3A_422 = arith.index_cast %add3A_409 : i32 to index
      %swap3A_423 = tpu.vector_load %arg5[%swap3A_422] {strides = array<i32>} : memref<32768xi32, #tpu.memory_space<vmem>>, vector<16xi32>,
      %swap3A_424 = vector.shape_cast %swap3A_423 : vector<16xi32> to vector<16xi32>
      %swap3A_425 = vector.shape_cast %add3A_421 : vector<16xi32> to vector<16xi32>
      tpu.vector_store %arg5[%swap3A_422], %swap3A_425 {strides = array<i32>} : memref<32768xi32, #tpu.memory_space<vmem>>, vector<16xi32>,
      %mul3A_426 = arith.constant 128 : i32
      %mul3A_427 = arith.muli %add3A_365, %mul3A_426 : i32
      %add3A_428 = arith.constant 48 : i32
      %add3A_429 = arith.addi %mul3A_427, %add3A_428 : i32
      %get3A_430 = arith.index_cast %add3A_429 : i32 to index
      %get3A_431 = tpu.vector_load %arg5[%get3A_430] {strides = array<i32>} : memref<32768xi32, #tpu.memory_space<vmem>>, vector<16xi32>,
      %get3A_432 = vector.shape_cast %get3A_431 : vector<16xi32> to vector<16xi32>
      %shift_right_logical3A_433 = arith.constant 7 : i32
      %shift_right_logical3A_434 = vector.broadcast %shift_right_logical3A_433 : i32 to vector<16xi32>
      %shift_right_logical3A_435 = arith.shrui %get3A_432, %shift_right_logical3A_434 : vector<16xi32>
      %mul3A_436 = arith.constant 896 : i32
      %mul3A_437 = vector.broadcast %mul3A_436 : i32 to vector<16xi32>
      %mul3A_438 = arith.muli %shift_right_logical3A_435, %mul3A_437 : vector<16xi32>
      %add3A_439 = arith.addi %get3A_432, %mul3A_438 : vector<16xi32>
      %add3A_440 = vector.broadcast %add3A_357 : i32 to vector<16xi32>
      %add3A_441 = arith.addi %add3A_439, %add3A_440 : vector<16xi32>
      %swap3A_442 = arith.index_cast %add3A_429 : i32 to index
      %swap3A_443 = tpu.vector_load %arg5[%swap3A_442] {strides = array<i32>} : memref<32768xi32, #tpu.memory_space<vmem>>, vector<16xi32>,
      %swap3A_444 = vector.shape_cast %swap3A_443 : vector<16xi32> to vector<16xi32>
      %swap3A_445 = vector.shape_cast %add3A_441 : vector<16xi32> to vector<16xi32>
      tpu.vector_store %arg5[%swap3A_442], %swap3A_445 {strides = array<i32>} : memref<32768xi32, #tpu.memory_space<vmem>>, vector<16xi32>,
      %mul3A_446 = arith.constant 128 : i32
      %mul3A_447 = arith.muli %add3A_365, %mul3A_446 : i32
      %add3A_448 = arith.constant 64 : i32
      %add3A_449 = arith.addi %mul3A_447, %add3A_448 : i32
      %get3A_450 = arith.index_cast %add3A_449 : i32 to index
      %get3A_451 = tpu.vector_load %arg5[%get3A_450] {strides = array<i32>} : memref<32768xi32, #tpu.memory_space<vmem>>, vector<16xi32>,
      %get3A_452 = vector.shape_cast %get3A_451 : vector<16xi32> to vector<16xi32>
      %shift_right_logical3A_453 = arith.constant 7 : i32
      %shift_right_logical3A_454 = vector.broadcast %shift_right_logical3A_453 : i32 to vector<16xi32>
      %shift_right_logical3A_455 = arith.shrui %get3A_452, %shift_right_logical3A_454 : vector<16xi32>
      %mul3A_456 = arith.constant 896 : i32
      %mul3A_457 = vector.broadcast %mul3A_456 : i32 to vector<16xi32>
      %mul3A_458 = arith.muli %shift_right_logical3A_455, %mul3A_457 : vector<16xi32>
      %add3A_459 = arith.addi %get3A_452, %mul3A_458 : vector<16xi32>
      %add3A_460 = vector.broadcast %add3A_357 : i32 to vector<16xi32>
      %add3A_461 = arith.addi %add3A_459, %add3A_460 : vector<16xi32>
      %swap3A_462 = arith.index_cast %add3A_449 : i32 to index
      %swap3A_463 = tpu.vector_load %arg5[%swap3A_462] {strides = array<i32>} : memref<32768xi32, #tpu.memory_space<vmem>>, vector<16xi32>,
      %swap3A_464 = vector.shape_cast %swap3A_463 : vector<16xi32> to vector<16xi32>
      %swap3A_465 = vector.shape_cast %add3A_461 : vector<16xi32> to vector<16xi32>
      tpu.vector_store %arg5[%swap3A_462], %swap3A_465 {strides = array<i32>} : memref<32768xi32, #tpu.memory_space<vmem>>, vector<16xi32>,
      %mul3A_466 = arith.constant 128 : i32
      %mul3A_467 = arith.muli %add3A_365, %mul3A_466 : i32
      %add3A_468 = arith.constant 80 : i32
      %add3A_469 = arith.addi %mul3A_467, %add3A_468 : i32
      %get3A_470 = arith.index_cast %add3A_469 : i32 to index
      %get3A_471 = tpu.vector_load %arg5[%get3A_470] {strides = array<i32>} : memref<32768xi32, #tpu.memory_space<vmem>>, vector<16xi32>,
      %get3A_472 = vector.shape_cast %get3A_471 : vector<16xi32> to vector<16xi32>
      %shift_right_logical3A_473 = arith.constant 7 : i32
      %shift_right_logical3A_474 = vector.broadcast %shift_right_logical3A_473 : i32 to vector<16xi32>
      %shift_right_logical3A_475 = arith.shrui %get3A_472, %shift_right_logical3A_474 : vector<16xi32>
      %mul3A_476 = arith.constant 896 : i32
      %mul3A_477 = vector.broadcast %mul3A_476 : i32 to vector<16xi32>
      %mul3A_478 = arith.muli %shift_right_logical3A_475, %mul3A_477 : vector<16xi32>
      %add3A_479 = arith.addi %get3A_472, %mul3A_478 : vector<16xi32>
      %add3A_480 = vector.broadcast %add3A_357 : i32 to vector<16xi32>
      %add3A_481 = arith.addi %add3A_479, %add3A_480 : vector<16xi32>
      %swap3A_482 = arith.index_cast %add3A_469 : i32 to index
      %swap3A_483 = tpu.vector_load %arg5[%swap3A_482] {strides = array<i32>} : memref<32768xi32, #tpu.memory_space<vmem>>, vector<16xi32>,
      %swap3A_484 = vector.shape_cast %swap3A_483 : vector<16xi32> to vector<16xi32>
      %swap3A_485 = vector.shape_cast %add3A_481 : vector<16xi32> to vector<16xi32>
      tpu.vector_store %arg5[%swap3A_482], %swap3A_485 {strides = array<i32>} : memref<32768xi32, #tpu.memory_space<vmem>>, vector<16xi32>,
      %mul3A_486 = arith.constant 128 : i32
      %mul3A_487 = arith.muli %add3A_365, %mul3A_486 : i32
      %add3A_488 = arith.constant 96 : i32
      %add3A_489 = arith.addi %mul3A_487, %add3A_488 : i32
      %get3A_490 = arith.index_cast %add3A_489 : i32 to index
      %get3A_491 = tpu.vector_load %arg5[%get3A_490] {strides = array<i32>} : memref<32768xi32, #tpu.memory_space<vmem>>, vector<16xi32>,
      %get3A_492 = vector.shape_cast %get3A_491 : vector<16xi32> to vector<16xi32>
      %shift_right_logical3A_493 = arith.constant 7 : i32
      %shift_right_logical3A_494 = vector.broadcast %shift_right_logical3A_493 : i32 to vector<16xi32>
      %shift_right_logical3A_495 = arith.shrui %get3A_492, %shift_right_logical3A_494 : vector<16xi32>
      %mul3A_496 = arith.constant 896 : i32
      %mul3A_497 = vector.broadcast %mul3A_496 : i32 to vector<16xi32>
      %mul3A_498 = arith.muli %shift_right_logical3A_495, %mul3A_497 : vector<16xi32>
      %add3A_499 = arith.addi %get3A_492, %mul3A_498 : vector<16xi32>
      %add3A_500 = vector.broadcast %add3A_357 : i32 to vector<16xi32>
      %add3A_501 = arith.addi %add3A_499, %add3A_500 : vector<16xi32>
      %swap3A_502 = arith.index_cast %add3A_489 : i32 to index
      %swap3A_503 = tpu.vector_load %arg5[%swap3A_502] {strides = array<i32>} : memref<32768xi32, #tpu.memory_space<vmem>>, vector<16xi32>,
      %swap3A_504 = vector.shape_cast %swap3A_503 : vector<16xi32> to vector<16xi32>
      %swap3A_505 = vector.shape_cast %add3A_501 : vector<16xi32> to vector<16xi32>
      tpu.vector_store %arg5[%swap3A_502], %swap3A_505 {strides = array<i32>} : memref<32768xi32, #tpu.memory_space<vmem>>, vector<16xi32>,
      %mul3A_506 = arith.constant 128 : i32
      %mul3A_507 = arith.muli %add3A_365, %mul3A_506 : i32
      %add3A_508 = arith.constant 112 : i32
      %add3A_509 = arith.addi %mul3A_507, %add3A_508 : i32
      %get3A_510 = arith.index_cast %add3A_509 : i32 to index
      %get3A_511 = tpu.vector_load %arg5[%get3A_510] {strides = array<i32>} : memref<32768xi32, #tpu.memory_space<vmem>>, vector<16xi32>,
      %get3A_512 = vector.shape_cast %get3A_511 : vector<16xi32> to vector<16xi32>
      %shift_right_logical3A_513 = arith.constant 7 : i32
      %shift_right_logical3A_514 = vector.broadcast %shift_right_logical3A_513 : i32 to vector<16xi32>
      %shift_right_logical3A_515 = arith.shrui %get3A_512, %shift_right_logical3A_514 : vector<16xi32>
      %mul3A_516 = arith.constant 896 : i32
      %mul3A_517 = vector.broadcast %mul3A_516 : i32 to vector<16xi32>
      %mul3A_518 = arith.muli %shift_right_logical3A_515, %mul3A_517 : vector<16xi32>
      %add3A_519 = arith.addi %get3A_512, %mul3A_518 : vector<16xi32>
      %add3A_520 = vector.broadcast %add3A_357 : i32 to vector<16xi32>
      %add3A_521 = arith.addi %add3A_519, %add3A_520 : vector<16xi32>
      %swap3A_522 = arith.index_cast %add3A_509 : i32 to index
      %swap3A_523 = tpu.vector_load %arg5[%swap3A_522] {strides = array<i32>} : memref<32768xi32, #tpu.memory_space<vmem>>, vector<16xi32>,
      %swap3A_524 = vector.shape_cast %swap3A_523 : vector<16xi32> to vector<16xi32>
      %swap3A_525 = vector.shape_cast %add3A_521 : vector<16xi32> to vector<16xi32>
      tpu.vector_store %arg5[%swap3A_522], %swap3A_525 {strides = array<i32>} : memref<32768xi32, #tpu.memory_space<vmem>>, vector<16xi32>,
      %add3A_526 = arith.constant 384 : i32
      %add3A_527 = arith.addi %mul3A_18, %add3A_526 : i32
      %mul3A_528 = arith.constant 2 : i32
      %mul3A_529 = arith.muli %add3A_15, %mul3A_528 : i32
      %add3A_530 = arith.constant 0 : i32
      %add3A_531 = arith.addi %mul3A_529, %add3A_530 : i32
      %mul3A_532 = arith.constant 8 : i32
      %mul3A_533 = arith.muli %add3A_531, %mul3A_532 : i32
      %add3A_534 = arith.constant 3 : i32
      %add3A_535 = arith.addi %mul3A_533, %add3A_534 : i32
      %mul3A_536 = arith.constant 128 : i32
      %mul3A_537 = arith.muli %add3A_535, %mul3A_536 : i32
      %add3A_538 = arith.constant 0 : i32
      %add3A_539 = arith.addi %mul3A_537, %add3A_538 : i32
      %get3A_540 = arith.index_cast %add3A_539 : i32 to index
      %get3A_541 = tpu.vector_load %arg5[%get3A_540] {strides = array<i32>} : memref<32768xi32, #tpu.memory_space<vmem>>, vector<16xi32>,
      %get3A_542 = vector.shape_cast %get3A_541 : vector<16xi32> to vector<16xi32>
      %shift_right_logical3A_543 = arith.constant 7 : i32
      %shift_right_logical3A_544 = vector.broadcast %shift_right_logical3A_543 : i32 to vector<16xi32>
      %shift_right_logical3A_545 = arith.shrui %get3A_542, %shift_right_logical3A_544 : vector<16xi32>
      %mul3A_546 = arith.constant 896 : i32
      %mul3A_547 = vector.broadcast %mul3A_546 : i32 to vector<16xi32>
      %mul3A_548 = arith.muli %shift_right_logical3A_545, %mul3A_547 : vector<16xi32>
      %add3A_549 = arith.addi %get3A_542, %mul3A_548 : vector<16xi32>
      %add3A_550 = vector.broadcast %add3A_527 : i32 to vector<16xi32>
      %add3A_551 = arith.addi %add3A_549, %add3A_550 : vector<16xi32>
      %swap3A_552 = arith.index_cast %add3A_539 : i32 to index
      %swap3A_553 = tpu.vector_load %arg5[%swap3A_552] {strides = array<i32>} : memref<32768xi32, #tpu.memory_space<vmem>>, vector<16xi32>,
      %swap3A_554 = vector.shape_cast %swap3A_553 : vector<16xi32> to vector<16xi32>
      %swap3A_555 = vector.shape_cast %add3A_551 : vector<16xi32> to vector<16xi32>
      tpu.vector_store %arg5[%swap3A_552], %swap3A_555 {strides = array<i32>} : memref<32768xi32, #tpu.memory_space<vmem>>, vector<16xi32>,
      %mul3A_556 = arith.constant 128 : i32
      %mul3A_557 = arith.muli %add3A_535, %mul3A_556 : i32
      %add3A_558 = arith.constant 16 : i32
      %add3A_559 = arith.addi %mul3A_557, %add3A_558 : i32
      %get3A_560 = arith.index_cast %add3A_559 : i32 to index
      %get3A_561 = tpu.vector_load %arg5[%get3A_560] {strides = array<i32>} : memref<32768xi32, #tpu.memory_space<vmem>>, vector<16xi32>,
      %get3A_562 = vector.shape_cast %get3A_561 : vector<16xi32> to vector<16xi32>
      %shift_right_logical3A_563 = arith.constant 7 : i32
      %shift_right_logical3A_564 = vector.broadcast %shift_right_logical3A_563 : i32 to vector<16xi32>
      %shift_right_logical3A_565 = arith.shrui %get3A_562, %shift_right_logical3A_564 : vector<16xi32>
      %mul3A_566 = arith.constant 896 : i32
      %mul3A_567 = vector.broadcast %mul3A_566 : i32 to vector<16xi32>
      %mul3A_568 = arith.muli %shift_right_logical3A_565, %mul3A_567 : vector<16xi32>
      %add3A_569 = arith.addi %get3A_562, %mul3A_568 : vector<16xi32>
      %add3A_570 = vector.broadcast %add3A_527 : i32 to vector<16xi32>
      %add3A_571 = arith.addi %add3A_569, %add3A_570 : vector<16xi32>
      %swap3A_572 = arith.index_cast %add3A_559 : i32 to index
      %swap3A_573 = tpu.vector_load %arg5[%swap3A_572] {strides = array<i32>} : memref<32768xi32, #tpu.memory_space<vmem>>, vector<16xi32>,
      %swap3A_574 = vector.shape_cast %swap3A_573 : vector<16xi32> to vector<16xi32>
      %swap3A_575 = vector.shape_cast %add3A_571 : vector<16xi32> to vector<16xi32>
      tpu.vector_store %arg5[%swap3A_572], %swap3A_575 {strides = array<i32>} : memref<32768xi32, #tpu.memory_space<vmem>>, vector<16xi32>,
      %mul3A_576 = arith.constant 128 : i32
      %mul3A_577 = arith.muli %add3A_535, %mul3A_576 : i32
      %add3A_578 = arith.constant 32 : i32
      %add3A_579 = arith.addi %mul3A_577, %add3A_578 : i32
      %get3A_580 = arith.index_cast %add3A_579 : i32 to index
      %get3A_581 = tpu.vector_load %arg5[%get3A_580] {strides = array<i32>} : memref<32768xi32, #tpu.memory_space<vmem>>, vector<16xi32>,
      %get3A_582 = vector.shape_cast %get3A_581 : vector<16xi32> to vector<16xi32>
      %shift_right_logical3A_583 = arith.constant 7 : i32
      %shift_right_logical3A_584 = vector.broadcast %shift_right_logical3A_583 : i32 to vector<16xi32>
      %shift_right_logical3A_585 = arith.shrui %get3A_582, %shift_right_logical3A_584 : vector<16xi32>
      %mul3A_586 = arith.constant 896 : i32
      %mul3A_587 = vector.broadcast %mul3A_586 : i32 to vector<16xi32>
      %mul3A_588 = arith.muli %shift_right_logical3A_585, %mul3A_587 : vector<16xi32>
      %add3A_589 = arith.addi %get3A_582, %mul3A_588 : vector<16xi32>
      %add3A_590 = vector.broadcast %add3A_527 : i32 to vector<16xi32>
      %add3A_591 = arith.addi %add3A_589, %add3A_590 : vector<16xi32>
      %swap3A_592 = arith.index_cast %add3A_579 : i32 to index
      %swap3A_593 = tpu.vector_load %arg5[%swap3A_592] {strides = array<i32>} : memref<32768xi32, #tpu.memory_space<vmem>>, vector<16xi32>,
      %swap3A_594 = vector.shape_cast %swap3A_593 : vector<16xi32> to vector<16xi32>
      %swap3A_595 = vector.shape_cast %add3A_591 : vector<16xi32> to vector<16xi32>
      tpu.vector_store %arg5[%swap3A_592], %swap3A_595 {strides = array<i32>} : memref<32768xi32, #tpu.memory_space<vmem>>, vector<16xi32>,
      %mul3A_596 = arith.constant 128 : i32
      %mul3A_597 = arith.muli %add3A_535, %mul3A_596 : i32
      %add3A_598 = arith.constant 48 : i32
      %add3A_599 = arith.addi %mul3A_597, %add3A_598 : i32
      %get3A_600 = arith.index_cast %add3A_599 : i32 to index
      %get3A_601 = tpu.vector_load %arg5[%get3A_600] {strides = array<i32>} : memref<32768xi32, #tpu.memory_space<vmem>>, vector<16xi32>,
      %get3A_602 = vector.shape_cast %get3A_601 : vector<16xi32> to vector<16xi32>
      %shift_right_logical3A_603 = arith.constant 7 : i32
      %shift_right_logical3A_604 = vector.broadcast %shift_right_logical3A_603 : i32 to vector<16xi32>
      %shift_right_logical3A_605 = arith.shrui %get3A_602, %shift_right_logical3A_604 : vector<16xi32>
      %mul3A_606 = arith.constant 896 : i32
      %mul3A_607 = vector.broadcast %mul3A_606 : i32 to vector<16xi32>
      %mul3A_608 = arith.muli %shift_right_logical3A_605, %mul3A_607 : vector<16xi32>
      %add3A_609 = arith.addi %get3A_602, %mul3A_608 : vector<16xi32>
      %add3A_610 = vector.broadcast %add3A_527 : i32 to vector<16xi32>
      %add3A_611 = arith.addi %add3A_609, %add3A_610 : vector<16xi32>
      %swap3A_612 = arith.index_cast %add3A_599 : i32 to index
      %swap3A_613 = tpu.vector_load %arg5[%swap3A_612] {strides = array<i32>} : memref<32768xi32, #tpu.memory_space<vmem>>, vector<16xi32>,
      %swap3A_614 = vector.shape_cast %swap3A_613 : vector<16xi32> to vector<16xi32>
      %swap3A_615 = vector.shape_cast %add3A_611 : vector<16xi32> to vector<16xi32>
      tpu.vector_store %arg5[%swap3A_612], %swap3A_615 {strides = array<i32>} : memref<32768xi32, #tpu.memory_space<vmem>>, vector<16xi32>,
      %mul3A_616 = arith.constant 128 : i32
      %mul3A_617 = arith.muli %add3A_535, %mul3A_616 : i32
      %add3A_618 = arith.constant 64 : i32
      %add3A_619 = arith.addi %mul3A_617, %add3A_618 : i32
      %get3A_620 = arith.index_cast %add3A_619 : i32 to index
      %get3A_621 = tpu.vector_load %arg5[%get3A_620] {strides = array<i32>} : memref<32768xi32, #tpu.memory_space<vmem>>, vector<16xi32>,
      %get3A_622 = vector.shape_cast %get3A_621 : vector<16xi32> to vector<16xi32>
      %shift_right_logical3A_623 = arith.constant 7 : i32
      %shift_right_logical3A_624 = vector.broadcast %shift_right_logical3A_623 : i32 to vector<16xi32>
      %shift_right_logical3A_625 = arith.shrui %get3A_622, %shift_right_logical3A_624 : vector<16xi32>
      %mul3A_626 = arith.constant 896 : i32
      %mul3A_627 = vector.broadcast %mul3A_626 : i32 to vector<16xi32>
      %mul3A_628 = arith.muli %shift_right_logical3A_625, %mul3A_627 : vector<16xi32>
      %add3A_629 = arith.addi %get3A_622, %mul3A_628 : vector<16xi32>
      %add3A_630 = vector.broadcast %add3A_527 : i32 to vector<16xi32>
      %add3A_631 = arith.addi %add3A_629, %add3A_630 : vector<16xi32>
      %swap3A_632 = arith.index_cast %add3A_619 : i32 to index
      %swap3A_633 = tpu.vector_load %arg5[%swap3A_632] {strides = array<i32>} : memref<32768xi32, #tpu.memory_space<vmem>>, vector<16xi32>,
      %swap3A_634 = vector.shape_cast %swap3A_633 : vector<16xi32> to vector<16xi32>
      %swap3A_635 = vector.shape_cast %add3A_631 : vector<16xi32> to vector<16xi32>
      tpu.vector_store %arg5[%swap3A_632], %swap3A_635 {strides = array<i32>} : memref<32768xi32, #tpu.memory_space<vmem>>, vector<16xi32>,
      %mul3A_636 = arith.constant 128 : i32
      %mul3A_637 = arith.muli %add3A_535, %mul3A_636 : i32
      %add3A_638 = arith.constant 80 : i32
      %add3A_639 = arith.addi %mul3A_637, %add3A_638 : i32
      %get3A_640 = arith.index_cast %add3A_639 : i32 to index
      %get3A_641 = tpu.vector_load %arg5[%get3A_640] {strides = array<i32>} : memref<32768xi32, #tpu.memory_space<vmem>>, vector<16xi32>,
      %get3A_642 = vector.shape_cast %get3A_641 : vector<16xi32> to vector<16xi32>
      %shift_right_logical3A_643 = arith.constant 7 : i32
      %shift_right_logical3A_644 = vector.broadcast %shift_right_logical3A_643 : i32 to vector<16xi32>
      %shift_right_logical3A_645 = arith.shrui %get3A_642, %shift_right_logical3A_644 : vector<16xi32>
      %mul3A_646 = arith.constant 896 : i32
      %mul3A_647 = vector.broadcast %mul3A_646 : i32 to vector<16xi32>
      %mul3A_648 = arith.muli %shift_right_logical3A_645, %mul3A_647 : vector<16xi32>
      %add3A_649 = arith.addi %get3A_642, %mul3A_648 : vector<16xi32>
      %add3A_650 = vector.broadcast %add3A_527 : i32 to vector<16xi32>
      %add3A_651 = arith.addi %add3A_649, %add3A_650 : vector<16xi32>
      %swap3A_652 = arith.index_cast %add3A_639 : i32 to index
      %swap3A_653 = tpu.vector_load %arg5[%swap3A_652] {strides = array<i32>} : memref<32768xi32, #tpu.memory_space<vmem>>, vector<16xi32>,
      %swap3A_654 = vector.shape_cast %swap3A_653 : vector<16xi32> to vector<16xi32>
      %swap3A_655 = vector.shape_cast %add3A_651 : vector<16xi32> to vector<16xi32>
      tpu.vector_store %arg5[%swap3A_652], %swap3A_655 {strides = array<i32>} : memref<32768xi32, #tpu.memory_space<vmem>>, vector<16xi32>,
      %mul3A_656 = arith.constant 128 : i32
      %mul3A_657 = arith.muli %add3A_535, %mul3A_656 : i32
      %add3A_658 = arith.constant 96 : i32
      %add3A_659 = arith.addi %mul3A_657, %add3A_658 : i32
      %get3A_660 = arith.index_cast %add3A_659 : i32 to index
      %get3A_661 = tpu.vector_load %arg5[%get3A_660] {strides = array<i32>} : memref<32768xi32, #tpu.memory_space<vmem>>, vector<16xi32>,
      %get3A_662 = vector.shape_cast %get3A_661 : vector<16xi32> to vector<16xi32>
      %shift_right_logical3A_663 = arith.constant 7 : i32
      %shift_right_logical3A_664 = vector.broadcast %shift_right_logical3A_663 : i32 to vector<16xi32>
      %shift_right_logical3A_665 = arith.shrui %get3A_662, %shift_right_logical3A_664 : vector<16xi32>
      %mul3A_666 = arith.constant 896 : i32
      %mul3A_667 = vector.broadcast %mul3A_666 : i32 to vector<16xi32>
      %mul3A_668 = arith.muli %shift_right_logical3A_665, %mul3A_667 : vector<16xi32>
      %add3A_669 = arith.addi %get3A_662, %mul3A_668 : vector<16xi32>
      %add3A_670 = vector.broadcast %add3A_527 : i32 to vector<16xi32>
      %add3A_671 = arith.addi %add3A_669, %add3A_670 : vector<16xi32>
      %swap3A_672 = arith.index_cast %add3A_659 : i32 to index
      %swap3A_673 = tpu.vector_load %arg5[%swap3A_672] {strides = array<i32>} : memref<32768xi32, #tpu.memory_space<vmem>>, vector<16xi32>,
      %swap3A_674 = vector.shape_cast %swap3A_673 : vector<16xi32> to vector<16xi32>
      %swap3A_675 = vector.shape_cast %add3A_671 : vector<16xi32> to vector<16xi32>
      tpu.vector_store %arg5[%swap3A_672], %swap3A_675 {strides = array<i32>} : memref<32768xi32, #tpu.memory_space<vmem>>, vector<16xi32>,
      %mul3A_676 = arith.constant 128 : i32
      %mul3A_677 = arith.muli %add3A_535, %mul3A_676 : i32
      %add3A_678 = arith.constant 112 : i32
      %add3A_679 = arith.addi %mul3A_677, %add3A_678 : i32
      %get3A_680 = arith.index_cast %add3A_679 : i32 to index
      %get3A_681 = tpu.vector_load %arg5[%get3A_680] {strides = array<i32>} : memref<32768xi32, #tpu.memory_space<vmem>>, vector<16xi32>,
      %get3A_682 = vector.shape_cast %get3A_681 : vector<16xi32> to vector<16xi32>
      %shift_right_logical3A_683 = arith.constant 7 : i32
      %shift_right_logical3A_684 = vector.broadcast %shift_right_logical3A_683 : i32 to vector<16xi32>
      %shift_right_logical3A_685 = arith.shrui %get3A_682, %shift_right_logical3A_684 : vector<16xi32>
      %mul3A_686 = arith.constant 896 : i32
      %mul3A_687 = vector.broadcast %mul3A_686 : i32 to vector<16xi32>
      %mul3A_688 = arith.muli %shift_right_logical3A_685, %mul3A_687 : vector<16xi32>
      %add3A_689 = arith.addi %get3A_682, %mul3A_688 : vector<16xi32>
      %add3A_690 = vector.broadcast %add3A_527 : i32 to vector<16xi32>
      %add3A_691 = arith.addi %add3A_689, %add3A_690 : vector<16xi32>
      %swap3A_692 = arith.index_cast %add3A_679 : i32 to index
      %swap3A_693 = tpu.vector_load %arg5[%swap3A_692] {strides = array<i32>} : memref<32768xi32, #tpu.memory_space<vmem>>, vector<16xi32>,
      %swap3A_694 = vector.shape_cast %swap3A_693 : vector<16xi32> to vector<16xi32>
      %swap3A_695 = vector.shape_cast %add3A_691 : vector<16xi32> to vector<16xi32>
      tpu.vector_store %arg5[%swap3A_692], %swap3A_695 {strides = array<i32>} : memref<32768xi32, #tpu.memory_space<vmem>>, vector<16xi32>,
      %add3A_696 = arith.constant 512 : i32
      %add3A_697 = arith.addi %mul3A_18, %add3A_696 : i32
      %mul3A_698 = arith.constant 2 : i32
      %mul3A_699 = arith.muli %add3A_15, %mul3A_698 : i32
      %add3A_700 = arith.constant 0 : i32
      %add3A_701 = arith.addi %mul3A_699, %add3A_700 : i32
      %mul3A_702 = arith.constant 8 : i32
      %mul3A_703 = arith.muli %add3A_701, %mul3A_702 : i32
      %add3A_704 = arith.constant 4 : i32
      %add3A_705 = arith.addi %mul3A_703, %add3A_704 : i32
      %mul3A_706 = arith.constant 128 : i32
      %mul3A_707 = arith.muli %add3A_705, %mul3A_706 : i32
      %add3A_708 = arith.constant 0 : i32
      %add3A_709 = arith.addi %mul3A_707, %add3A_708 : i32
      %get3A_710 = arith.index_cast %add3A_709 : i32 to index
      %get3A_711 = tpu.vector_load %arg5[%get3A_710] {strides = array<i32>} : memref<32768xi32, #tpu.memory_space<vmem>>, vector<16xi32>,
      %get3A_712 = vector.shape_cast %get3A_711 : vector<16xi32> to vector<16xi32>
      %shift_right_logical3A_713 = arith.constant 7 : i32
      %shift_right_logical3A_714 = vector.broadcast %shift_right_logical3A_713 : i32 to vector<16xi32>
      %shift_right_logical3A_715 = arith.shrui %get3A_712, %shift_right_logical3A_714 : vector<16xi32>
      %mul3A_716 = arith.constant 896 : i32
      %mul3A_717 = vector.broadcast %mul3A_716 : i32 to vector<16xi32>
      %mul3A_718 = arith.muli %shift_right_logical3A_715, %mul3A_717 : vector<16xi32>
      %add3A_719 = arith.addi %get3A_712, %mul3A_718 : vector<16xi32>
      %add3A_720 = vector.broadcast %add3A_697 : i32 to vector<16xi32>
      %add3A_721 = arith.addi %add3A_719, %add3A_720 : vector<16xi32>
      %swap3A_722 = arith.index_cast %add3A_709 : i32 to index
      %swap3A_723 = tpu.vector_load %arg5[%swap3A_722] {strides = array<i32>} : memref<32768xi32, #tpu.memory_space<vmem>>, vector<16xi32>,
      %swap3A_724 = vector.shape_cast %swap3A_723 : vector<16xi32> to vector<16xi32>
      %swap3A_725 = vector.shape_cast %add3A_721 : vector<16xi32> to vector<16xi32>
      tpu.vector_store %arg5[%swap3A_722], %swap3A_725 {strides = array<i32>} : memref<32768xi32, #tpu.memory_space<vmem>>, vector<16xi32>,
      %mul3A_726 = arith.constant 128 : i32
      %mul3A_727 = arith.muli %add3A_705, %mul3A_726 : i32
      %add3A_728 = arith.constant 16 : i32
      %add3A_729 = arith.addi %mul3A_727, %add3A_728 : i32
      %get3A_730 = arith.index_cast %add3A_729 : i32 to index
      %get3A_731 = tpu.vector_load %arg5[%get3A_730] {strides = array<i32>} : memref<32768xi32, #tpu.memory_space<vmem>>, vector<16xi32>,
      %get3A_732 = vector.shape_cast %get3A_731 : vector<16xi32> to vector<16xi32>
      %shift_right_logical3A_733 = arith.constant 7 : i32
      %shift_right_logical3A_734 = vector.broadcast %shift_right_logical3A_733 : i32 to vector<16xi32>
      %shift_right_logical3A_735 = arith.shrui %get3A_732, %shift_right_logical3A_734 : vector<16xi32>
      %mul3A_736 = arith.constant 896 : i32
      %mul3A_737 = vector.broadcast %mul3A_736 : i32 to vector<16xi32>
      %mul3A_738 = arith.muli %shift_right_logical3A_735, %mul3A_737 : vector<16xi32>
      %add3A_739 = arith.addi %get3A_732, %mul3A_738 : vector<16xi32>
      %add3A_740 = vector.broadcast %add3A_697 : i32 to vector<16xi32>
      %add3A_741 = arith.addi %add3A_739, %add3A_740 : vector<16xi32>
      %swap3A_742 = arith.index_cast %add3A_729 : i32 to index
      %swap3A_743 = tpu.vector_load %arg5[%swap3A_742] {strides = array<i32>} : memref<32768xi32, #tpu.memory_space<vmem>>, vector<16xi32>,
      %swap3A_744 = vector.shape_cast %swap3A_743 : vector<16xi32> to vector<16xi32>
      %swap3A_745 = vector.shape_cast %add3A_741 : vector<16xi32> to vector<16xi32>
      tpu.vector_store %arg5[%swap3A_742], %swap3A_745 {strides = array<i32>} : memref<32768xi32, #tpu.memory_space<vmem>>, vector<16xi32>,
      %mul3A_746 = arith.constant 128 : i32
      %mul3A_747 = arith.muli %add3A_705, %mul3A_746 : i32
      %add3A_748 = arith.constant 32 : i32
      %add3A_749 = arith.addi %mul3A_747, %add3A_748 : i32
      %get3A_750 = arith.index_cast %add3A_749 : i32 to index
      %get3A_751 = tpu.vector_load %arg5[%get3A_750] {strides = array<i32>} : memref<32768xi32, #tpu.memory_space<vmem>>, vector<16xi32>,
      %get3A_752 = vector.shape_cast %get3A_751 : vector<16xi32> to vector<16xi32>
      %shift_right_logical3A_753 = arith.constant 7 : i32
      %shift_right_logical3A_754 = vector.broadcast %shift_right_logical3A_753 : i32 to vector<16xi32>
      %shift_right_logical3A_755 = arith.shrui %get3A_752, %shift_right_logical3A_754 : vector<16xi32>
      %mul3A_756 = arith.constant 896 : i32
      %mul3A_757 = vector.broadcast %mul3A_756 : i32 to vector<16xi32>
      %mul3A_758 = arith.muli %shift_right_logical3A_755, %mul3A_757 : vector<16xi32>
      %add3A_759 = arith.addi %get3A_752, %mul3A_758 : vector<16xi32>
      %add3A_760 = vector.broadcast %add3A_697 : i32 to vector<16xi32>
      %add3A_761 = arith.addi %add3A_759, %add3A_760 : vector<16xi32>
      %swap3A_762 = arith.index_cast %add3A_749 : i32 to index
      %swap3A_763 = tpu.vector_load %arg5[%swap3A_762] {strides = array<i32>} : memref<32768xi32, #tpu.memory_space<vmem>>, vector<16xi32>,
      %swap3A_764 = vector.shape_cast %swap3A_763 : vector<16xi32> to vector<16xi32>
      %swap3A_765 = vector.shape_cast %add3A_761 : vector<16xi32> to vector<16xi32>
      tpu.vector_store %arg5[%swap3A_762], %swap3A_765 {strides = array<i32>} : memref<32768xi32, #tpu.memory_space<vmem>>, vector<16xi32>,
      %mul3A_766 = arith.constant 128 : i32
      %mul3A_767 = arith.muli %add3A_705, %mul3A_766 : i32
      %add3A_768 = arith.constant 48 : i32
      %add3A_769 = arith.addi %mul3A_767, %add3A_768 : i32
      %get3A_770 = arith.index_cast %add3A_769 : i32 to index
      %get3A_771 = tpu.vector_load %arg5[%get3A_770] {strides = array<i32>} : memref<32768xi32, #tpu.memory_space<vmem>>, vector<16xi32>,
      %get3A_772 = vector.shape_cast %get3A_771 : vector<16xi32> to vector<16xi32>
      %shift_right_logical3A_773 = arith.constant 7 : i32
      %shift_right_logical3A_774 = vector.broadcast %shift_right_logical3A_773 : i32 to vector<16xi32>
      %shift_right_logical3A_775 = arith.shrui %get3A_772, %shift_right_logical3A_774 : vector<16xi32>
      %mul3A_776 = arith.constant 896 : i32
      %mul3A_777 = vector.broadcast %mul3A_776 : i32 to vector<16xi32>
      %mul3A_778 = arith.muli %shift_right_logical3A_775, %mul3A_777 : vector<16xi32>
      %add3A_779 = arith.addi %get3A_772, %mul3A_778 : vector<16xi32>
      %add3A_780 = vector.broadcast %add3A_697 : i32 to vector<16xi32>
      %add3A_781 = arith.addi %add3A_779, %add3A_780 : vector<16xi32>
      %swap3A_782 = arith.index_cast %add3A_769 : i32 to index
      %swap3A_783 = tpu.vector_load %arg5[%swap3A_782] {strides = array<i32>} : memref<32768xi32, #tpu.memory_space<vmem>>, vector<16xi32>,
      %swap3A_784 = vector.shape_cast %swap3A_783 : vector<16xi32> to vector<16xi32>
      %swap3A_785 = vector.shape_cast %add3A_781 : vector<16xi32> to vector<16xi32>
      tpu.vector_store %arg5[%swap3A_782], %swap3A_785 {strides = array<i32>} : memref<32768xi32, #tpu.memory_space<vmem>>, vector<16xi32>,
      %mul3A_786 = arith.constant 128 : i32
      %mul3A_787 = arith.muli %add3A_705, %mul3A_786 : i32
      %add3A_788 = arith.constant 64 : i32
      %add3A_789 = arith.addi %mul3A_787, %add3A_788 : i32
      %get3A_790 = arith.index_cast %add3A_789 : i32 to index
      %get3A_791 = tpu.vector_load %arg5[%get3A_790] {strides = array<i32>} : memref<32768xi32, #tpu.memory_space<vmem>>, vector<16xi32>,
      %get3A_792 = vector.shape_cast %get3A_791 : vector<16xi32> to vector<16xi32>
      %shift_right_logical3A_793 = arith.constant 7 : i32
      %shift_right_logical3A_794 = vector.broadcast %shift_right_logical3A_793 : i32 to vector<16xi32>
      %shift_right_logical3A_795 = arith.shrui %get3A_792, %shift_right_logical3A_794 : vector<16xi32>
      %mul3A_796 = arith.constant 896 : i32
      %mul3A_797 = vector.broadcast %mul3A_796 : i32 to vector<16xi32>
      %mul3A_798 = arith.muli %shift_right_logical3A_795, %mul3A_797 : vector<16xi32>
      %add3A_799 = arith.addi %get3A_792, %mul3A_798 : vector<16xi32>
      %add3A_800 = vector.broadcast %add3A_697 : i32 to vector<16xi32>
      %add3A_801 = arith.addi %add3A_799, %add3A_800 : vector<16xi32>
      %swap3A_802 = arith.index_cast %add3A_789 : i32 to index
      %swap3A_803 = tpu.vector_load %arg5[%swap3A_802] {strides = array<i32>} : memref<32768xi32, #tpu.memory_space<vmem>>, vector<16xi32>,
      %swap3A_804 = vector.shape_cast %swap3A_803 : vector<16xi32> to vector<16xi32>
      %swap3A_805 = vector.shape_cast %add3A_801 : vector<16xi32> to vector<16xi32>
      tpu.vector_store %arg5[%swap3A_802], %swap3A_805 {strides = array<i32>} : memref<32768xi32, #tpu.memory_space<vmem>>, vector<16xi32>,
      %mul3A_806 = arith.constant 128 : i32
      %mul3A_807 = arith.muli %add3A_705, %mul3A_806 : i32
      %add3A_808 = arith.constant 80 : i32
      %add3A_809 = arith.addi %mul3A_807, %add3A_808 : i32
      %get3A_810 = arith.index_cast %add3A_809 : i32 to index
      %get3A_811 = tpu.vector_load %arg5[%get3A_810] {strides = array<i32>} : memref<32768xi32, #tpu.memory_space<vmem>>, vector<16xi32>,
      %get3A_812 = vector.shape_cast %get3A_811 : vector<16xi32> to vector<16xi32>
      %shift_right_logical3A_813 = arith.constant 7 : i32
      %shift_right_logical3A_814 = vector.broadcast %shift_right_logical3A_813 : i32 to vector<16xi32>
      %shift_right_logical3A_815 = arith.shrui %get3A_812, %shift_right_logical3A_814 : vector<16xi32>
      %mul3A_816 = arith.constant 896 : i32
      %mul3A_817 = vector.broadcast %mul3A_816 : i32 to vector<16xi32>
      %mul3A_818 = arith.muli %shift_right_logical3A_815, %mul3A_817 : vector<16xi32>
      %add3A_819 = arith.addi %get3A_812, %mul3A_818 : vector<16xi32>
      %add3A_820 = vector.broadcast %add3A_697 : i32 to vector<16xi32>
      %add3A_821 = arith.addi %add3A_819, %add3A_820 : vector<16xi32>
      %swap3A_822 = arith.index_cast %add3A_809 : i32 to index
      %swap3A_823 = tpu.vector_load %arg5[%swap3A_822] {strides = array<i32>} : memref<32768xi32, #tpu.memory_space<vmem>>, vector<16xi32>,
      %swap3A_824 = vector.shape_cast %swap3A_823 : vector<16xi32> to vector<16xi32>
      %swap3A_825 = vector.shape_cast %add3A_821 : vector<16xi32> to vector<16xi32>
      tpu.vector_store %arg5[%swap3A_822], %swap3A_825 {strides = array<i32>} : memref<32768xi32, #tpu.memory_space<vmem>>, vector<16xi32>,
      %mul3A_826 = arith.constant 128 : i32
      %mul3A_827 = arith.muli %add3A_705, %mul3A_826 : i32
      %add3A_828 = arith.constant 96 : i32
      %add3A_829 = arith.addi %mul3A_827, %add3A_828 : i32
      %get3A_830 = arith.index_cast %add3A_829 : i32 to index
      %get3A_831 = tpu.vector_load %arg5[%get3A_830] {strides = array<i32>} : memref<32768xi32, #tpu.memory_space<vmem>>, vector<16xi32>,
      %get3A_832 = vector.shape_cast %get3A_831 : vector<16xi32> to vector<16xi32>
      %shift_right_logical3A_833 = arith.constant 7 : i32
      %shift_right_logical3A_834 = vector.broadcast %shift_right_logical3A_833 : i32 to vector<16xi32>
      %shift_right_logical3A_835 = arith.shrui %get3A_832, %shift_right_logical3A_834 : vector<16xi32>
      %mul3A_836 = arith.constant 896 : i32
      %mul3A_837 = vector.broadcast %mul3A_836 : i32 to vector<16xi32>
      %mul3A_838 = arith.muli %shift_right_logical3A_835, %mul3A_837 : vector<16xi32>
      %add3A_839 = arith.addi %get3A_832, %mul3A_838 : vector<16xi32>
      %add3A_840 = vector.broadcast %add3A_697 : i32 to vector<16xi32>
      %add3A_841 = arith.addi %add3A_839, %add3A_840 : vector<16xi32>
      %swap3A_842 = arith.index_cast %add3A_829 : i32 to index
      %swap3A_843 = tpu.vector_load %arg5[%swap3A_842] {strides = array<i32>} : memref<32768xi32, #tpu.memory_space<vmem>>, vector<16xi32>,
      %swap3A_844 = vector.shape_cast %swap3A_843 : vector<16xi32> to vector<16xi32>
      %swap3A_845 = vector.shape_cast %add3A_841 : vector<16xi32> to vector<16xi32>
      tpu.vector_store %arg5[%swap3A_842], %swap3A_845 {strides = array<i32>} : memref<32768xi32, #tpu.memory_space<vmem>>, vector<16xi32>,
      %mul3A_846 = arith.constant 128 : i32
      %mul3A_847 = arith.muli %add3A_705, %mul3A_846 : i32
      %add3A_848 = arith.constant 112 : i32
      %add3A_849 = arith.addi %mul3A_847, %add3A_848 : i32
      %get3A_850 = arith.index_cast %add3A_849 : i32 to index
      %get3A_851 = tpu.vector_load %arg5[%get3A_850] {strides = array<i32>} : memref<32768xi32, #tpu.memory_space<vmem>>, vector<16xi32>,
      %get3A_852 = vector.shape_cast %get3A_851 : vector<16xi32> to vector<16xi32>
      %shift_right_logical3A_853 = arith.constant 7 : i32
      %shift_right_logical3A_854 = vector.broadcast %shift_right_logical3A_853 : i32 to vector<16xi32>
      %shift_right_logical3A_855 = arith.shrui %get3A_852, %shift_right_logical3A_854 : vector<16xi32>
      %mul3A_856 = arith.constant 896 : i32
      %mul3A_857 = vector.broadcast %mul3A_856 : i32 to vector<16xi32>
      %mul3A_858 = arith.muli %shift_right_logical3A_855, %mul3A_857 : vector<16xi32>
      %add3A_859 = arith.addi %get3A_852, %mul3A_858 : vector<16xi32>
      %add3A_860 = vector.broadcast %add3A_697 : i32 to vector<16xi32>
      %add3A_861 = arith.addi %add3A_859, %add3A_860 : vector<16xi32>
      %swap3A_862 = arith.index_cast %add3A_849 : i32 to index
      %swap3A_863 = tpu.vector_load %arg5[%swap3A_862] {strides = array<i32>} : memref<32768xi32, #tpu.memory_space<vmem>>, vector<16xi32>,
      %swap3A_864 = vector.shape_cast %swap3A_863 : vector<16xi32> to vector<16xi32>
      %swap3A_865 = vector.shape_cast %add3A_861 : vector<16xi32> to vector<16xi32>
      tpu.vector_store %arg5[%swap3A_862], %swap3A_865 {strides = array<i32>} : memref<32768xi32, #tpu.memory_space<vmem>>, vector<16xi32>,
      %add3A_866 = arith.constant 640 : i32
      %add3A_867 = arith.addi %mul3A_18, %add3A_866 : i32
      %mul3A_868 = arith.constant 2 : i32
      %mul3A_869 = arith.muli %add3A_15, %mul3A_868 : i32
      %add3A_870 = arith.constant 0 : i32
      %add3A_871 = arith.addi %mul3A_869, %add3A_870 : i32
      %mul3A_872 = arith.constant 8 : i32
      %mul3A_873 = arith.muli %add3A_871, %mul3A_872 : i32
      %add3A_874 = arith.constant 5 : i32
      %add3A_875 = arith.addi %mul3A_873, %add3A_874 : i32
      %mul3A_876 = arith.constant 128 : i32
      %mul3A_877 = arith.muli %add3A_875, %mul3A_876 : i32
      %add3A_878 = arith.constant 0 : i32
      %add3A_879 = arith.addi %mul3A_877, %add3A_878 : i32
      %get3A_880 = arith.index_cast %add3A_879 : i32 to index
      %get3A_881 = tpu.vector_load %arg5[%get3A_880] {strides = array<i32>} : memref<32768xi32, #tpu.memory_space<vmem>>, vector<16xi32>,
      %get3A_882 = vector.shape_cast %get3A_881 : vector<16xi32> to vector<16xi32>
      %shift_right_logical3A_883 = arith.constant 7 : i32
      %shift_right_logical3A_884 = vector.broadcast %shift_right_logical3A_883 : i32 to vector<16xi32>
      %shift_right_logical3A_885 = arith.shrui %get3A_882, %shift_right_logical3A_884 : vector<16xi32>
      %mul3A_886 = arith.constant 896 : i32
      %mul3A_887 = vector.broadcast %mul3A_886 : i32 to vector<16xi32>
      %mul3A_888 = arith.muli %shift_right_logical3A_885, %mul3A_887 : vector<16xi32>
      %add3A_889 = arith.addi %get3A_882, %mul3A_888 : vector<16xi32>
      %add3A_890 = vector.broadcast %add3A_867 : i32 to vector<16xi32>
      %add3A_891 = arith.addi %add3A_889, %add3A_890 : vector<16xi32>
      %swap3A_892 = arith.index_cast %add3A_879 : i32 to index
      %swap3A_893 = tpu.vector_load %arg5[%swap3A_892] {strides = array<i32>} : memref<32768xi32, #tpu.memory_space<vmem>>, vector<16xi32>,
      %swap3A_894 = vector.shape_cast %swap3A_893 : vector<16xi32> to vector<16xi32>
      %swap3A_895 = vector.shape_cast %add3A_891 : vector<16xi32> to vector<16xi32>
      tpu.vector_store %arg5[%swap3A_892], %swap3A_895 {strides = array<i32>} : memref<32768xi32, #tpu.memory_space<vmem>>, vector<16xi32>,
      %mul3A_896 = arith.constant 128 : i32
      %mul3A_897 = arith.muli %add3A_875, %mul3A_896 : i32
      %add3A_898 = arith.constant 16 : i32
      %add3A_899 = arith.addi %mul3A_897, %add3A_898 : i32
      %get3A_900 = arith.index_cast %add3A_899 : i32 to index
      %get3A_901 = tpu.vector_load %arg5[%get3A_900] {strides = array<i32>} : memref<32768xi32, #tpu.memory_space<vmem>>, vector<16xi32>,
      %get3A_902 = vector.shape_cast %get3A_901 : vector<16xi32> to vector<16xi32>
      %shift_right_logical3A_903 = arith.constant 7 : i32
      %shift_right_logical3A_904 = vector.broadcast %shift_right_logical3A_903 : i32 to vector<16xi32>
      %shift_right_logical3A_905 = arith.shrui %get3A_902, %shift_right_logical3A_904 : vector<16xi32>
      %mul3A_906 = arith.constant 896 : i32
      %mul3A_907 = vector.broadcast %mul3A_906 : i32 to vector<16xi32>
      %mul3A_908 = arith.muli %shift_right_logical3A_905, %mul3A_907 : vector<16xi32>
      %add3A_909 = arith.addi %get3A_902, %mul3A_908 : vector<16xi32>
      %add3A_910 = vector.broadcast %add3A_867 : i32 to vector<16xi32>
      %add3A_911 = arith.addi %add3A_909, %add3A_910 : vector<16xi32>
      %swap3A_912 = arith.index_cast %add3A_899 : i32 to index
      %swap3A_913 = tpu.vector_load %arg5[%swap3A_912] {strides = array<i32>} : memref<32768xi32, #tpu.memory_space<vmem>>, vector<16xi32>,
      %swap3A_914 = vector.shape_cast %swap3A_913 : vector<16xi32> to vector<16xi32>
      %swap3A_915 = vector.shape_cast %add3A_911 : vector<16xi32> to vector<16xi32>
      tpu.vector_store %arg5[%swap3A_912], %swap3A_915 {strides = array<i32>} : memref<32768xi32, #tpu.memory_space<vmem>>, vector<16xi32>,
      %mul3A_916 = arith.constant 128 : i32
      %mul3A_917 = arith.muli %add3A_875, %mul3A_916 : i32
      %add3A_918 = arith.constant 32 : i32
      %add3A_919 = arith.addi %mul3A_917, %add3A_918 : i32
      %get3A_920 = arith.index_cast %add3A_919 : i32 to index
      %get3A_921 = tpu.vector_load %arg5[%get3A_920] {strides = array<i32>} : memref<32768xi32, #tpu.memory_space<vmem>>, vector<16xi32>,
      %get3A_922 = vector.shape_cast %get3A_921 : vector<16xi32> to vector<16xi32>
      %shift_right_logical3A_923 = arith.constant 7 : i32
      %shift_right_logical3A_924 = vector.broadcast %shift_right_logical3A_923 : i32 to vector<16xi32>
      %shift_right_logical3A_925 = arith.shrui %get3A_922, %shift_right_logical3A_924 : vector<16xi32>
      %mul3A_926 = arith.constant 896 : i32
      %mul3A_927 = vector.broadcast %mul3A_926 : i32 to vector<16xi32>
      %mul3A_928 = arith.muli %shift_right_logical3A_925, %mul3A_927 : vector<16xi32>
      %add3A_929 = arith.addi %get3A_922, %mul3A_928 : vector<16xi32>
      %add3A_930 = vector.broadcast %add3A_867 : i32 to vector<16xi32>
      %add3A_931 = arith.addi %add3A_929, %add3A_930 : vector<16xi32>
      %swap3A_932 = arith.index_cast %add3A_919 : i32 to index
      %swap3A_933 = tpu.vector_load %arg5[%swap3A_932] {strides = array<i32>} : memref<32768xi32, #tpu.memory_space<vmem>>, vector<16xi32>,
      %swap3A_934 = vector.shape_cast %swap3A_933 : vector<16xi32> to vector<16xi32>
      %swap3A_935 = vector.shape_cast %add3A_931 : vector<16xi32> to vector<16xi32>
      tpu.vector_store %arg5[%swap3A_932], %swap3A_935 {strides = array<i32>} : memref<32768xi32, #tpu.memory_space<vmem>>, vector<16xi32>,
      %mul3A_936 = arith.constant 128 : i32
      %mul3A_937 = arith.muli %add3A_875, %mul3A_936 : i32
      %add3A_938 = arith.constant 48 : i32
      %add3A_939 = arith.addi %mul3A_937, %add3A_938 : i32
      %get3A_940 = arith.index_cast %add3A_939 : i32 to index
      %get3A_941 = tpu.vector_load %arg5[%get3A_940] {strides = array<i32>} : memref<32768xi32, #tpu.memory_space<vmem>>, vector<16xi32>,
      %get3A_942 = vector.shape_cast %get3A_941 : vector<16xi32> to vector<16xi32>
      %shift_right_logical3A_943 = arith.constant 7 : i32
      %shift_right_logical3A_944 = vector.broadcast %shift_right_logical3A_943 : i32 to vector<16xi32>
      %shift_right_logical3A_945 = arith.shrui %get3A_942, %shift_right_logical3A_944 : vector<16xi32>
      %mul3A_946 = arith.constant 896 : i32
      %mul3A_947 = vector.broadcast %mul3A_946 : i32 to vector<16xi32>
      %mul3A_948 = arith.muli %shift_right_logical3A_945, %mul3A_947 : vector<16xi32>
      %add3A_949 = arith.addi %get3A_942, %mul3A_948 : vector<16xi32>
      %add3A_950 = vector.broadcast %add3A_867 : i32 to vector<16xi32>
      %add3A_951 = arith.addi %add3A_949, %add3A_950 : vector<16xi32>
      %swap3A_952 = arith.index_cast %add3A_939 : i32 to index
      %swap3A_953 = tpu.vector_load %arg5[%swap3A_952] {strides = array<i32>} : memref<32768xi32, #tpu.memory_space<vmem>>, vector<16xi32>,
      %swap3A_954 = vector.shape_cast %swap3A_953 : vector<16xi32> to vector<16xi32>
      %swap3A_955 = vector.shape_cast %add3A_951 : vector<16xi32> to vector<16xi32>
      tpu.vector_store %arg5[%swap3A_952], %swap3A_955 {strides = array<i32>} : memref<32768xi32, #tpu.memory_space<vmem>>, vector<16xi32>,
      %mul3A_956 = arith.constant 128 : i32
      %mul3A_957 = arith.muli %add3A_875, %mul3A_956 : i32
      %add3A_958 = arith.constant 64 : i32
      %add3A_959 = arith.addi %mul3A_957, %add3A_958 : i32
      %get3A_960 = arith.index_cast %add3A_959 : i32 to index
      %get3A_961 = tpu.vector_load %arg5[%get3A_960] {strides = array<i32>} : memref<32768xi32, #tpu.memory_space<vmem>>, vector<16xi32>,
      %get3A_962 = vector.shape_cast %get3A_961 : vector<16xi32> to vector<16xi32>
      %shift_right_logical3A_963 = arith.constant 7 : i32
      %shift_right_logical3A_964 = vector.broadcast %shift_right_logical3A_963 : i32 to vector<16xi32>
      %shift_right_logical3A_965 = arith.shrui %get3A_962, %shift_right_logical3A_964 : vector<16xi32>
      %mul3A_966 = arith.constant 896 : i32
      %mul3A_967 = vector.broadcast %mul3A_966 : i32 to vector<16xi32>
      %mul3A_968 = arith.muli %shift_right_logical3A_965, %mul3A_967 : vector<16xi32>
      %add3A_969 = arith.addi %get3A_962, %mul3A_968 : vector<16xi32>
      %add3A_970 = vector.broadcast %add3A_867 : i32 to vector<16xi32>
      %add3A_971 = arith.addi %add3A_969, %add3A_970 : vector<16xi32>
      %swap3A_972 = arith.index_cast %add3A_959 : i32 to index
      %swap3A_973 = tpu.vector_load %arg5[%swap3A_972] {strides = array<i32>} : memref<32768xi32, #tpu.memory_space<vmem>>, vector<16xi32>,
      %swap3A_974 = vector.shape_cast %swap3A_973 : vector<16xi32> to vector<16xi32>
      %swap3A_975 = vector.shape_cast %add3A_971 : vector<16xi32> to vector<16xi32>
      tpu.vector_store %arg5[%swap3A_972], %swap3A_975 {strides = array<i32>} : memref<32768xi32, #tpu.memory_space<vmem>>, vector<16xi32>,
      %mul3A_976 = arith.constant 128 : i32
      %mul3A_977 = arith.muli %add3A_875, %mul3A_976 : i32
      %add3A_978 = arith.constant 80 : i32
      %add3A_979 = arith.addi %mul3A_977, %add3A_978 : i32
      %get3A_980 = arith.index_cast %add3A_979 : i32 to index
      %get3A_981 = tpu.vector_load %arg5[%get3A_980] {strides = array<i32>} : memref<32768xi32, #tpu.memory_space<vmem>>, vector<16xi32>,
      %get3A_982 = vector.shape_cast %get3A_981 : vector<16xi32> to vector<16xi32>
      %shift_right_logical3A_983 = arith.constant 7 : i32
      %shift_right_logical3A_984 = vector.broadcast %shift_right_logical3A_983 : i32 to vector<16xi32>
      %shift_right_logical3A_985 = arith.shrui %get3A_982, %shift_right_logical3A_984 : vector<16xi32>
      %mul3A_986 = arith.constant 896 : i32
      %mul3A_987 = vector.broadcast %mul3A_986 : i32 to vector<16xi32>
      %mul3A_988 = arith.muli %shift_right_logical3A_985, %mul3A_987 : vector<16xi32>
      %add3A_989 = arith.addi %get3A_982, %mul3A_988 : vector<16xi32>
      %add3A_990 = vector.broadcast %add3A_867 : i32 to vector<16xi32>
      %add3A_991 = arith.addi %add3A_989, %add3A_990 : vector<16xi32>
      %swap3A_992 = arith.index_cast %add3A_979 : i32 to index
      %swap3A_993 = tpu.vector_load %arg5[%swap3A_992] {strides = array<i32>} : memref<32768xi32, #tpu.memory_space<vmem>>, vector<16xi32>,
      %swap3A_994 = vector.shape_cast %swap3A_993 : vector<16xi32> to vector<16xi32>
      %swap3A_995 = vector.shape_cast %add3A_991 : vector<16xi32> to vector<16xi32>
      tpu.vector_store %arg5[%swap3A_992], %swap3A_995 {strides = array<i32>} : memref<32768xi32, #tpu.memory_space<vmem>>, vector<16xi32>,
      %mul3A_996 = arith.constant 128 : i32
      %mul3A_997 = arith.muli %add3A_875, %mul3A_996 : i32
      %add3A_998 = arith.constant 96 : i32
      %add3A_999 = arith.addi %mul3A_997, %add3A_998 : i32
      %get3A_1000 = arith.index_cast %add3A_999 : i32 to index
      %get3A_1001 = tpu.vector_load %arg5[%get3A_1000] {strides = array<i32>} : memref<32768xi32, #tpu.memory_space<vmem>>, vector<16xi32>,
      %get3A_1002 = vector.shape_cast %get3A_1001 : vector<16xi32> to vector<16xi32>
      %shift_right_logical3A_1003 = arith.constant 7 : i32
      %shift_right_logical3A_1004 = vector.broadcast %shift_right_logical3A_1003 : i32 to vector<16xi32>
      %shift_right_logical3A_1005 = arith.shrui %get3A_1002, %shift_right_logical3A_1004 : vector<16xi32>
      %mul3A_1006 = arith.constant 896 : i32
      %mul3A_1007 = vector.broadcast %mul3A_1006 : i32 to vector<16xi32>
      %mul3A_1008 = arith.muli %shift_right_logical3A_1005, %mul3A_1007 : vector<16xi32>
      %add3A_1009 = arith.addi %get3A_1002, %mul3A_1008 : vector<16xi32>
      %add3A_1010 = vector.broadcast %add3A_867 : i32 to vector<16xi32>
      %add3A_1011 = arith.addi %add3A_1009, %add3A_1010 : vector<16xi32>
      %swap3A_1012 = arith.index_cast %add3A_999 : i32 to index
      %swap3A_1013 = tpu.vector_load %arg5[%swap3A_1012] {strides = array<i32>} : memref<32768xi32, #tpu.memory_space<vmem>>, vector<16xi32>,
      %swap3A_1014 = vector.shape_cast %swap3A_1013 : vector<16xi32> to vector<16xi32>
      %swap3A_1015 = vector.shape_cast %add3A_1011 : vector<16xi32> to vector<16xi32>
      tpu.vector_store %arg5[%swap3A_1012], %swap3A_1015 {strides = array<i32>} : memref<32768xi32, #tpu.memory_space<vmem>>, vector<16xi32>,
      %mul3A_1016 = arith.constant 128 : i32
      %mul3A_1017 = arith.muli %add3A_875, %mul3A_1016 : i32
      %add3A_1018 = arith.constant 112 : i32
      %add3A_1019 = arith.addi %mul3A_1017, %add3A_1018 : i32
      %get3A_1020 = arith.index_cast %add3A_1019 : i32 to index
      %get3A_1021 = tpu.vector_load %arg5[%get3A_1020] {strides = array<i32>} : memref<32768xi32, #tpu.memory_space<vmem>>, vector<16xi32>,
      %get3A_1022 = vector.shape_cast %get3A_1021 : vector<16xi32> to vector<16xi32>
      %shift_right_logical3A_1023 = arith.constant 7 : i32
      %shift_right_logical3A_1024 = vector.broadcast %shift_right_logical3A_1023 : i32 to vector<16xi32>
      %shift_right_logical3A_1025 = arith.shrui %get3A_1022, %shift_right_logical3A_1024 : vector<16xi32>
      %mul3A_1026 = arith.constant 896 : i32
      %mul3A_1027 = vector.broadcast %mul3A_1026 : i32 to vector<16xi32>
      %mul3A_1028 = arith.muli %shift_right_logical3A_1025, %mul3A_1027 : vector<16xi32>
      %add3A_1029 = arith.addi %get3A_1022, %mul3A_1028 : vector<16xi32>
      %add3A_1030 = vector.broadcast %add3A_867 : i32 to vector<16xi32>
      %add3A_1031 = arith.addi %add3A_1029, %add3A_1030 : vector<16xi32>
      %swap3A_1032 = arith.index_cast %add3A_1019 : i32 to index
      %swap3A_1033 = tpu.vector_load %arg5[%swap3A_1032] {strides = array<i32>} : memref<32768xi32, #tpu.memory_space<vmem>>, vector<16xi32>,
      %swap3A_1034 = vector.shape_cast %swap3A_1033 : vector<16xi32> to vector<16xi32>
      %swap3A_1035 = vector.shape_cast %add3A_1031 : vector<16xi32> to vector<16xi32>
      tpu.vector_store %arg5[%swap3A_1032], %swap3A_1035 {strides = array<i32>} : memref<32768xi32, #tpu.memory_space<vmem>>, vector<16xi32>,
      %add3A_1036 = arith.constant 768 : i32
      %add3A_1037 = arith.addi %mul3A_18, %add3A_1036 : i32
      %mul3A_1038 = arith.constant 2 : i32
      %mul3A_1039 = arith.muli %add3A_15, %mul3A_1038 : i32
      %add3A_1040 = arith.constant 0 : i32
      %add3A_1041 = arith.addi %mul3A_1039, %add3A_1040 : i32
      %mul3A_1042 = arith.constant 8 : i32
      %mul3A_1043 = arith.muli %add3A_1041, %mul3A_1042 : i32
      %add3A_1044 = arith.constant 6 : i32
      %add3A_1045 = arith.addi %mul3A_1043, %add3A_1044 : i32
      %mul3A_1046 = arith.constant 128 : i32
      %mul3A_1047 = arith.muli %add3A_1045, %mul3A_1046 : i32
      %add3A_1048 = arith.constant 0 : i32
      %add3A_1049 = arith.addi %mul3A_1047, %add3A_1048 : i32
      %get3A_1050 = arith.index_cast %add3A_1049 : i32 to index
      %get3A_1051 = tpu.vector_load %arg5[%get3A_1050] {strides = array<i32>} : memref<32768xi32, #tpu.memory_space<vmem>>, vector<16xi32>,
      %get3A_1052 = vector.shape_cast %get3A_1051 : vector<16xi32> to vector<16xi32>
      %shift_right_logical3A_1053 = arith.constant 7 : i32
      %shift_right_logical3A_1054 = vector.broadcast %shift_right_logical3A_1053 : i32 to vector<16xi32>
      %shift_right_logical3A_1055 = arith.shrui %get3A_1052, %shift_right_logical3A_1054 : vector<16xi32>
      %mul3A_1056 = arith.constant 896 : i32
      %mul3A_1057 = vector.broadcast %mul3A_1056 : i32 to vector<16xi32>
      %mul3A_1058 = arith.muli %shift_right_logical3A_1055, %mul3A_1057 : vector<16xi32>
      %add3A_1059 = arith.addi %get3A_1052, %mul3A_1058 : vector<16xi32>
      %add3A_1060 = vector.broadcast %add3A_1037 : i32 to vector<16xi32>
      %add3A_1061 = arith.addi %add3A_1059, %add3A_1060 : vector<16xi32>
      %swap3A_1062 = arith.index_cast %add3A_1049 : i32 to index
      %swap3A_1063 = tpu.vector_load %arg5[%swap3A_1062] {strides = array<i32>} : memref<32768xi32, #tpu.memory_space<vmem>>, vector<16xi32>,
      %swap3A_1064 = vector.shape_cast %swap3A_1063 : vector<16xi32> to vector<16xi32>
      %swap3A_1065 = vector.shape_cast %add3A_1061 : vector<16xi32> to vector<16xi32>
      tpu.vector_store %arg5[%swap3A_1062], %swap3A_1065 {strides = array<i32>} : memref<32768xi32, #tpu.memory_space<vmem>>, vector<16xi32>,
      %mul3A_1066 = arith.constant 128 : i32
      %mul3A_1067 = arith.muli %add3A_1045, %mul3A_1066 : i32
      %add3A_1068 = arith.constant 16 : i32
      %add3A_1069 = arith.addi %mul3A_1067, %add3A_1068 : i32
      %get3A_1070 = arith.index_cast %add3A_1069 : i32 to index
      %get3A_1071 = tpu.vector_load %arg5[%get3A_1070] {strides = array<i32>} : memref<32768xi32, #tpu.memory_space<vmem>>, vector<16xi32>,
      %get3A_1072 = vector.shape_cast %get3A_1071 : vector<16xi32> to vector<16xi32>
      %shift_right_logical3A_1073 = arith.constant 7 : i32
      %shift_right_logical3A_1074 = vector.broadcast %shift_right_logical3A_1073 : i32 to vector<16xi32>
      %shift_right_logical3A_1075 = arith.shrui %get3A_1072, %shift_right_logical3A_1074 : vector<16xi32>
      %mul3A_1076 = arith.constant 896 : i32
      %mul3A_1077 = vector.broadcast %mul3A_1076 : i32 to vector<16xi32>
      %mul3A_1078 = arith.muli %shift_right_logical3A_1075, %mul3A_1077 : vector<16xi32>
      %add3A_1079 = arith.addi %get3A_1072, %mul3A_1078 : vector<16xi32>
      %add3A_1080 = vector.broadcast %add3A_1037 : i32 to vector<16xi32>
      %add3A_1081 = arith.addi %add3A_1079, %add3A_1080 : vector<16xi32>
      %swap3A_1082 = arith.index_cast %add3A_1069 : i32 to index
      %swap3A_1083 = tpu.vector_load %arg5[%swap3A_1082] {strides = array<i32>} : memref<32768xi32, #tpu.memory_space<vmem>>, vector<16xi32>,
      %swap3A_1084 = vector.shape_cast %swap3A_1083 : vector<16xi32> to vector<16xi32>
      %swap3A_1085 = vector.shape_cast %add3A_1081 : vector<16xi32> to vector<16xi32>
      tpu.vector_store %arg5[%swap3A_1082], %swap3A_1085 {strides = array<i32>} : memref<32768xi32, #tpu.memory_space<vmem>>, vector<16xi32>,
      %mul3A_1086 = arith.constant 128 : i32
      %mul3A_1087 = arith.muli %add3A_1045, %mul3A_1086 : i32
      %add3A_1088 = arith.constant 32 : i32
      %add3A_1089 = arith.addi %mul3A_1087, %add3A_1088 : i32
      %get3A_1090 = arith.index_cast %add3A_1089 : i32 to index
      %get3A_1091 = tpu.vector_load %arg5[%get3A_1090] {strides = array<i32>} : memref<32768xi32, #tpu.memory_space<vmem>>, vector<16xi32>,
      %get3A_1092 = vector.shape_cast %get3A_1091 : vector<16xi32> to vector<16xi32>
      %shift_right_logical3A_1093 = arith.constant 7 : i32
      %shift_right_logical3A_1094 = vector.broadcast %shift_right_logical3A_1093 : i32 to vector<16xi32>
      %shift_right_logical3A_1095 = arith.shrui %get3A_1092, %shift_right_logical3A_1094 : vector<16xi32>
      %mul3A_1096 = arith.constant 896 : i32
      %mul3A_1097 = vector.broadcast %mul3A_1096 : i32 to vector<16xi32>
      %mul3A_1098 = arith.muli %shift_right_logical3A_1095, %mul3A_1097 : vector<16xi32>
      %add3A_1099 = arith.addi %get3A_1092, %mul3A_1098 : vector<16xi32>
      %add3A_1100 = vector.broadcast %add3A_1037 : i32 to vector<16xi32>
      %add3A_1101 = arith.addi %add3A_1099, %add3A_1100 : vector<16xi32>
      %swap3A_1102 = arith.index_cast %add3A_1089 : i32 to index
      %swap3A_1103 = tpu.vector_load %arg5[%swap3A_1102] {strides = array<i32>} : memref<32768xi32, #tpu.memory_space<vmem>>, vector<16xi32>,
      %swap3A_1104 = vector.shape_cast %swap3A_1103 : vector<16xi32> to vector<16xi32>
      %swap3A_1105 = vector.shape_cast %add3A_1101 : vector<16xi32> to vector<16xi32>
      tpu.vector_store %arg5[%swap3A_1102], %swap3A_1105 {strides = array<i32>} : memref<32768xi32, #tpu.memory_space<vmem>>, vector<16xi32>,
      %mul3A_1106 = arith.constant 128 : i32
      %mul3A_1107 = arith.muli %add3A_1045, %mul3A_1106 : i32
      %add3A_1108 = arith.constant 48 : i32
      %add3A_1109 = arith.addi %mul3A_1107, %add3A_1108 : i32
      %get3A_1110 = arith.index_cast %add3A_1109 : i32 to index
      %get3A_1111 = tpu.vector_load %arg5[%get3A_1110] {strides = array<i32>} : memref<32768xi32, #tpu.memory_space<vmem>>, vector<16xi32>,
      %get3A_1112 = vector.shape_cast %get3A_1111 : vector<16xi32> to vector<16xi32>
      %shift_right_logical3A_1113 = arith.constant 7 : i32
      %shift_right_logical3A_1114 = vector.broadcast %shift_right_logical3A_1113 : i32 to vector<16xi32>
      %shift_right_logical3A_1115 = arith.shrui %get3A_1112, %shift_right_logical3A_1114 : vector<16xi32>
      %mul3A_1116 = arith.constant 896 : i32
      %mul3A_1117 = vector.broadcast %mul3A_1116 : i32 to vector<16xi32>
      %mul3A_1118 = arith.muli %shift_right_logical3A_1115, %mul3A_1117 : vector<16xi32>
      %add3A_1119 = arith.addi %get3A_1112, %mul3A_1118 : vector<16xi32>
      %add3A_1120 = vector.broadcast %add3A_1037 : i32 to vector<16xi32>
      %add3A_1121 = arith.addi %add3A_1119, %add3A_1120 : vector<16xi32>
      %swap3A_1122 = arith.index_cast %add3A_1109 : i32 to index
      %swap3A_1123 = tpu.vector_load %arg5[%swap3A_1122] {strides = array<i32>} : memref<32768xi32, #tpu.memory_space<vmem>>, vector<16xi32>,
      %swap3A_1124 = vector.shape_cast %swap3A_1123 : vector<16xi32> to vector<16xi32>
      %swap3A_1125 = vector.shape_cast %add3A_1121 : vector<16xi32> to vector<16xi32>
      tpu.vector_store %arg5[%swap3A_1122], %swap3A_1125 {strides = array<i32>} : memref<32768xi32, #tpu.memory_space<vmem>>, vector<16xi32>,
      %mul3A_1126 = arith.constant 128 : i32
      %mul3A_1127 = arith.muli %add3A_1045, %mul3A_1126 : i32
      %add3A_1128 = arith.constant 64 : i32
      %add3A_1129 = arith.addi %mul3A_1127, %add3A_1128 : i32
      %get3A_1130 = arith.index_cast %add3A_1129 : i32 to index
      %get3A_1131 = tpu.vector_load %arg5[%get3A_1130] {strides = array<i32>} : memref<32768xi32, #tpu.memory_space<vmem>>, vector<16xi32>,
      %get3A_1132 = vector.shape_cast %get3A_1131 : vector<16xi32> to vector<16xi32>
      %shift_right_logical3A_1133 = arith.constant 7 : i32
      %shift_right_logical3A_1134 = vector.broadcast %shift_right_logical3A_1133 : i32 to vector<16xi32>
      %shift_right_logical3A_1135 = arith.shrui %get3A_1132, %shift_right_logical3A_1134 : vector<16xi32>
      %mul3A_1136 = arith.constant 896 : i32
      %mul3A_1137 = vector.broadcast %mul3A_1136 : i32 to vector<16xi32>
      %mul3A_1138 = arith.muli %shift_right_logical3A_1135, %mul3A_1137 : vector<16xi32>
      %add3A_1139 = arith.addi %get3A_1132, %mul3A_1138 : vector<16xi32>
      %add3A_1140 = vector.broadcast %add3A_1037 : i32 to vector<16xi32>
      %add3A_1141 = arith.addi %add3A_1139, %add3A_1140 : vector<16xi32>
      %swap3A_1142 = arith.index_cast %add3A_1129 : i32 to index
      %swap3A_1143 = tpu.vector_load %arg5[%swap3A_1142] {strides = array<i32>} : memref<32768xi32, #tpu.memory_space<vmem>>, vector<16xi32>,
      %swap3A_1144 = vector.shape_cast %swap3A_1143 : vector<16xi32> to vector<16xi32>
      %swap3A_1145 = vector.shape_cast %add3A_1141 : vector<16xi32> to vector<16xi32>
      tpu.vector_store %arg5[%swap3A_1142], %swap3A_1145 {strides = array<i32>} : memref<32768xi32, #tpu.memory_space<vmem>>, vector<16xi32>,
      %mul3A_1146 = arith.constant 128 : i32
      %mul3A_1147 = arith.muli %add3A_1045, %mul3A_1146 : i32
      %add3A_1148 = arith.constant 80 : i32
      %add3A_1149 = arith.addi %mul3A_1147, %add3A_1148 : i32
      %get3A_1150 = arith.index_cast %add3A_1149 : i32 to index
      %get3A_1151 = tpu.vector_load %arg5[%get3A_1150] {strides = array<i32>} : memref<32768xi32, #tpu.memory_space<vmem>>, vector<16xi32>,
      %get3A_1152 = vector.shape_cast %get3A_1151 : vector<16xi32> to vector<16xi32>
      %shift_right_logical3A_1153 = arith.constant 7 : i32
      %shift_right_logical3A_1154 = vector.broadcast %shift_right_logical3A_1153 : i32 to vector<16xi32>
      %shift_right_logical3A_1155 = arith.shrui %get3A_1152, %shift_right_logical3A_1154 : vector<16xi32>
      %mul3A_1156 = arith.constant 896 : i32
      %mul3A_1157 = vector.broadcast %mul3A_1156 : i32 to vector<16xi32>
      %mul3A_1158 = arith.muli %shift_right_logical3A_1155, %mul3A_1157 : vector<16xi32>
      %add3A_1159 = arith.addi %get3A_1152, %mul3A_1158 : vector<16xi32>
      %add3A_1160 = vector.broadcast %add3A_1037 : i32 to vector<16xi32>
      %add3A_1161 = arith.addi %add3A_1159, %add3A_1160 : vector<16xi32>
      %swap3A_1162 = arith.index_cast %add3A_1149 : i32 to index
      %swap3A_1163 = tpu.vector_load %arg5[%swap3A_1162] {strides = array<i32>} : memref<32768xi32, #tpu.memory_space<vmem>>, vector<16xi32>,
      %swap3A_1164 = vector.shape_cast %swap3A_1163 : vector<16xi32> to vector<16xi32>
      %swap3A_1165 = vector.shape_cast %add3A_1161 : vector<16xi32> to vector<16xi32>
      tpu.vector_store %arg5[%swap3A_1162], %swap3A_1165 {strides = array<i32>} : memref<32768xi32, #tpu.memory_space<vmem>>, vector<16xi32>,
      %mul3A_1166 = arith.constant 128 : i32
      %mul3A_1167 = arith.muli %add3A_1045, %mul3A_1166 : i32
      %add3A_1168 = arith.constant 96 : i32
      %add3A_1169 = arith.addi %mul3A_1167, %add3A_1168 : i32
      %get3A_1170 = arith.index_cast %add3A_1169 : i32 to index
      %get3A_1171 = tpu.vector_load %arg5[%get3A_1170] {strides = array<i32>} : memref<32768xi32, #tpu.memory_space<vmem>>, vector<16xi32>,
      %get3A_1172 = vector.shape_cast %get3A_1171 : vector<16xi32> to vector<16xi32>
      %shift_right_logical3A_1173 = arith.constant 7 : i32
      %shift_right_logical3A_1174 = vector.broadcast %shift_right_logical3A_1173 : i32 to vector<16xi32>
      %shift_right_logical3A_1175 = arith.shrui %get3A_1172, %shift_right_logical3A_1174 : vector<16xi32>
      %mul3A_1176 = arith.constant 896 : i32
      %mul3A_1177 = vector.broadcast %mul3A_1176 : i32 to vector<16xi32>
      %mul3A_1178 = arith.muli %shift_right_logical3A_1175, %mul3A_1177 : vector<16xi32>
      %add3A_1179 = arith.addi %get3A_1172, %mul3A_1178 : vector<16xi32>
      %add3A_1180 = vector.broadcast %add3A_1037 : i32 to vector<16xi32>
      %add3A_1181 = arith.addi %add3A_1179, %add3A_1180 : vector<16xi32>
      %swap3A_1182 = arith.index_cast %add3A_1169 : i32 to index
      %swap3A_1183 = tpu.vector_load %arg5[%swap3A_1182] {strides = array<i32>} : memref<32768xi32, #tpu.memory_space<vmem>>, vector<16xi32>,
      %swap3A_1184 = vector.shape_cast %swap3A_1183 : vector<16xi32> to vector<16xi32>
      %swap3A_1185 = vector.shape_cast %add3A_1181 : vector<16xi32> to vector<16xi32>
      tpu.vector_store %arg5[%swap3A_1182], %swap3A_1185 {strides = array<i32>} : memref<32768xi32, #tpu.memory_space<vmem>>, vector<16xi32>,
      %mul3A_1186 = arith.constant 128 : i32
      %mul3A_1187 = arith.muli %add3A_1045, %mul3A_1186 : i32
      %add3A_1188 = arith.constant 112 : i32
      %add3A_1189 = arith.addi %mul3A_1187, %add3A_1188 : i32
      %get3A_1190 = arith.index_cast %add3A_1189 : i32 to index
      %get3A_1191 = tpu.vector_load %arg5[%get3A_1190] {strides = array<i32>} : memref<32768xi32, #tpu.memory_space<vmem>>, vector<16xi32>,
      %get3A_1192 = vector.shape_cast %get3A_1191 : vector<16xi32> to vector<16xi32>
      %shift_right_logical3A_1193 = arith.constant 7 : i32
      %shift_right_logical3A_1194 = vector.broadcast %shift_right_logical3A_1193 : i32 to vector<16xi32>
      %shift_right_logical3A_1195 = arith.shrui %get3A_1192, %shift_right_logical3A_1194 : vector<16xi32>
      %mul3A_1196 = arith.constant 896 : i32
      %mul3A_1197 = vector.broadcast %mul3A_1196 : i32 to vector<16xi32>
      %mul3A_1198 = arith.muli %shift_right_logical3A_1195, %mul3A_1197 : vector<16xi32>
      %add3A_1199 = arith.addi %get3A_1192, %mul3A_1198 : vector<16xi32>
      %add3A_1200 = vector.broadcast %add3A_1037 : i32 to vector<16xi32>
      %add3A_1201 = arith.addi %add3A_1199, %add3A_1200 : vector<16xi32>
      %swap3A_1202 = arith.index_cast %add3A_1189 : i32 to index
      %swap3A_1203 = tpu.vector_load %arg5[%swap3A_1202] {strides = array<i32>} : memref<32768xi32, #tpu.memory_space<vmem>>, vector<16xi32>,
      %swap3A_1204 = vector.shape_cast %swap3A_1203 : vector<16xi32> to vector<16xi32>
      %swap3A_1205 = vector.shape_cast %add3A_1201 : vector<16xi32> to vector<16xi32>
      tpu.vector_store %arg5[%swap3A_1202], %swap3A_1205 {strides = array<i32>} : memref<32768xi32, #tpu.memory_space<vmem>>, vector<16xi32>,
      %add3A_1206 = arith.constant 896 : i32
      %add3A_1207 = arith.addi %mul3A_18, %add3A_1206 : i32
      %mul3A_1208 = arith.constant 2 : i32
      %mul3A_1209 = arith.muli %add3A_15, %mul3A_1208 : i32
      %add3A_1210 = arith.constant 0 : i32
      %add3A_1211 = arith.addi %mul3A_1209, %add3A_1210 : i32
      %mul3A_1212 = arith.constant 8 : i32
      %mul3A_1213 = arith.muli %add3A_1211, %mul3A_1212 : i32
      %add3A_1214 = arith.constant 7 : i32
      %add3A_1215 = arith.addi %mul3A_1213, %add3A_1214 : i32
      %mul3A_1216 = arith.constant 128 : i32
      %mul3A_1217 = arith.muli %add3A_1215, %mul3A_1216 : i32
      %add3A_1218 = arith.constant 0 : i32
      %add3A_1219 = arith.addi %mul3A_1217, %add3A_1218 : i32
      %get3A_1220 = arith.index_cast %add3A_1219 : i32 to index
      %get3A_1221 = tpu.vector_load %arg5[%get3A_1220] {strides = array<i32>} : memref<32768xi32, #tpu.memory_space<vmem>>, vector<16xi32>,
      %get3A_1222 = vector.shape_cast %get3A_1221 : vector<16xi32> to vector<16xi32>
      %shift_right_logical3A_1223 = arith.constant 7 : i32
      %shift_right_logical3A_1224 = vector.broadcast %shift_right_logical3A_1223 : i32 to vector<16xi32>
      %shift_right_logical3A_1225 = arith.shrui %get3A_1222, %shift_right_logical3A_1224 : vector<16xi32>
      %mul3A_1226 = arith.constant 896 : i32
      %mul3A_1227 = vector.broadcast %mul3A_1226 : i32 to vector<16xi32>
      %mul3A_1228 = arith.muli %shift_right_logical3A_1225, %mul3A_1227 : vector<16xi32>
      %add3A_1229 = arith.addi %get3A_1222, %mul3A_1228 : vector<16xi32>
      %add3A_1230 = vector.broadcast %add3A_1207 : i32 to vector<16xi32>
      %add3A_1231 = arith.addi %add3A_1229, %add3A_1230 : vector<16xi32>
      %swap3A_1232 = arith.index_cast %add3A_1219 : i32 to index
      %swap3A_1233 = tpu.vector_load %arg5[%swap3A_1232] {strides = array<i32>} : memref<32768xi32, #tpu.memory_space<vmem>>, vector<16xi32>,
      %swap3A_1234 = vector.shape_cast %swap3A_1233 : vector<16xi32> to vector<16xi32>
      %swap3A_1235 = vector.shape_cast %add3A_1231 : vector<16xi32> to vector<16xi32>
      tpu.vector_store %arg5[%swap3A_1232], %swap3A_1235 {strides = array<i32>} : memref<32768xi32, #tpu.memory_space<vmem>>, vector<16xi32>,
      %mul3A_1236 = arith.constant 128 : i32
      %mul3A_1237 = arith.muli %add3A_1215, %mul3A_1236 : i32
      %add3A_1238 = arith.constant 16 : i32
      %add3A_1239 = arith.addi %mul3A_1237, %add3A_1238 : i32
      %get3A_1240 = arith.index_cast %add3A_1239 : i32 to index
      %get3A_1241 = tpu.vector_load %arg5[%get3A_1240] {strides = array<i32>} : memref<32768xi32, #tpu.memory_space<vmem>>, vector<16xi32>,
      %get3A_1242 = vector.shape_cast %get3A_1241 : vector<16xi32> to vector<16xi32>
      %shift_right_logical3A_1243 = arith.constant 7 : i32
      %shift_right_logical3A_1244 = vector.broadcast %shift_right_logical3A_1243 : i32 to vector<16xi32>
      %shift_right_logical3A_1245 = arith.shrui %get3A_1242, %shift_right_logical3A_1244 : vector<16xi32>
      %mul3A_1246 = arith.constant 896 : i32
      %mul3A_1247 = vector.broadcast %mul3A_1246 : i32 to vector<16xi32>
      %mul3A_1248 = arith.muli %shift_right_logical3A_1245, %mul3A_1247 : vector<16xi32>
      %add3A_1249 = arith.addi %get3A_1242, %mul3A_1248 : vector<16xi32>
      %add3A_1250 = vector.broadcast %add3A_1207 : i32 to vector<16xi32>
      %add3A_1251 = arith.addi %add3A_1249, %add3A_1250 : vector<16xi32>
      %swap3A_1252 = arith.index_cast %add3A_1239 : i32 to index
      %swap3A_1253 = tpu.vector_load %arg5[%swap3A_1252] {strides = array<i32>} : memref<32768xi32, #tpu.memory_space<vmem>>, vector<16xi32>,
      %swap3A_1254 = vector.shape_cast %swap3A_1253 : vector<16xi32> to vector<16xi32>
      %swap3A_1255 = vector.shape_cast %add3A_1251 : vector<16xi32> to vector<16xi32>
      tpu.vector_store %arg5[%swap3A_1252], %swap3A_1255 {strides = array<i32>} : memref<32768xi32, #tpu.memory_space<vmem>>, vector<16xi32>,
      %mul3A_1256 = arith.constant 128 : i32
      %mul3A_1257 = arith.muli %add3A_1215, %mul3A_1256 : i32
      %add3A_1258 = arith.constant 32 : i32
      %add3A_1259 = arith.addi %mul3A_1257, %add3A_1258 : i32
      %get3A_1260 = arith.index_cast %add3A_1259 : i32 to index
      %get3A_1261 = tpu.vector_load %arg5[%get3A_1260] {strides = array<i32>} : memref<32768xi32, #tpu.memory_space<vmem>>, vector<16xi32>,
      %get3A_1262 = vector.shape_cast %get3A_1261 : vector<16xi32> to vector<16xi32>
      %shift_right_logical3A_1263 = arith.constant 7 : i32
      %shift_right_logical3A_1264 = vector.broadcast %shift_right_logical3A_1263 : i32 to vector<16xi32>
      %shift_right_logical3A_1265 = arith.shrui %get3A_1262, %shift_right_logical3A_1264 : vector<16xi32>
      %mul3A_1266 = arith.constant 896 : i32
      %mul3A_1267 = vector.broadcast %mul3A_1266 : i32 to vector<16xi32>
      %mul3A_1268 = arith.muli %shift_right_logical3A_1265, %mul3A_1267 : vector<16xi32>
      %add3A_1269 = arith.addi %get3A_1262, %mul3A_1268 : vector<16xi32>
      %add3A_1270 = vector.broadcast %add3A_1207 : i32 to vector<16xi32>
      %add3A_1271 = arith.addi %add3A_1269, %add3A_1270 : vector<16xi32>
      %swap3A_1272 = arith.index_cast %add3A_1259 : i32 to index
      %swap3A_1273 = tpu.vector_load %arg5[%swap3A_1272] {strides = array<i32>} : memref<32768xi32, #tpu.memory_space<vmem>>, vector<16xi32>,
      %swap3A_1274 = vector.shape_cast %swap3A_1273 : vector<16xi32> to vector<16xi32>
      %swap3A_1275 = vector.shape_cast %add3A_1271 : vector<16xi32> to vector<16xi32>
      tpu.vector_store %arg5[%swap3A_1272], %swap3A_1275 {strides = array<i32>} : memref<32768xi32, #tpu.memory_space<vmem>>, vector<16xi32>,
      %mul3A_1276 = arith.constant 128 : i32
      %mul3A_1277 = arith.muli %add3A_1215, %mul3A_1276 : i32
      %add3A_1278 = arith.constant 48 : i32
      %add3A_1279 = arith.addi %mul3A_1277, %add3A_1278 : i32
      %get3A_1280 = arith.index_cast %add3A_1279 : i32 to index
      %get3A_1281 = tpu.vector_load %arg5[%get3A_1280] {strides = array<i32>} : memref<32768xi32, #tpu.memory_space<vmem>>, vector<16xi32>,
      %get3A_1282 = vector.shape_cast %get3A_1281 : vector<16xi32> to vector<16xi32>
      %shift_right_logical3A_1283 = arith.constant 7 : i32
      %shift_right_logical3A_1284 = vector.broadcast %shift_right_logical3A_1283 : i32 to vector<16xi32>
      %shift_right_logical3A_1285 = arith.shrui %get3A_1282, %shift_right_logical3A_1284 : vector<16xi32>
      %mul3A_1286 = arith.constant 896 : i32
      %mul3A_1287 = vector.broadcast %mul3A_1286 : i32 to vector<16xi32>
      %mul3A_1288 = arith.muli %shift_right_logical3A_1285, %mul3A_1287 : vector<16xi32>
      %add3A_1289 = arith.addi %get3A_1282, %mul3A_1288 : vector<16xi32>
      %add3A_1290 = vector.broadcast %add3A_1207 : i32 to vector<16xi32>
      %add3A_1291 = arith.addi %add3A_1289, %add3A_1290 : vector<16xi32>
      %swap3A_1292 = arith.index_cast %add3A_1279 : i32 to index
      %swap3A_1293 = tpu.vector_load %arg5[%swap3A_1292] {strides = array<i32>} : memref<32768xi32, #tpu.memory_space<vmem>>, vector<16xi32>,
      %swap3A_1294 = vector.shape_cast %swap3A_1293 : vector<16xi32> to vector<16xi32>
      %swap3A_1295 = vector.shape_cast %add3A_1291 : vector<16xi32> to vector<16xi32>
      tpu.vector_store %arg5[%swap3A_1292], %swap3A_1295 {strides = array<i32>} : memref<32768xi32, #tpu.memory_space<vmem>>, vector<16xi32>,
      %mul3A_1296 = arith.constant 128 : i32
      %mul3A_1297 = arith.muli %add3A_1215, %mul3A_1296 : i32
      %add3A_1298 = arith.constant 64 : i32
      %add3A_1299 = arith.addi %mul3A_1297, %add3A_1298 : i32
      %get3A_1300 = arith.index_cast %add3A_1299 : i32 to index
      %get3A_1301 = tpu.vector_load %arg5[%get3A_1300] {strides = array<i32>} : memref<32768xi32, #tpu.memory_space<vmem>>, vector<16xi32>,
      %get3A_1302 = vector.shape_cast %get3A_1301 : vector<16xi32> to vector<16xi32>
      %shift_right_logical3A_1303 = arith.constant 7 : i32
      %shift_right_logical3A_1304 = vector.broadcast %shift_right_logical3A_1303 : i32 to vector<16xi32>
      %shift_right_logical3A_1305 = arith.shrui %get3A_1302, %shift_right_logical3A_1304 : vector<16xi32>
      %mul3A_1306 = arith.constant 896 : i32
      %mul3A_1307 = vector.broadcast %mul3A_1306 : i32 to vector<16xi32>
      %mul3A_1308 = arith.muli %shift_right_logical3A_1305, %mul3A_1307 : vector<16xi32>
      %add3A_1309 = arith.addi %get3A_1302, %mul3A_1308 : vector<16xi32>
      %add3A_1310 = vector.broadcast %add3A_1207 : i32 to vector<16xi32>
      %add3A_1311 = arith.addi %add3A_1309, %add3A_1310 : vector<16xi32>
      %swap3A_1312 = arith.index_cast %add3A_1299 : i32 to index
      %swap3A_1313 = tpu.vector_load %arg5[%swap3A_1312] {strides = array<i32>} : memref<32768xi32, #tpu.memory_space<vmem>>, vector<16xi32>,
      %swap3A_1314 = vector.shape_cast %swap3A_1313 : vector<16xi32> to vector<16xi32>
      %swap3A_1315 = vector.shape_cast %add3A_1311 : vector<16xi32> to vector<16xi32>
      tpu.vector_store %arg5[%swap3A_1312], %swap3A_1315 {strides = array<i32>} : memref<32768xi32, #tpu.memory_space<vmem>>, vector<16xi32>,
      %mul3A_1316 = arith.constant 128 : i32
      %mul3A_1317 = arith.muli %add3A_1215, %mul3A_1316 : i32
      %add3A_1318 = arith.constant 80 : i32
      %add3A_1319 = arith.addi %mul3A_1317, %add3A_1318 : i32
      %get3A_1320 = arith.index_cast %add3A_1319 : i32 to index
      %get3A_1321 = tpu.vector_load %arg5[%get3A_1320] {strides = array<i32>} : memref<32768xi32, #tpu.memory_space<vmem>>, vector<16xi32>,
      %get3A_1322 = vector.shape_cast %get3A_1321 : vector<16xi32> to vector<16xi32>
      %shift_right_logical3A_1323 = arith.constant 7 : i32
      %shift_right_logical3A_1324 = vector.broadcast %shift_right_logical3A_1323 : i32 to vector<16xi32>
      %shift_right_logical3A_1325 = arith.shrui %get3A_1322, %shift_right_logical3A_1324 : vector<16xi32>
      %mul3A_1326 = arith.constant 896 : i32
      %mul3A_1327 = vector.broadcast %mul3A_1326 : i32 to vector<16xi32>
      %mul3A_1328 = arith.muli %shift_right_logical3A_1325, %mul3A_1327 : vector<16xi32>
      %add3A_1329 = arith.addi %get3A_1322, %mul3A_1328 : vector<16xi32>
      %add3A_1330 = vector.broadcast %add3A_1207 : i32 to vector<16xi32>
      %add3A_1331 = arith.addi %add3A_1329, %add3A_1330 : vector<16xi32>
      %swap3A_1332 = arith.index_cast %add3A_1319 : i32 to index
      %swap3A_1333 = tpu.vector_load %arg5[%swap3A_1332] {strides = array<i32>} : memref<32768xi32, #tpu.memory_space<vmem>>, vector<16xi32>,
      %swap3A_1334 = vector.shape_cast %swap3A_1333 : vector<16xi32> to vector<16xi32>
      %swap3A_1335 = vector.shape_cast %add3A_1331 : vector<16xi32> to vector<16xi32>
      tpu.vector_store %arg5[%swap3A_1332], %swap3A_1335 {strides = array<i32>} : memref<32768xi32, #tpu.memory_space<vmem>>, vector<16xi32>,
      %mul3A_1336 = arith.constant 128 : i32
      %mul3A_1337 = arith.muli %add3A_1215, %mul3A_1336 : i32
      %add3A_1338 = arith.constant 96 : i32
      %add3A_1339 = arith.addi %mul3A_1337, %add3A_1338 : i32
      %get3A_1340 = arith.index_cast %add3A_1339 : i32 to index
      %get3A_1341 = tpu.vector_load %arg5[%get3A_1340] {strides = array<i32>} : memref<32768xi32, #tpu.memory_space<vmem>>, vector<16xi32>,
      %get3A_1342 = vector.shape_cast %get3A_1341 : vector<16xi32> to vector<16xi32>
      %shift_right_logical3A_1343 = arith.constant 7 : i32
      %shift_right_logical3A_1344 = vector.broadcast %shift_right_logical3A_1343 : i32 to vector<16xi32>
      %shift_right_logical3A_1345 = arith.shrui %get3A_1342, %shift_right_logical3A_1344 : vector<16xi32>
      %mul3A_1346 = arith.constant 896 : i32
      %mul3A_1347 = vector.broadcast %mul3A_1346 : i32 to vector<16xi32>
      %mul3A_1348 = arith.muli %shift_right_logical3A_1345, %mul3A_1347 : vector<16xi32>
      %add3A_1349 = arith.addi %get3A_1342, %mul3A_1348 : vector<16xi32>
      %add3A_1350 = vector.broadcast %add3A_1207 : i32 to vector<16xi32>
      %add3A_1351 = arith.addi %add3A_1349, %add3A_1350 : vector<16xi32>
      %swap3A_1352 = arith.index_cast %add3A_1339 : i32 to index
      %swap3A_1353 = tpu.vector_load %arg5[%swap3A_1352] {strides = array<i32>} : memref<32768xi32, #tpu.memory_space<vmem>>, vector<16xi32>,
      %swap3A_1354 = vector.shape_cast %swap3A_1353 : vector<16xi32> to vector<16xi32>
      %swap3A_1355 = vector.shape_cast %add3A_1351 : vector<16xi32> to vector<16xi32>
      tpu.vector_store %arg5[%swap3A_1352], %swap3A_1355 {strides = array<i32>} : memref<32768xi32, #tpu.memory_space<vmem>>, vector<16xi32>,
      %mul3A_1356 = arith.constant 128 : i32
      %mul3A_1357 = arith.muli %add3A_1215, %mul3A_1356 : i32
      %add3A_1358 = arith.constant 112 : i32
      %add3A_1359 = arith.addi %mul3A_1357, %add3A_1358 : i32
      %get3A_1360 = arith.index_cast %add3A_1359 : i32 to index
      %get3A_1361 = tpu.vector_load %arg5[%get3A_1360] {strides = array<i32>} : memref<32768xi32, #tpu.memory_space<vmem>>, vector<16xi32>,
      %get3A_1362 = vector.shape_cast %get3A_1361 : vector<16xi32> to vector<16xi32>
      %shift_right_logical3A_1363 = arith.constant 7 : i32
      %shift_right_logical3A_1364 = vector.broadcast %shift_right_logical3A_1363 : i32 to vector<16xi32>
      %shift_right_logical3A_1365 = arith.shrui %get3A_1362, %shift_right_logical3A_1364 : vector<16xi32>
      %mul3A_1366 = arith.constant 896 : i32
      %mul3A_1367 = vector.broadcast %mul3A_1366 : i32 to vector<16xi32>
      %mul3A_1368 = arith.muli %shift_right_logical3A_1365, %mul3A_1367 : vector<16xi32>
      %add3A_1369 = arith.addi %get3A_1362, %mul3A_1368 : vector<16xi32>
      %add3A_1370 = vector.broadcast %add3A_1207 : i32 to vector<16xi32>
      %add3A_1371 = arith.addi %add3A_1369, %add3A_1370 : vector<16xi32>
      %swap3A_1372 = arith.index_cast %add3A_1359 : i32 to index
      %swap3A_1373 = tpu.vector_load %arg5[%swap3A_1372] {strides = array<i32>} : memref<32768xi32, #tpu.memory_space<vmem>>, vector<16xi32>,
      %swap3A_1374 = vector.shape_cast %swap3A_1373 : vector<16xi32> to vector<16xi32>
      %swap3A_1375 = vector.shape_cast %add3A_1371 : vector<16xi32> to vector<16xi32>
      tpu.vector_store %arg5[%swap3A_1372], %swap3A_1375 {strides = array<i32>} : memref<32768xi32, #tpu.memory_space<vmem>>, vector<16xi32>,
      %add3A_1376 = arith.constant 0 : i32
      %add3A_1377 = arith.addi %mul3A_18, %add3A_1376 : i32
      %mul3A_1378 = arith.constant 2 : i32
      %mul3A_1379 = arith.muli %add3A_15, %mul3A_1378 : i32
      %add3A_1380 = arith.constant 1 : i32
      %add3A_1381 = arith.addi %mul3A_1379, %add3A_1380 : i32
      %mul3A_1382 = arith.constant 8 : i32
      %mul3A_1383 = arith.muli %add3A_1381, %mul3A_1382 : i32
      %add3A_1384 = arith.constant 0 : i32
      %add3A_1385 = arith.addi %mul3A_1383, %add3A_1384 : i32
      %mul3A_1386 = arith.constant 128 : i32
      %mul3A_1387 = arith.muli %add3A_1385, %mul3A_1386 : i32
      %add3A_1388 = arith.constant 0 : i32
      %add3A_1389 = arith.addi %mul3A_1387, %add3A_1388 : i32
      %get3A_1390 = arith.index_cast %add3A_1389 : i32 to index
      %get3A_1391 = tpu.vector_load %arg5[%get3A_1390] {strides = array<i32>} : memref<32768xi32, #tpu.memory_space<vmem>>, vector<16xi32>,
      %get3A_1392 = vector.shape_cast %get3A_1391 : vector<16xi32> to vector<16xi32>
      %shift_right_logical3A_1393 = arith.constant 7 : i32
      %shift_right_logical3A_1394 = vector.broadcast %shift_right_logical3A_1393 : i32 to vector<16xi32>
      %shift_right_logical3A_1395 = arith.shrui %get3A_1392, %shift_right_logical3A_1394 : vector<16xi32>
      %mul3A_1396 = arith.constant 896 : i32
      %mul3A_1397 = vector.broadcast %mul3A_1396 : i32 to vector<16xi32>
      %mul3A_1398 = arith.muli %shift_right_logical3A_1395, %mul3A_1397 : vector<16xi32>
      %add3A_1399 = arith.addi %get3A_1392, %mul3A_1398 : vector<16xi32>
      %add3A_1400 = vector.broadcast %add3A_1377 : i32 to vector<16xi32>
      %add3A_1401 = arith.addi %add3A_1399, %add3A_1400 : vector<16xi32>
      %swap3A_1402 = arith.index_cast %add3A_1389 : i32 to index
      %swap3A_1403 = tpu.vector_load %arg5[%swap3A_1402] {strides = array<i32>} : memref<32768xi32, #tpu.memory_space<vmem>>, vector<16xi32>,
      %swap3A_1404 = vector.shape_cast %swap3A_1403 : vector<16xi32> to vector<16xi32>
      %swap3A_1405 = vector.shape_cast %add3A_1401 : vector<16xi32> to vector<16xi32>
      tpu.vector_store %arg5[%swap3A_1402], %swap3A_1405 {strides = array<i32>} : memref<32768xi32, #tpu.memory_space<vmem>>, vector<16xi32>,
      %mul3A_1406 = arith.constant 128 : i32
      %mul3A_1407 = arith.muli %add3A_1385, %mul3A_1406 : i32
      %add3A_1408 = arith.constant 16 : i32
      %add3A_1409 = arith.addi %mul3A_1407, %add3A_1408 : i32
      %get3A_1410 = arith.index_cast %add3A_1409 : i32 to index
      %get3A_1411 = tpu.vector_load %arg5[%get3A_1410] {strides = array<i32>} : memref<32768xi32, #tpu.memory_space<vmem>>, vector<16xi32>,
      %get3A_1412 = vector.shape_cast %get3A_1411 : vector<16xi32> to vector<16xi32>
      %shift_right_logical3A_1413 = arith.constant 7 : i32
      %shift_right_logical3A_1414 = vector.broadcast %shift_right_logical3A_1413 : i32 to vector<16xi32>
      %shift_right_logical3A_1415 = arith.shrui %get3A_1412, %shift_right_logical3A_1414 : vector<16xi32>
      %mul3A_1416 = arith.constant 896 : i32
      %mul3A_1417 = vector.broadcast %mul3A_1416 : i32 to vector<16xi32>
      %mul3A_1418 = arith.muli %shift_right_logical3A_1415, %mul3A_1417 : vector<16xi32>
      %add3A_1419 = arith.addi %get3A_1412, %mul3A_1418 : vector<16xi32>
      %add3A_1420 = vector.broadcast %add3A_1377 : i32 to vector<16xi32>
      %add3A_1421 = arith.addi %add3A_1419, %add3A_1420 : vector<16xi32>
      %swap3A_1422 = arith.index_cast %add3A_1409 : i32 to index
      %swap3A_1423 = tpu.vector_load %arg5[%swap3A_1422] {strides = array<i32>} : memref<32768xi32, #tpu.memory_space<vmem>>, vector<16xi32>,
      %swap3A_1424 = vector.shape_cast %swap3A_1423 : vector<16xi32> to vector<16xi32>
      %swap3A_1425 = vector.shape_cast %add3A_1421 : vector<16xi32> to vector<16xi32>
      tpu.vector_store %arg5[%swap3A_1422], %swap3A_1425 {strides = array<i32>} : memref<32768xi32, #tpu.memory_space<vmem>>, vector<16xi32>,
      %mul3A_1426 = arith.constant 128 : i32
      %mul3A_1427 = arith.muli %add3A_1385, %mul3A_1426 : i32
      %add3A_1428 = arith.constant 32 : i32
      %add3A_1429 = arith.addi %mul3A_1427, %add3A_1428 : i32
      %get3A_1430 = arith.index_cast %add3A_1429 : i32 to index
      %get3A_1431 = tpu.vector_load %arg5[%get3A_1430] {strides = array<i32>} : memref<32768xi32, #tpu.memory_space<vmem>>, vector<16xi32>,
      %get3A_1432 = vector.shape_cast %get3A_1431 : vector<16xi32> to vector<16xi32>
      %shift_right_logical3A_1433 = arith.constant 7 : i32
      %shift_right_logical3A_1434 = vector.broadcast %shift_right_logical3A_1433 : i32 to vector<16xi32>
      %shift_right_logical3A_1435 = arith.shrui %get3A_1432, %shift_right_logical3A_1434 : vector<16xi32>
      %mul3A_1436 = arith.constant 896 : i32
      %mul3A_1437 = vector.broadcast %mul3A_1436 : i32 to vector<16xi32>
      %mul3A_1438 = arith.muli %shift_right_logical3A_1435, %mul3A_1437 : vector<16xi32>
      %add3A_1439 = arith.addi %get3A_1432, %mul3A_1438 : vector<16xi32>
      %add3A_1440 = vector.broadcast %add3A_1377 : i32 to vector<16xi32>
      %add3A_1441 = arith.addi %add3A_1439, %add3A_1440 : vector<16xi32>
      %swap3A_1442 = arith.index_cast %add3A_1429 : i32 to index
      %swap3A_1443 = tpu.vector_load %arg5[%swap3A_1442] {strides = array<i32>} : memref<32768xi32, #tpu.memory_space<vmem>>, vector<16xi32>,
      %swap3A_1444 = vector.shape_cast %swap3A_1443 : vector<16xi32> to vector<16xi32>
      %swap3A_1445 = vector.shape_cast %add3A_1441 : vector<16xi32> to vector<16xi32>
      tpu.vector_store %arg5[%swap3A_1442], %swap3A_1445 {strides = array<i32>} : memref<32768xi32, #tpu.memory_space<vmem>>, vector<16xi32>,
      %mul3A_1446 = arith.constant 128 : i32
      %mul3A_1447 = arith.muli %add3A_1385, %mul3A_1446 : i32
      %add3A_1448 = arith.constant 48 : i32
      %add3A_1449 = arith.addi %mul3A_1447, %add3A_1448 : i32
      %get3A_1450 = arith.index_cast %add3A_1449 : i32 to index
      %get3A_1451 = tpu.vector_load %arg5[%get3A_1450] {strides = array<i32>} : memref<32768xi32, #tpu.memory_space<vmem>>, vector<16xi32>,
      %get3A_1452 = vector.shape_cast %get3A_1451 : vector<16xi32> to vector<16xi32>
      %shift_right_logical3A_1453 = arith.constant 7 : i32
      %shift_right_logical3A_1454 = vector.broadcast %shift_right_logical3A_1453 : i32 to vector<16xi32>
      %shift_right_logical3A_1455 = arith.shrui %get3A_1452, %shift_right_logical3A_1454 : vector<16xi32>
      %mul3A_1456 = arith.constant 896 : i32
      %mul3A_1457 = vector.broadcast %mul3A_1456 : i32 to vector<16xi32>
      %mul3A_1458 = arith.muli %shift_right_logical3A_1455, %mul3A_1457 : vector<16xi32>
      %add3A_1459 = arith.addi %get3A_1452, %mul3A_1458 : vector<16xi32>
      %add3A_1460 = vector.broadcast %add3A_1377 : i32 to vector<16xi32>
      %add3A_1461 = arith.addi %add3A_1459, %add3A_1460 : vector<16xi32>
      %swap3A_1462 = arith.index_cast %add3A_1449 : i32 to index
      %swap3A_1463 = tpu.vector_load %arg5[%swap3A_1462] {strides = array<i32>} : memref<32768xi32, #tpu.memory_space<vmem>>, vector<16xi32>,
      %swap3A_1464 = vector.shape_cast %swap3A_1463 : vector<16xi32> to vector<16xi32>
      %swap3A_1465 = vector.shape_cast %add3A_1461 : vector<16xi32> to vector<16xi32>
      tpu.vector_store %arg5[%swap3A_1462], %swap3A_1465 {strides = array<i32>} : memref<32768xi32, #tpu.memory_space<vmem>>, vector<16xi32>,
      %mul3A_1466 = arith.constant 128 : i32
      %mul3A_1467 = arith.muli %add3A_1385, %mul3A_1466 : i32
      %add3A_1468 = arith.constant 64 : i32
      %add3A_1469 = arith.addi %mul3A_1467, %add3A_1468 : i32
      %get3A_1470 = arith.index_cast %add3A_1469 : i32 to index
      %get3A_1471 = tpu.vector_load %arg5[%get3A_1470] {strides = array<i32>} : memref<32768xi32, #tpu.memory_space<vmem>>, vector<16xi32>,
      %get3A_1472 = vector.shape_cast %get3A_1471 : vector<16xi32> to vector<16xi32>
      %shift_right_logical3A_1473 = arith.constant 7 : i32
      %shift_right_logical3A_1474 = vector.broadcast %shift_right_logical3A_1473 : i32 to vector<16xi32>
      %shift_right_logical3A_1475 = arith.shrui %get3A_1472, %shift_right_logical3A_1474 : vector<16xi32>
      %mul3A_1476 = arith.constant 896 : i32
      %mul3A_1477 = vector.broadcast %mul3A_1476 : i32 to vector<16xi32>
      %mul3A_1478 = arith.muli %shift_right_logical3A_1475, %mul3A_1477 : vector<16xi32>
      %add3A_1479 = arith.addi %get3A_1472, %mul3A_1478 : vector<16xi32>
      %add3A_1480 = vector.broadcast %add3A_1377 : i32 to vector<16xi32>
      %add3A_1481 = arith.addi %add3A_1479, %add3A_1480 : vector<16xi32>
      %swap3A_1482 = arith.index_cast %add3A_1469 : i32 to index
      %swap3A_1483 = tpu.vector_load %arg5[%swap3A_1482] {strides = array<i32>} : memref<32768xi32, #tpu.memory_space<vmem>>, vector<16xi32>,
      %swap3A_1484 = vector.shape_cast %swap3A_1483 : vector<16xi32> to vector<16xi32>
      %swap3A_1485 = vector.shape_cast %add3A_1481 : vector<16xi32> to vector<16xi32>
      tpu.vector_store %arg5[%swap3A_1482], %swap3A_1485 {strides = array<i32>} : memref<32768xi32, #tpu.memory_space<vmem>>, vector<16xi32>,
      %mul3A_1486 = arith.constant 128 : i32
      %mul3A_1487 = arith.muli %add3A_1385, %mul3A_1486 : i32
      %add3A_1488 = arith.constant 80 : i32
      %add3A_1489 = arith.addi %mul3A_1487, %add3A_1488 : i32
      %get3A_1490 = arith.index_cast %add3A_1489 : i32 to index
      %get3A_1491 = tpu.vector_load %arg5[%get3A_1490] {strides = array<i32>} : memref<32768xi32, #tpu.memory_space<vmem>>, vector<16xi32>,
      %get3A_1492 = vector.shape_cast %get3A_1491 : vector<16xi32> to vector<16xi32>
      %shift_right_logical3A_1493 = arith.constant 7 : i32
      %shift_right_logical3A_1494 = vector.broadcast %shift_right_logical3A_1493 : i32 to vector<16xi32>
      %shift_right_logical3A_1495 = arith.shrui %get3A_1492, %shift_right_logical3A_1494 : vector<16xi32>
      %mul3A_1496 = arith.constant 896 : i32
      %mul3A_1497 = vector.broadcast %mul3A_1496 : i32 to vector<16xi32>
      %mul3A_1498 = arith.muli %shift_right_logical3A_1495, %mul3A_1497 : vector<16xi32>
      %add3A_1499 = arith.addi %get3A_1492, %mul3A_1498 : vector<16xi32>
      %add3A_1500 = vector.broadcast %add3A_1377 : i32 to vector<16xi32>
      %add3A_1501 = arith.addi %add3A_1499, %add3A_1500 : vector<16xi32>
      %swap3A_1502 = arith.index_cast %add3A_1489 : i32 to index
      %swap3A_1503 = tpu.vector_load %arg5[%swap3A_1502] {strides = array<i32>} : memref<32768xi32, #tpu.memory_space<vmem>>, vector<16xi32>,
      %swap3A_1504 = vector.shape_cast %swap3A_1503 : vector<16xi32> to vector<16xi32>
      %swap3A_1505 = vector.shape_cast %add3A_1501 : vector<16xi32> to vector<16xi32>
      tpu.vector_store %arg5[%swap3A_1502], %swap3A_1505 {strides = array<i32>} : memref<32768xi32, #tpu.memory_space<vmem>>, vector<16xi32>,
      %mul3A_1506 = arith.constant 128 : i32
      %mul3A_1507 = arith.muli %add3A_1385, %mul3A_1506 : i32
      %add3A_1508 = arith.constant 96 : i32
      %add3A_1509 = arith.addi %mul3A_1507, %add3A_1508 : i32
      %get3A_1510 = arith.index_cast %add3A_1509 : i32 to index
      %get3A_1511 = tpu.vector_load %arg5[%get3A_1510] {strides = array<i32>} : memref<32768xi32, #tpu.memory_space<vmem>>, vector<16xi32>,
      %get3A_1512 = vector.shape_cast %get3A_1511 : vector<16xi32> to vector<16xi32>
      %shift_right_logical3A_1513 = arith.constant 7 : i32
      %shift_right_logical3A_1514 = vector.broadcast %shift_right_logical3A_1513 : i32 to vector<16xi32>
      %shift_right_logical3A_1515 = arith.shrui %get3A_1512, %shift_right_logical3A_1514 : vector<16xi32>
      %mul3A_1516 = arith.constant 896 : i32
      %mul3A_1517 = vector.broadcast %mul3A_1516 : i32 to vector<16xi32>
      %mul3A_1518 = arith.muli %shift_right_logical3A_1515, %mul3A_1517 : vector<16xi32>
      %add3A_1519 = arith.addi %get3A_1512, %mul3A_1518 : vector<16xi32>
      %add3A_1520 = vector.broadcast %add3A_1377 : i32 to vector<16xi32>
      %add3A_1521 = arith.addi %add3A_1519, %add3A_1520 : vector<16xi32>
      %swap3A_1522 = arith.index_cast %add3A_1509 : i32 to index
      %swap3A_1523 = tpu.vector_load %arg5[%swap3A_1522] {strides = array<i32>} : memref<32768xi32, #tpu.memory_space<vmem>>, vector<16xi32>,
      %swap3A_1524 = vector.shape_cast %swap3A_1523 : vector<16xi32> to vector<16xi32>
      %swap3A_1525 = vector.shape_cast %add3A_1521 : vector<16xi32> to vector<16xi32>
      tpu.vector_store %arg5[%swap3A_1522], %swap3A_1525 {strides = array<i32>} : memref<32768xi32, #tpu.memory_space<vmem>>, vector<16xi32>,
      %mul3A_1526 = arith.constant 128 : i32
      %mul3A_1527 = arith.muli %add3A_1385, %mul3A_1526 : i32
      %add3A_1528 = arith.constant 112 : i32
      %add3A_1529 = arith.addi %mul3A_1527, %add3A_1528 : i32
      %get3A_1530 = arith.index_cast %add3A_1529 : i32 to index
      %get3A_1531 = tpu.vector_load %arg5[%get3A_1530] {strides = array<i32>} : memref<32768xi32, #tpu.memory_space<vmem>>, vector<16xi32>,
      %get3A_1532 = vector.shape_cast %get3A_1531 : vector<16xi32> to vector<16xi32>
      %shift_right_logical3A_1533 = arith.constant 7 : i32
      %shift_right_logical3A_1534 = vector.broadcast %shift_right_logical3A_1533 : i32 to vector<16xi32>
      %shift_right_logical3A_1535 = arith.shrui %get3A_1532, %shift_right_logical3A_1534 : vector<16xi32>
      %mul3A_1536 = arith.constant 896 : i32
      %mul3A_1537 = vector.broadcast %mul3A_1536 : i32 to vector<16xi32>
      %mul3A_1538 = arith.muli %shift_right_logical3A_1535, %mul3A_1537 : vector<16xi32>
      %add3A_1539 = arith.addi %get3A_1532, %mul3A_1538 : vector<16xi32>
      %add3A_1540 = vector.broadcast %add3A_1377 : i32 to vector<16xi32>
      %add3A_1541 = arith.addi %add3A_1539, %add3A_1540 : vector<16xi32>
      %swap3A_1542 = arith.index_cast %add3A_1529 : i32 to index
      %swap3A_1543 = tpu.vector_load %arg5[%swap3A_1542] {strides = array<i32>} : memref<32768xi32, #tpu.memory_space<vmem>>, vector<16xi32>,
      %swap3A_1544 = vector.shape_cast %swap3A_1543 : vector<16xi32> to vector<16xi32>
      %swap3A_1545 = vector.shape_cast %add3A_1541 : vector<16xi32> to vector<16xi32>
      tpu.vector_store %arg5[%swap3A_1542], %swap3A_1545 {strides = array<i32>} : memref<32768xi32, #tpu.memory_space<vmem>>, vector<16xi32>,
      %add3A_1546 = arith.constant 128 : i32
      %add3A_1547 = arith.addi %mul3A_18, %add3A_1546 : i32
      %mul3A_1548 = arith.constant 2 : i32
      %mul3A_1549 = arith.muli %add3A_15, %mul3A_1548 : i32
      %add3A_1550 = arith.constant 1 : i32
      %add3A_1551 = arith.addi %mul3A_1549, %add3A_1550 : i32
      %mul3A_1552 = arith.constant 8 : i32
      %mul3A_1553 = arith.muli %add3A_1551, %mul3A_1552 : i32
      %add3A_1554 = arith.constant 1 : i32
      %add3A_1555 = arith.addi %mul3A_1553, %add3A_1554 : i32
      %mul3A_1556 = arith.constant 128 : i32
      %mul3A_1557 = arith.muli %add3A_1555, %mul3A_1556 : i32
      %add3A_1558 = arith.constant 0 : i32
      %add3A_1559 = arith.addi %mul3A_1557, %add3A_1558 : i32
      %get3A_1560 = arith.index_cast %add3A_1559 : i32 to index
      %get3A_1561 = tpu.vector_load %arg5[%get3A_1560] {strides = array<i32>} : memref<32768xi32, #tpu.memory_space<vmem>>, vector<16xi32>,
      %get3A_1562 = vector.shape_cast %get3A_1561 : vector<16xi32> to vector<16xi32>
      %shift_right_logical3A_1563 = arith.constant 7 : i32
      %shift_right_logical3A_1564 = vector.broadcast %shift_right_logical3A_1563 : i32 to vector<16xi32>
      %shift_right_logical3A_1565 = arith.shrui %get3A_1562, %shift_right_logical3A_1564 : vector<16xi32>
      %mul3A_1566 = arith.constant 896 : i32
      %mul3A_1567 = vector.broadcast %mul3A_1566 : i32 to vector<16xi32>
      %mul3A_1568 = arith.muli %shift_right_logical3A_1565, %mul3A_1567 : vector<16xi32>
      %add3A_1569 = arith.addi %get3A_1562, %mul3A_1568 : vector<16xi32>
      %add3A_1570 = vector.broadcast %add3A_1547 : i32 to vector<16xi32>
      %add3A_1571 = arith.addi %add3A_1569, %add3A_1570 : vector<16xi32>
      %swap3A_1572 = arith.index_cast %add3A_1559 : i32 to index
      %swap3A_1573 = tpu.vector_load %arg5[%swap3A_1572] {strides = array<i32>} : memref<32768xi32, #tpu.memory_space<vmem>>, vector<16xi32>,
      %swap3A_1574 = vector.shape_cast %swap3A_1573 : vector<16xi32> to vector<16xi32>
      %swap3A_1575 = vector.shape_cast %add3A_1571 : vector<16xi32> to vector<16xi32>
      tpu.vector_store %arg5[%swap3A_1572], %swap3A_1575 {strides = array<i32>} : memref<32768xi32, #tpu.memory_space<vmem>>, vector<16xi32>,
      %mul3A_1576 = arith.constant 128 : i32
      %mul3A_1577 = arith.muli %add3A_1555, %mul3A_1576 : i32
      %add3A_1578 = arith.constant 16 : i32
      %add3A_1579 = arith.addi %mul3A_1577, %add3A_1578 : i32
      %get3A_1580 = arith.index_cast %add3A_1579 : i32 to index
      %get3A_1581 = tpu.vector_load %arg5[%get3A_1580] {strides = array<i32>} : memref<32768xi32, #tpu.memory_space<vmem>>, vector<16xi32>,
      %get3A_1582 = vector.shape_cast %get3A_1581 : vector<16xi32> to vector<16xi32>
      %shift_right_logical3A_1583 = arith.constant 7 : i32
      %shift_right_logical3A_1584 = vector.broadcast %shift_right_logical3A_1583 : i32 to vector<16xi32>
      %shift_right_logical3A_1585 = arith.shrui %get3A_1582, %shift_right_logical3A_1584 : vector<16xi32>
      %mul3A_1586 = arith.constant 896 : i32
      %mul3A_1587 = vector.broadcast %mul3A_1586 : i32 to vector<16xi32>
      %mul3A_1588 = arith.muli %shift_right_logical3A_1585, %mul3A_1587 : vector<16xi32>
      %add3A_1589 = arith.addi %get3A_1582, %mul3A_1588 : vector<16xi32>
      %add3A_1590 = vector.broadcast %add3A_1547 : i32 to vector<16xi32>
      %add3A_1591 = arith.addi %add3A_1589, %add3A_1590 : vector<16xi32>
      %swap3A_1592 = arith.index_cast %add3A_1579 : i32 to index
      %swap3A_1593 = tpu.vector_load %arg5[%swap3A_1592] {strides = array<i32>} : memref<32768xi32, #tpu.memory_space<vmem>>, vector<16xi32>,
      %swap3A_1594 = vector.shape_cast %swap3A_1593 : vector<16xi32> to vector<16xi32>
      %swap3A_1595 = vector.shape_cast %add3A_1591 : vector<16xi32> to vector<16xi32>
      tpu.vector_store %arg5[%swap3A_1592], %swap3A_1595 {strides = array<i32>} : memref<32768xi32, #tpu.memory_space<vmem>>, vector<16xi32>,
      %mul3A_1596 = arith.constant 128 : i32
      %mul3A_1597 = arith.muli %add3A_1555, %mul3A_1596 : i32
      %add3A_1598 = arith.constant 32 : i32
      %add3A_1599 = arith.addi %mul3A_1597, %add3A_1598 : i32
      %get3A_1600 = arith.index_cast %add3A_1599 : i32 to index
      %get3A_1601 = tpu.vector_load %arg5[%get3A_1600] {strides = array<i32>} : memref<32768xi32, #tpu.memory_space<vmem>>, vector<16xi32>,
      %get3A_1602 = vector.shape_cast %get3A_1601 : vector<16xi32> to vector<16xi32>
      %shift_right_logical3A_1603 = arith.constant 7 : i32
      %shift_right_logical3A_1604 = vector.broadcast %shift_right_logical3A_1603 : i32 to vector<16xi32>
      %shift_right_logical3A_1605 = arith.shrui %get3A_1602, %shift_right_logical3A_1604 : vector<16xi32>
      %mul3A_1606 = arith.constant 896 : i32
      %mul3A_1607 = vector.broadcast %mul3A_1606 : i32 to vector<16xi32>
      %mul3A_1608 = arith.muli %shift_right_logical3A_1605, %mul3A_1607 : vector<16xi32>
      %add3A_1609 = arith.addi %get3A_1602, %mul3A_1608 : vector<16xi32>
      %add3A_1610 = vector.broadcast %add3A_1547 : i32 to vector<16xi32>
      %add3A_1611 = arith.addi %add3A_1609, %add3A_1610 : vector<16xi32>
      %swap3A_1612 = arith.index_cast %add3A_1599 : i32 to index
      %swap3A_1613 = tpu.vector_load %arg5[%swap3A_1612] {strides = array<i32>} : memref<32768xi32, #tpu.memory_space<vmem>>, vector<16xi32>,
      %swap3A_1614 = vector.shape_cast %swap3A_1613 : vector<16xi32> to vector<16xi32>
      %swap3A_1615 = vector.shape_cast %add3A_1611 : vector<16xi32> to vector<16xi32>
      tpu.vector_store %arg5[%swap3A_1612], %swap3A_1615 {strides = array<i32>} : memref<32768xi32, #tpu.memory_space<vmem>>, vector<16xi32>,
      %mul3A_1616 = arith.constant 128 : i32
      %mul3A_1617 = arith.muli %add3A_1555, %mul3A_1616 : i32
      %add3A_1618 = arith.constant 48 : i32
      %add3A_1619 = arith.addi %mul3A_1617, %add3A_1618 : i32
      %get3A_1620 = arith.index_cast %add3A_1619 : i32 to index
      %get3A_1621 = tpu.vector_load %arg5[%get3A_1620] {strides = array<i32>} : memref<32768xi32, #tpu.memory_space<vmem>>, vector<16xi32>,
      %get3A_1622 = vector.shape_cast %get3A_1621 : vector<16xi32> to vector<16xi32>
      %shift_right_logical3A_1623 = arith.constant 7 : i32
      %shift_right_logical3A_1624 = vector.broadcast %shift_right_logical3A_1623 : i32 to vector<16xi32>
      %shift_right_logical3A_1625 = arith.shrui %get3A_1622, %shift_right_logical3A_1624 : vector<16xi32>
      %mul3A_1626 = arith.constant 896 : i32
      %mul3A_1627 = vector.broadcast %mul3A_1626 : i32 to vector<16xi32>
      %mul3A_1628 = arith.muli %shift_right_logical3A_1625, %mul3A_1627 : vector<16xi32>
      %add3A_1629 = arith.addi %get3A_1622, %mul3A_1628 : vector<16xi32>
      %add3A_1630 = vector.broadcast %add3A_1547 : i32 to vector<16xi32>
      %add3A_1631 = arith.addi %add3A_1629, %add3A_1630 : vector<16xi32>
      %swap3A_1632 = arith.index_cast %add3A_1619 : i32 to index
      %swap3A_1633 = tpu.vector_load %arg5[%swap3A_1632] {strides = array<i32>} : memref<32768xi32, #tpu.memory_space<vmem>>, vector<16xi32>,
      %swap3A_1634 = vector.shape_cast %swap3A_1633 : vector<16xi32> to vector<16xi32>
      %swap3A_1635 = vector.shape_cast %add3A_1631 : vector<16xi32> to vector<16xi32>
      tpu.vector_store %arg5[%swap3A_1632], %swap3A_1635 {strides = array<i32>} : memref<32768xi32, #tpu.memory_space<vmem>>, vector<16xi32>,
      %mul3A_1636 = arith.constant 128 : i32
      %mul3A_1637 = arith.muli %add3A_1555, %mul3A_1636 : i32
      %add3A_1638 = arith.constant 64 : i32
      %add3A_1639 = arith.addi %mul3A_1637, %add3A_1638 : i32
      %get3A_1640 = arith.index_cast %add3A_1639 : i32 to index
      %get3A_1641 = tpu.vector_load %arg5[%get3A_1640] {strides = array<i32>} : memref<32768xi32, #tpu.memory_space<vmem>>, vector<16xi32>,
      %get3A_1642 = vector.shape_cast %get3A_1641 : vector<16xi32> to vector<16xi32>
      %shift_right_logical3A_1643 = arith.constant 7 : i32
      %shift_right_logical3A_1644 = vector.broadcast %shift_right_logical3A_1643 : i32 to vector<16xi32>
      %shift_right_logical3A_1645 = arith.shrui %get3A_1642, %shift_right_logical3A_1644 : vector<16xi32>
      %mul3A_1646 = arith.constant 896 : i32
      %mul3A_1647 = vector.broadcast %mul3A_1646 : i32 to vector<16xi32>
      %mul3A_1648 = arith.muli %shift_right_logical3A_1645, %mul3A_1647 : vector<16xi32>
      %add3A_1649 = arith.addi %get3A_1642, %mul3A_1648 : vector<16xi32>
      %add3A_1650 = vector.broadcast %add3A_1547 : i32 to vector<16xi32>
      %add3A_1651 = arith.addi %add3A_1649, %add3A_1650 : vector<16xi32>
      %swap3A_1652 = arith.index_cast %add3A_1639 : i32 to index
      %swap3A_1653 = tpu.vector_load %arg5[%swap3A_1652] {strides = array<i32>} : memref<32768xi32, #tpu.memory_space<vmem>>, vector<16xi32>,
      %swap3A_1654 = vector.shape_cast %swap3A_1653 : vector<16xi32> to vector<16xi32>
      %swap3A_1655 = vector.shape_cast %add3A_1651 : vector<16xi32> to vector<16xi32>
      tpu.vector_store %arg5[%swap3A_1652], %swap3A_1655 {strides = array<i32>} : memref<32768xi32, #tpu.memory_space<vmem>>, vector<16xi32>,
      %mul3A_1656 = arith.constant 128 : i32
      %mul3A_1657 = arith.muli %add3A_1555, %mul3A_1656 : i32
      %add3A_1658 = arith.constant 80 : i32
      %add3A_1659 = arith.addi %mul3A_1657, %add3A_1658 : i32
      %get3A_1660 = arith.index_cast %add3A_1659 : i32 to index
      %get3A_1661 = tpu.vector_load %arg5[%get3A_1660] {strides = array<i32>} : memref<32768xi32, #tpu.memory_space<vmem>>, vector<16xi32>,
      %get3A_1662 = vector.shape_cast %get3A_1661 : vector<16xi32> to vector<16xi32>
      %shift_right_logical3A_1663 = arith.constant 7 : i32
      %shift_right_logical3A_1664 = vector.broadcast %shift_right_logical3A_1663 : i32 to vector<16xi32>
      %shift_right_logical3A_1665 = arith.shrui %get3A_1662, %shift_right_logical3A_1664 : vector<16xi32>
      %mul3A_1666 = arith.constant 896 : i32
      %mul3A_1667 = vector.broadcast %mul3A_1666 : i32 to vector<16xi32>
      %mul3A_1668 = arith.muli %shift_right_logical3A_1665, %mul3A_1667 : vector<16xi32>
      %add3A_1669 = arith.addi %get3A_1662, %mul3A_1668 : vector<16xi32>
      %add3A_1670 = vector.broadcast %add3A_1547 : i32 to vector<16xi32>
      %add3A_1671 = arith.addi %add3A_1669, %add3A_1670 : vector<16xi32>
      %swap3A_1672 = arith.index_cast %add3A_1659 : i32 to index
      %swap3A_1673 = tpu.vector_load %arg5[%swap3A_1672] {strides = array<i32>} : memref<32768xi32, #tpu.memory_space<vmem>>, vector<16xi32>,
      %swap3A_1674 = vector.shape_cast %swap3A_1673 : vector<16xi32> to vector<16xi32>
      %swap3A_1675 = vector.shape_cast %add3A_1671 : vector<16xi32> to vector<16xi32>
      tpu.vector_store %arg5[%swap3A_1672], %swap3A_1675 {strides = array<i32>} : memref<32768xi32, #tpu.memory_space<vmem>>, vector<16xi32>,
      %mul3A_1676 = arith.constant 128 : i32
      %mul3A_1677 = arith.muli %add3A_1555, %mul3A_1676 : i32
      %add3A_1678 = arith.constant 96 : i32
      %add3A_1679 = arith.addi %mul3A_1677, %add3A_1678 : i32
      %get3A_1680 = arith.index_cast %add3A_1679 : i32 to index
      %get3A_1681 = tpu.vector_load %arg5[%get3A_1680] {strides = array<i32>} : memref<32768xi32, #tpu.memory_space<vmem>>, vector<16xi32>,
      %get3A_1682 = vector.shape_cast %get3A_1681 : vector<16xi32> to vector<16xi32>
      %shift_right_logical3A_1683 = arith.constant 7 : i32
      %shift_right_logical3A_1684 = vector.broadcast %shift_right_logical3A_1683 : i32 to vector<16xi32>
      %shift_right_logical3A_1685 = arith.shrui %get3A_1682, %shift_right_logical3A_1684 : vector<16xi32>
      %mul3A_1686 = arith.constant 896 : i32
      %mul3A_1687 = vector.broadcast %mul3A_1686 : i32 to vector<16xi32>
      %mul3A_1688 = arith.muli %shift_right_logical3A_1685, %mul3A_1687 : vector<16xi32>
      %add3A_1689 = arith.addi %get3A_1682, %mul3A_1688 : vector<16xi32>
      %add3A_1690 = vector.broadcast %add3A_1547 : i32 to vector<16xi32>
      %add3A_1691 = arith.addi %add3A_1689, %add3A_1690 : vector<16xi32>
      %swap3A_1692 = arith.index_cast %add3A_1679 : i32 to index
      %swap3A_1693 = tpu.vector_load %arg5[%swap3A_1692] {strides = array<i32>} : memref<32768xi32, #tpu.memory_space<vmem>>, vector<16xi32>,
      %swap3A_1694 = vector.shape_cast %swap3A_1693 : vector<16xi32> to vector<16xi32>
      %swap3A_1695 = vector.shape_cast %add3A_1691 : vector<16xi32> to vector<16xi32>
      tpu.vector_store %arg5[%swap3A_1692], %swap3A_1695 {strides = array<i32>} : memref<32768xi32, #tpu.memory_space<vmem>>, vector<16xi32>,
      %mul3A_1696 = arith.constant 128 : i32
      %mul3A_1697 = arith.muli %add3A_1555, %mul3A_1696 : i32
      %add3A_1698 = arith.constant 112 : i32
      %add3A_1699 = arith.addi %mul3A_1697, %add3A_1698 : i32
      %get3A_1700 = arith.index_cast %add3A_1699 : i32 to index
      %get3A_1701 = tpu.vector_load %arg5[%get3A_1700] {strides = array<i32>} : memref<32768xi32, #tpu.memory_space<vmem>>, vector<16xi32>,
      %get3A_1702 = vector.shape_cast %get3A_1701 : vector<16xi32> to vector<16xi32>
      %shift_right_logical3A_1703 = arith.constant 7 : i32
      %shift_right_logical3A_1704 = vector.broadcast %shift_right_logical3A_1703 : i32 to vector<16xi32>
      %shift_right_logical3A_1705 = arith.shrui %get3A_1702, %shift_right_logical3A_1704 : vector<16xi32>
      %mul3A_1706 = arith.constant 896 : i32
      %mul3A_1707 = vector.broadcast %mul3A_1706 : i32 to vector<16xi32>
      %mul3A_1708 = arith.muli %shift_right_logical3A_1705, %mul3A_1707 : vector<16xi32>
      %add3A_1709 = arith.addi %get3A_1702, %mul3A_1708 : vector<16xi32>
      %add3A_1710 = vector.broadcast %add3A_1547 : i32 to vector<16xi32>
      %add3A_1711 = arith.addi %add3A_1709, %add3A_1710 : vector<16xi32>
      %swap3A_1712 = arith.index_cast %add3A_1699 : i32 to index
      %swap3A_1713 = tpu.vector_load %arg5[%swap3A_1712] {strides = array<i32>} : memref<32768xi32, #tpu.memory_space<vmem>>, vector<16xi32>,
      %swap3A_1714 = vector.shape_cast %swap3A_1713 : vector<16xi32> to vector<16xi32>
      %swap3A_1715 = vector.shape_cast %add3A_1711 : vector<16xi32> to vector<16xi32>
      tpu.vector_store %arg5[%swap3A_1712], %swap3A_1715 {strides = array<i32>} : memref<32768xi32, #tpu.memory_space<vmem>>, vector<16xi32>,
      %add3A_1716 = arith.constant 256 : i32
      %add3A_1717 = arith.addi %mul3A_18, %add3A_1716 : i32
      %mul3A_1718 = arith.constant 2 : i32
      %mul3A_1719 = arith.muli %add3A_15, %mul3A_1718 : i32
      %add3A_1720 = arith.constant 1 : i32
      %add3A_1721 = arith.addi %mul3A_1719, %add3A_1720 : i32
      %mul3A_1722 = arith.constant 8 : i32
      %mul3A_1723 = arith.muli %add3A_1721, %mul3A_1722 : i32
      %add3A_1724 = arith.constant 2 : i32
      %add3A_1725 = arith.addi %mul3A_1723, %add3A_1724 : i32
      %mul3A_1726 = arith.constant 128 : i32
      %mul3A_1727 = arith.muli %add3A_1725, %mul3A_1726 : i32
      %add3A_1728 = arith.constant 0 : i32
      %add3A_1729 = arith.addi %mul3A_1727, %add3A_1728 : i32
      %get3A_1730 = arith.index_cast %add3A_1729 : i32 to index
      %get3A_1731 = tpu.vector_load %arg5[%get3A_1730] {strides = array<i32>} : memref<32768xi32, #tpu.memory_space<vmem>>, vector<16xi32>,
      %get3A_1732 = vector.shape_cast %get3A_1731 : vector<16xi32> to vector<16xi32>
      %shift_right_logical3A_1733 = arith.constant 7 : i32
      %shift_right_logical3A_1734 = vector.broadcast %shift_right_logical3A_1733 : i32 to vector<16xi32>
      %shift_right_logical3A_1735 = arith.shrui %get3A_1732, %shift_right_logical3A_1734 : vector<16xi32>
      %mul3A_1736 = arith.constant 896 : i32
      %mul3A_1737 = vector.broadcast %mul3A_1736 : i32 to vector<16xi32>
      %mul3A_1738 = arith.muli %shift_right_logical3A_1735, %mul3A_1737 : vector<16xi32>
      %add3A_1739 = arith.addi %get3A_1732, %mul3A_1738 : vector<16xi32>
      %add3A_1740 = vector.broadcast %add3A_1717 : i32 to vector<16xi32>
      %add3A_1741 = arith.addi %add3A_1739, %add3A_1740 : vector<16xi32>
      %swap3A_1742 = arith.index_cast %add3A_1729 : i32 to index
      %swap3A_1743 = tpu.vector_load %arg5[%swap3A_1742] {strides = array<i32>} : memref<32768xi32, #tpu.memory_space<vmem>>, vector<16xi32>,
      %swap3A_1744 = vector.shape_cast %swap3A_1743 : vector<16xi32> to vector<16xi32>
      %swap3A_1745 = vector.shape_cast %add3A_1741 : vector<16xi32> to vector<16xi32>
      tpu.vector_store %arg5[%swap3A_1742], %swap3A_1745 {strides = array<i32>} : memref<32768xi32, #tpu.memory_space<vmem>>, vector<16xi32>,
      %mul3A_1746 = arith.constant 128 : i32
      %mul3A_1747 = arith.muli %add3A_1725, %mul3A_1746 : i32
      %add3A_1748 = arith.constant 16 : i32
      %add3A_1749 = arith.addi %mul3A_1747, %add3A_1748 : i32
      %get3A_1750 = arith.index_cast %add3A_1749 : i32 to index
      %get3A_1751 = tpu.vector_load %arg5[%get3A_1750] {strides = array<i32>} : memref<32768xi32, #tpu.memory_space<vmem>>, vector<16xi32>,
      %get3A_1752 = vector.shape_cast %get3A_1751 : vector<16xi32> to vector<16xi32>
      %shift_right_logical3A_1753 = arith.constant 7 : i32
      %shift_right_logical3A_1754 = vector.broadcast %shift_right_logical3A_1753 : i32 to vector<16xi32>
      %shift_right_logical3A_1755 = arith.shrui %get3A_1752, %shift_right_logical3A_1754 : vector<16xi32>
      %mul3A_1756 = arith.constant 896 : i32
      %mul3A_1757 = vector.broadcast %mul3A_1756 : i32 to vector<16xi32>
      %mul3A_1758 = arith.muli %shift_right_logical3A_1755, %mul3A_1757 : vector<16xi32>
      %add3A_1759 = arith.addi %get3A_1752, %mul3A_1758 : vector<16xi32>
      %add3A_1760 = vector.broadcast %add3A_1717 : i32 to vector<16xi32>
      %add3A_1761 = arith.addi %add3A_1759, %add3A_1760 : vector<16xi32>
      %swap3A_1762 = arith.index_cast %add3A_1749 : i32 to index
      %swap3A_1763 = tpu.vector_load %arg5[%swap3A_1762] {strides = array<i32>} : memref<32768xi32, #tpu.memory_space<vmem>>, vector<16xi32>,
      %swap3A_1764 = vector.shape_cast %swap3A_1763 : vector<16xi32> to vector<16xi32>
      %swap3A_1765 = vector.shape_cast %add3A_1761 : vector<16xi32> to vector<16xi32>
      tpu.vector_store %arg5[%swap3A_1762], %swap3A_1765 {strides = array<i32>} : memref<32768xi32, #tpu.memory_space<vmem>>, vector<16xi32>,
      %mul3A_1766 = arith.constant 128 : i32
      %mul3A_1767 = arith.muli %add3A_1725, %mul3A_1766 : i32
      %add3A_1768 = arith.constant 32 : i32
      %add3A_1769 = arith.addi %mul3A_1767, %add3A_1768 : i32
      %get3A_1770 = arith.index_cast %add3A_1769 : i32 to index
      %get3A_1771 = tpu.vector_load %arg5[%get3A_1770] {strides = array<i32>} : memref<32768xi32, #tpu.memory_space<vmem>>, vector<16xi32>,
      %get3A_1772 = vector.shape_cast %get3A_1771 : vector<16xi32> to vector<16xi32>
      %shift_right_logical3A_1773 = arith.constant 7 : i32
      %shift_right_logical3A_1774 = vector.broadcast %shift_right_logical3A_1773 : i32 to vector<16xi32>
      %shift_right_logical3A_1775 = arith.shrui %get3A_1772, %shift_right_logical3A_1774 : vector<16xi32>
      %mul3A_1776 = arith.constant 896 : i32
      %mul3A_1777 = vector.broadcast %mul3A_1776 : i32 to vector<16xi32>
      %mul3A_1778 = arith.muli %shift_right_logical3A_1775, %mul3A_1777 : vector<16xi32>
      %add3A_1779 = arith.addi %get3A_1772, %mul3A_1778 : vector<16xi32>
      %add3A_1780 = vector.broadcast %add3A_1717 : i32 to vector<16xi32>
      %add3A_1781 = arith.addi %add3A_1779, %add3A_1780 : vector<16xi32>
      %swap3A_1782 = arith.index_cast %add3A_1769 : i32 to index
      %swap3A_1783 = tpu.vector_load %arg5[%swap3A_1782] {strides = array<i32>} : memref<32768xi32, #tpu.memory_space<vmem>>, vector<16xi32>,
      %swap3A_1784 = vector.shape_cast %swap3A_1783 : vector<16xi32> to vector<16xi32>
      %swap3A_1785 = vector.shape_cast %add3A_1781 : vector<16xi32> to vector<16xi32>
      tpu.vector_store %arg5[%swap3A_1782], %swap3A_1785 {strides = array<i32>} : memref<32768xi32, #tpu.memory_space<vmem>>, vector<16xi32>,
      %mul3A_1786 = arith.constant 128 : i32
      %mul3A_1787 = arith.muli %add3A_1725, %mul3A_1786 : i32
      %add3A_1788 = arith.constant 48 : i32
      %add3A_1789 = arith.addi %mul3A_1787, %add3A_1788 : i32
      %get3A_1790 = arith.index_cast %add3A_1789 : i32 to index
      %get3A_1791 = tpu.vector_load %arg5[%get3A_1790] {strides = array<i32>} : memref<32768xi32, #tpu.memory_space<vmem>>, vector<16xi32>,
      %get3A_1792 = vector.shape_cast %get3A_1791 : vector<16xi32> to vector<16xi32>
      %shift_right_logical3A_1793 = arith.constant 7 : i32
      %shift_right_logical3A_1794 = vector.broadcast %shift_right_logical3A_1793 : i32 to vector<16xi32>
      %shift_right_logical3A_1795 = arith.shrui %get3A_1792, %shift_right_logical3A_1794 : vector<16xi32>
      %mul3A_1796 = arith.constant 896 : i32
      %mul3A_1797 = vector.broadcast %mul3A_1796 : i32 to vector<16xi32>
      %mul3A_1798 = arith.muli %shift_right_logical3A_1795, %mul3A_1797 : vector<16xi32>
      %add3A_1799 = arith.addi %get3A_1792, %mul3A_1798 : vector<16xi32>
      %add3A_1800 = vector.broadcast %add3A_1717 : i32 to vector<16xi32>
      %add3A_1801 = arith.addi %add3A_1799, %add3A_1800 : vector<16xi32>
      %swap3A_1802 = arith.index_cast %add3A_1789 : i32 to index
      %swap3A_1803 = tpu.vector_load %arg5[%swap3A_1802] {strides = array<i32>} : memref<32768xi32, #tpu.memory_space<vmem>>, vector<16xi32>,
      %swap3A_1804 = vector.shape_cast %swap3A_1803 : vector<16xi32> to vector<16xi32>
      %swap3A_1805 = vector.shape_cast %add3A_1801 : vector<16xi32> to vector<16xi32>
      tpu.vector_store %arg5[%swap3A_1802], %swap3A_1805 {strides = array<i32>} : memref<32768xi32, #tpu.memory_space<vmem>>, vector<16xi32>,
      %mul3A_1806 = arith.constant 128 : i32
      %mul3A_1807 = arith.muli %add3A_1725, %mul3A_1806 : i32
      %add3A_1808 = arith.constant 64 : i32
      %add3A_1809 = arith.addi %mul3A_1807, %add3A_1808 : i32
      %get3A_1810 = arith.index_cast %add3A_1809 : i32 to index
      %get3A_1811 = tpu.vector_load %arg5[%get3A_1810] {strides = array<i32>} : memref<32768xi32, #tpu.memory_space<vmem>>, vector<16xi32>,
      %get3A_1812 = vector.shape_cast %get3A_1811 : vector<16xi32> to vector<16xi32>
      %shift_right_logical3A_1813 = arith.constant 7 : i32
      %shift_right_logical3A_1814 = vector.broadcast %shift_right_logical3A_1813 : i32 to vector<16xi32>
      %shift_right_logical3A_1815 = arith.shrui %get3A_1812, %shift_right_logical3A_1814 : vector<16xi32>
      %mul3A_1816 = arith.constant 896 : i32
      %mul3A_1817 = vector.broadcast %mul3A_1816 : i32 to vector<16xi32>
      %mul3A_1818 = arith.muli %shift_right_logical3A_1815, %mul3A_1817 : vector<16xi32>
      %add3A_1819 = arith.addi %get3A_1812, %mul3A_1818 : vector<16xi32>
      %add3A_1820 = vector.broadcast %add3A_1717 : i32 to vector<16xi32>
      %add3A_1821 = arith.addi %add3A_1819, %add3A_1820 : vector<16xi32>
      %swap3A_1822 = arith.index_cast %add3A_1809 : i32 to index
      %swap3A_1823 = tpu.vector_load %arg5[%swap3A_1822] {strides = array<i32>} : memref<32768xi32, #tpu.memory_space<vmem>>, vector<16xi32>,
      %swap3A_1824 = vector.shape_cast %swap3A_1823 : vector<16xi32> to vector<16xi32>
      %swap3A_1825 = vector.shape_cast %add3A_1821 : vector<16xi32> to vector<16xi32>
      tpu.vector_store %arg5[%swap3A_1822], %swap3A_1825 {strides = array<i32>} : memref<32768xi32, #tpu.memory_space<vmem>>, vector<16xi32>,
      %mul3A_1826 = arith.constant 128 : i32
      %mul3A_1827 = arith.muli %add3A_1725, %mul3A_1826 : i32
      %add3A_1828 = arith.constant 80 : i32
      %add3A_1829 = arith.addi %mul3A_1827, %add3A_1828 : i32
      %get3A_1830 = arith.index_cast %add3A_1829 : i32 to index
      %get3A_1831 = tpu.vector_load %arg5[%get3A_1830] {strides = array<i32>} : memref<32768xi32, #tpu.memory_space<vmem>>, vector<16xi32>,
      %get3A_1832 = vector.shape_cast %get3A_1831 : vector<16xi32> to vector<16xi32>
      %shift_right_logical3A_1833 = arith.constant 7 : i32
      %shift_right_logical3A_1834 = vector.broadcast %shift_right_logical3A_1833 : i32 to vector<16xi32>
      %shift_right_logical3A_1835 = arith.shrui %get3A_1832, %shift_right_logical3A_1834 : vector<16xi32>
      %mul3A_1836 = arith.constant 896 : i32
      %mul3A_1837 = vector.broadcast %mul3A_1836 : i32 to vector<16xi32>
      %mul3A_1838 = arith.muli %shift_right_logical3A_1835, %mul3A_1837 : vector<16xi32>
      %add3A_1839 = arith.addi %get3A_1832, %mul3A_1838 : vector<16xi32>
      %add3A_1840 = vector.broadcast %add3A_1717 : i32 to vector<16xi32>
      %add3A_1841 = arith.addi %add3A_1839, %add3A_1840 : vector<16xi32>
      %swap3A_1842 = arith.index_cast %add3A_1829 : i32 to index
      %swap3A_1843 = tpu.vector_load %arg5[%swap3A_1842] {strides = array<i32>} : memref<32768xi32, #tpu.memory_space<vmem>>, vector<16xi32>,
      %swap3A_1844 = vector.shape_cast %swap3A_1843 : vector<16xi32> to vector<16xi32>
      %swap3A_1845 = vector.shape_cast %add3A_1841 : vector<16xi32> to vector<16xi32>
      tpu.vector_store %arg5[%swap3A_1842], %swap3A_1845 {strides = array<i32>} : memref<32768xi32, #tpu.memory_space<vmem>>, vector<16xi32>,
      %mul3A_1846 = arith.constant 128 : i32
      %mul3A_1847 = arith.muli %add3A_1725, %mul3A_1846 : i32
      %add3A_1848 = arith.constant 96 : i32
      %add3A_1849 = arith.addi %mul3A_1847, %add3A_1848 : i32
      %get3A_1850 = arith.index_cast %add3A_1849 : i32 to index
      %get3A_1851 = tpu.vector_load %arg5[%get3A_1850] {strides = array<i32>} : memref<32768xi32, #tpu.memory_space<vmem>>, vector<16xi32>,
      %get3A_1852 = vector.shape_cast %get3A_1851 : vector<16xi32> to vector<16xi32>
      %shift_right_logical3A_1853 = arith.constant 7 : i32
      %shift_right_logical3A_1854 = vector.broadcast %shift_right_logical3A_1853 : i32 to vector<16xi32>
      %shift_right_logical3A_1855 = arith.shrui %get3A_1852, %shift_right_logical3A_1854 : vector<16xi32>
      %mul3A_1856 = arith.constant 896 : i32
      %mul3A_1857 = vector.broadcast %mul3A_1856 : i32 to vector<16xi32>
      %mul3A_1858 = arith.muli %shift_right_logical3A_1855, %mul3A_1857 : vector<16xi32>
      %add3A_1859 = arith.addi %get3A_1852, %mul3A_1858 : vector<16xi32>
      %add3A_1860 = vector.broadcast %add3A_1717 : i32 to vector<16xi32>
      %add3A_1861 = arith.addi %add3A_1859, %add3A_1860 : vector<16xi32>
      %swap3A_1862 = arith.index_cast %add3A_1849 : i32 to index
      %swap3A_1863 = tpu.vector_load %arg5[%swap3A_1862] {strides = array<i32>} : memref<32768xi32, #tpu.memory_space<vmem>>, vector<16xi32>,
      %swap3A_1864 = vector.shape_cast %swap3A_1863 : vector<16xi32> to vector<16xi32>
      %swap3A_1865 = vector.shape_cast %add3A_1861 : vector<16xi32> to vector<16xi32>
      tpu.vector_store %arg5[%swap3A_1862], %swap3A_1865 {strides = array<i32>} : memref<32768xi32, #tpu.memory_space<vmem>>, vector<16xi32>,
      %mul3A_1866 = arith.constant 128 : i32
      %mul3A_1867 = arith.muli %add3A_1725, %mul3A_1866 : i32
      %add3A_1868 = arith.constant 112 : i32
      %add3A_1869 = arith.addi %mul3A_1867, %add3A_1868 : i32
      %get3A_1870 = arith.index_cast %add3A_1869 : i32 to index
      %get3A_1871 = tpu.vector_load %arg5[%get3A_1870] {strides = array<i32>} : memref<32768xi32, #tpu.memory_space<vmem>>, vector<16xi32>,
      %get3A_1872 = vector.shape_cast %get3A_1871 : vector<16xi32> to vector<16xi32>
      %shift_right_logical3A_1873 = arith.constant 7 : i32
      %shift_right_logical3A_1874 = vector.broadcast %shift_right_logical3A_1873 : i32 to vector<16xi32>
      %shift_right_logical3A_1875 = arith.shrui %get3A_1872, %shift_right_logical3A_1874 : vector<16xi32>
      %mul3A_1876 = arith.constant 896 : i32
      %mul3A_1877 = vector.broadcast %mul3A_1876 : i32 to vector<16xi32>
      %mul3A_1878 = arith.muli %shift_right_logical3A_1875, %mul3A_1877 : vector<16xi32>
      %add3A_1879 = arith.addi %get3A_1872, %mul3A_1878 : vector<16xi32>
      %add3A_1880 = vector.broadcast %add3A_1717 : i32 to vector<16xi32>
      %add3A_1881 = arith.addi %add3A_1879, %add3A_1880 : vector<16xi32>
      %swap3A_1882 = arith.index_cast %add3A_1869 : i32 to index
      %swap3A_1883 = tpu.vector_load %arg5[%swap3A_1882] {strides = array<i32>} : memref<32768xi32, #tpu.memory_space<vmem>>, vector<16xi32>,
      %swap3A_1884 = vector.shape_cast %swap3A_1883 : vector<16xi32> to vector<16xi32>
      %swap3A_1885 = vector.shape_cast %add3A_1881 : vector<16xi32> to vector<16xi32>
      tpu.vector_store %arg5[%swap3A_1882], %swap3A_1885 {strides = array<i32>} : memref<32768xi32, #tpu.memory_space<vmem>>, vector<16xi32>,
      %add3A_1886 = arith.constant 384 : i32
      %add3A_1887 = arith.addi %mul3A_18, %add3A_1886 : i32
      %mul3A_1888 = arith.constant 2 : i32
      %mul3A_1889 = arith.muli %add3A_15, %mul3A_1888 : i32
      %add3A_1890 = arith.constant 1 : i32
      %add3A_1891 = arith.addi %mul3A_1889, %add3A_1890 : i32
      %mul3A_1892 = arith.constant 8 : i32
      %mul3A_1893 = arith.muli %add3A_1891, %mul3A_1892 : i32
      %add3A_1894 = arith.constant 3 : i32
      %add3A_1895 = arith.addi %mul3A_1893, %add3A_1894 : i32
      %mul3A_1896 = arith.constant 128 : i32
      %mul3A_1897 = arith.muli %add3A_1895, %mul3A_1896 : i32
      %add3A_1898 = arith.constant 0 : i32
      %add3A_1899 = arith.addi %mul3A_1897, %add3A_1898 : i32
      %get3A_1900 = arith.index_cast %add3A_1899 : i32 to index
      %get3A_1901 = tpu.vector_load %arg5[%get3A_1900] {strides = array<i32>} : memref<32768xi32, #tpu.memory_space<vmem>>, vector<16xi32>,
      %get3A_1902 = vector.shape_cast %get3A_1901 : vector<16xi32> to vector<16xi32>
      %shift_right_logical3A_1903 = arith.constant 7 : i32
      %shift_right_logical3A_1904 = vector.broadcast %shift_right_logical3A_1903 : i32 to vector<16xi32>
      %shift_right_logical3A_1905 = arith.shrui %get3A_1902, %shift_right_logical3A_1904 : vector<16xi32>
      %mul3A_1906 = arith.constant 896 : i32
      %mul3A_1907 = vector.broadcast %mul3A_1906 : i32 to vector<16xi32>
      %mul3A_1908 = arith.muli %shift_right_logical3A_1905, %mul3A_1907 : vector<16xi32>
      %add3A_1909 = arith.addi %get3A_1902, %mul3A_1908 : vector<16xi32>
      %add3A_1910 = vector.broadcast %add3A_1887 : i32 to vector<16xi32>
      %add3A_1911 = arith.addi %add3A_1909, %add3A_1910 : vector<16xi32>
      %swap3A_1912 = arith.index_cast %add3A_1899 : i32 to index
      %swap3A_1913 = tpu.vector_load %arg5[%swap3A_1912] {strides = array<i32>} : memref<32768xi32, #tpu.memory_space<vmem>>, vector<16xi32>,
      %swap3A_1914 = vector.shape_cast %swap3A_1913 : vector<16xi32> to vector<16xi32>
      %swap3A_1915 = vector.shape_cast %add3A_1911 : vector<16xi32> to vector<16xi32>
      tpu.vector_store %arg5[%swap3A_1912], %swap3A_1915 {strides = array<i32>} : memref<32768xi32, #tpu.memory_space<vmem>>, vector<16xi32>,
      %mul3A_1916 = arith.constant 128 : i32
      %mul3A_1917 = arith.muli %add3A_1895, %mul3A_1916 : i32
      %add3A_1918 = arith.constant 16 : i32
      %add3A_1919 = arith.addi %mul3A_1917, %add3A_1918 : i32
      %get3A_1920 = arith.index_cast %add3A_1919 : i32 to index
      %get3A_1921 = tpu.vector_load %arg5[%get3A_1920] {strides = array<i32>} : memref<32768xi32, #tpu.memory_space<vmem>>, vector<16xi32>,
      %get3A_1922 = vector.shape_cast %get3A_1921 : vector<16xi32> to vector<16xi32>
      %shift_right_logical3A_1923 = arith.constant 7 : i32
      %shift_right_logical3A_1924 = vector.broadcast %shift_right_logical3A_1923 : i32 to vector<16xi32>
      %shift_right_logical3A_1925 = arith.shrui %get3A_1922, %shift_right_logical3A_1924 : vector<16xi32>
      %mul3A_1926 = arith.constant 896 : i32
      %mul3A_1927 = vector.broadcast %mul3A_1926 : i32 to vector<16xi32>
      %mul3A_1928 = arith.muli %shift_right_logical3A_1925, %mul3A_1927 : vector<16xi32>
      %add3A_1929 = arith.addi %get3A_1922, %mul3A_1928 : vector<16xi32>
      %add3A_1930 = vector.broadcast %add3A_1887 : i32 to vector<16xi32>
      %add3A_1931 = arith.addi %add3A_1929, %add3A_1930 : vector<16xi32>
      %swap3A_1932 = arith.index_cast %add3A_1919 : i32 to index
      %swap3A_1933 = tpu.vector_load %arg5[%swap3A_1932] {strides = array<i32>} : memref<32768xi32, #tpu.memory_space<vmem>>, vector<16xi32>,
      %swap3A_1934 = vector.shape_cast %swap3A_1933 : vector<16xi32> to vector<16xi32>
      %swap3A_1935 = vector.shape_cast %add3A_1931 : vector<16xi32> to vector<16xi32>
      tpu.vector_store %arg5[%swap3A_1932], %swap3A_1935 {strides = array<i32>} : memref<32768xi32, #tpu.memory_space<vmem>>, vector<16xi32>,
      %mul3A_1936 = arith.constant 128 : i32
      %mul3A_1937 = arith.muli %add3A_1895, %mul3A_1936 : i32
      %add3A_1938 = arith.constant 32 : i32
      %add3A_1939 = arith.addi %mul3A_1937, %add3A_1938 : i32
      %get3A_1940 = arith.index_cast %add3A_1939 : i32 to index
      %get3A_1941 = tpu.vector_load %arg5[%get3A_1940] {strides = array<i32>} : memref<32768xi32, #tpu.memory_space<vmem>>, vector<16xi32>,
      %get3A_1942 = vector.shape_cast %get3A_1941 : vector<16xi32> to vector<16xi32>
      %shift_right_logical3A_1943 = arith.constant 7 : i32
      %shift_right_logical3A_1944 = vector.broadcast %shift_right_logical3A_1943 : i32 to vector<16xi32>
      %shift_right_logical3A_1945 = arith.shrui %get3A_1942, %shift_right_logical3A_1944 : vector<16xi32>
      %mul3A_1946 = arith.constant 896 : i32
      %mul3A_1947 = vector.broadcast %mul3A_1946 : i32 to vector<16xi32>
      %mul3A_1948 = arith.muli %shift_right_logical3A_1945, %mul3A_1947 : vector<16xi32>
      %add3A_1949 = arith.addi %get3A_1942, %mul3A_1948 : vector<16xi32>
      %add3A_1950 = vector.broadcast %add3A_1887 : i32 to vector<16xi32>
      %add3A_1951 = arith.addi %add3A_1949, %add3A_1950 : vector<16xi32>
      %swap3A_1952 = arith.index_cast %add3A_1939 : i32 to index
      %swap3A_1953 = tpu.vector_load %arg5[%swap3A_1952] {strides = array<i32>} : memref<32768xi32, #tpu.memory_space<vmem>>, vector<16xi32>,
      %swap3A_1954 = vector.shape_cast %swap3A_1953 : vector<16xi32> to vector<16xi32>
      %swap3A_1955 = vector.shape_cast %add3A_1951 : vector<16xi32> to vector<16xi32>
      tpu.vector_store %arg5[%swap3A_1952], %swap3A_1955 {strides = array<i32>} : memref<32768xi32, #tpu.memory_space<vmem>>, vector<16xi32>,
      %mul3A_1956 = arith.constant 128 : i32
      %mul3A_1957 = arith.muli %add3A_1895, %mul3A_1956 : i32
      %add3A_1958 = arith.constant 48 : i32
      %add3A_1959 = arith.addi %mul3A_1957, %add3A_1958 : i32
      %get3A_1960 = arith.index_cast %add3A_1959 : i32 to index
      %get3A_1961 = tpu.vector_load %arg5[%get3A_1960] {strides = array<i32>} : memref<32768xi32, #tpu.memory_space<vmem>>, vector<16xi32>,
      %get3A_1962 = vector.shape_cast %get3A_1961 : vector<16xi32> to vector<16xi32>
      %shift_right_logical3A_1963 = arith.constant 7 : i32
      %shift_right_logical3A_1964 = vector.broadcast %shift_right_logical3A_1963 : i32 to vector<16xi32>
      %shift_right_logical3A_1965 = arith.shrui %get3A_1962, %shift_right_logical3A_1964 : vector<16xi32>
      %mul3A_1966 = arith.constant 896 : i32
      %mul3A_1967 = vector.broadcast %mul3A_1966 : i32 to vector<16xi32>
      %mul3A_1968 = arith.muli %shift_right_logical3A_1965, %mul3A_1967 : vector<16xi32>
      %add3A_1969 = arith.addi %get3A_1962, %mul3A_1968 : vector<16xi32>
      %add3A_1970 = vector.broadcast %add3A_1887 : i32 to vector<16xi32>
      %add3A_1971 = arith.addi %add3A_1969, %add3A_1970 : vector<16xi32>
      %swap3A_1972 = arith.index_cast %add3A_1959 : i32 to index
      %swap3A_1973 = tpu.vector_load %arg5[%swap3A_1972] {strides = array<i32>} : memref<32768xi32, #tpu.memory_space<vmem>>, vector<16xi32>,
      %swap3A_1974 = vector.shape_cast %swap3A_1973 : vector<16xi32> to vector<16xi32>
      %swap3A_1975 = vector.shape_cast %add3A_1971 : vector<16xi32> to vector<16xi32>
      tpu.vector_store %arg5[%swap3A_1972], %swap3A_1975 {strides = array<i32>} : memref<32768xi32, #tpu.memory_space<vmem>>, vector<16xi32>,
      %mul3A_1976 = arith.constant 128 : i32
      %mul3A_1977 = arith.muli %add3A_1895, %mul3A_1976 : i32
      %add3A_1978 = arith.constant 64 : i32
      %add3A_1979 = arith.addi %mul3A_1977, %add3A_1978 : i32
      %get3A_1980 = arith.index_cast %add3A_1979 : i32 to index
      %get3A_1981 = tpu.vector_load %arg5[%get3A_1980] {strides = array<i32>} : memref<32768xi32, #tpu.memory_space<vmem>>, vector<16xi32>,
      %get3A_1982 = vector.shape_cast %get3A_1981 : vector<16xi32> to vector<16xi32>
      %shift_right_logical3A_1983 = arith.constant 7 : i32
      %shift_right_logical3A_1984 = vector.broadcast %shift_right_logical3A_1983 : i32 to vector<16xi32>
      %shift_right_logical3A_1985 = arith.shrui %get3A_1982, %shift_right_logical3A_1984 : vector<16xi32>
      %mul3A_1986 = arith.constant 896 : i32
      %mul3A_1987 = vector.broadcast %mul3A_1986 : i32 to vector<16xi32>
      %mul3A_1988 = arith.muli %shift_right_logical3A_1985, %mul3A_1987 : vector<16xi32>
      %add3A_1989 = arith.addi %get3A_1982, %mul3A_1988 : vector<16xi32>
      %add3A_1990 = vector.broadcast %add3A_1887 : i32 to vector<16xi32>
      %add3A_1991 = arith.addi %add3A_1989, %add3A_1990 : vector<16xi32>
      %swap3A_1992 = arith.index_cast %add3A_1979 : i32 to index
      %swap3A_1993 = tpu.vector_load %arg5[%swap3A_1992] {strides = array<i32>} : memref<32768xi32, #tpu.memory_space<vmem>>, vector<16xi32>,
      %swap3A_1994 = vector.shape_cast %swap3A_1993 : vector<16xi32> to vector<16xi32>
      %swap3A_1995 = vector.shape_cast %add3A_1991 : vector<16xi32> to vector<16xi32>
      tpu.vector_store %arg5[%swap3A_1992], %swap3A_1995 {strides = array<i32>} : memref<32768xi32, #tpu.memory_space<vmem>>, vector<16xi32>,
      %mul3A_1996 = arith.constant 128 : i32
      %mul3A_1997 = arith.muli %add3A_1895, %mul3A_1996 : i32
      %add3A_1998 = arith.constant 80 : i32
      %add3A_1999 = arith.addi %mul3A_1997, %add3A_1998 : i32
      %get3A_2000 = arith.index_cast %add3A_1999 : i32 to index
      %get3A_2001 = tpu.vector_load %arg5[%get3A_2000] {strides = array<i32>} : memref<32768xi32, #tpu.memory_space<vmem>>, vector<16xi32>,
      %get3A_2002 = vector.shape_cast %get3A_2001 : vector<16xi32> to vector<16xi32>
      %shift_right_logical3A_2003 = arith.constant 7 : i32
      %shift_right_logical3A_2004 = vector.broadcast %shift_right_logical3A_2003 : i32 to vector<16xi32>
      %shift_right_logical3A_2005 = arith.shrui %get3A_2002, %shift_right_logical3A_2004 : vector<16xi32>
      %mul3A_2006 = arith.constant 896 : i32
      %mul3A_2007 = vector.broadcast %mul3A_2006 : i32 to vector<16xi32>
      %mul3A_2008 = arith.muli %shift_right_logical3A_2005, %mul3A_2007 : vector<16xi32>
      %add3A_2009 = arith.addi %get3A_2002, %mul3A_2008 : vector<16xi32>
      %add3A_2010 = vector.broadcast %add3A_1887 : i32 to vector<16xi32>
      %add3A_2011 = arith.addi %add3A_2009, %add3A_2010 : vector<16xi32>
      %swap3A_2012 = arith.index_cast %add3A_1999 : i32 to index
      %swap3A_2013 = tpu.vector_load %arg5[%swap3A_2012] {strides = array<i32>} : memref<32768xi32, #tpu.memory_space<vmem>>, vector<16xi32>,
      %swap3A_2014 = vector.shape_cast %swap3A_2013 : vector<16xi32> to vector<16xi32>
      %swap3A_2015 = vector.shape_cast %add3A_2011 : vector<16xi32> to vector<16xi32>
      tpu.vector_store %arg5[%swap3A_2012], %swap3A_2015 {strides = array<i32>} : memref<32768xi32, #tpu.memory_space<vmem>>, vector<16xi32>,
      %mul3A_2016 = arith.constant 128 : i32
      %mul3A_2017 = arith.muli %add3A_1895, %mul3A_2016 : i32
      %add3A_2018 = arith.constant 96 : i32
      %add3A_2019 = arith.addi %mul3A_2017, %add3A_2018 : i32
      %get3A_2020 = arith.index_cast %add3A_2019 : i32 to index
      %get3A_2021 = tpu.vector_load %arg5[%get3A_2020] {strides = array<i32>} : memref<32768xi32, #tpu.memory_space<vmem>>, vector<16xi32>,
      %get3A_2022 = vector.shape_cast %get3A_2021 : vector<16xi32> to vector<16xi32>
      %shift_right_logical3A_2023 = arith.constant 7 : i32
      %shift_right_logical3A_2024 = vector.broadcast %shift_right_logical3A_2023 : i32 to vector<16xi32>
      %shift_right_logical3A_2025 = arith.shrui %get3A_2022, %shift_right_logical3A_2024 : vector<16xi32>
      %mul3A_2026 = arith.constant 896 : i32
      %mul3A_2027 = vector.broadcast %mul3A_2026 : i32 to vector<16xi32>
      %mul3A_2028 = arith.muli %shift_right_logical3A_2025, %mul3A_2027 : vector<16xi32>
      %add3A_2029 = arith.addi %get3A_2022, %mul3A_2028 : vector<16xi32>
      %add3A_2030 = vector.broadcast %add3A_1887 : i32 to vector<16xi32>
      %add3A_2031 = arith.addi %add3A_2029, %add3A_2030 : vector<16xi32>
      %swap3A_2032 = arith.index_cast %add3A_2019 : i32 to index
      %swap3A_2033 = tpu.vector_load %arg5[%swap3A_2032] {strides = array<i32>} : memref<32768xi32, #tpu.memory_space<vmem>>, vector<16xi32>,
      %swap3A_2034 = vector.shape_cast %swap3A_2033 : vector<16xi32> to vector<16xi32>
      %swap3A_2035 = vector.shape_cast %add3A_2031 : vector<16xi32> to vector<16xi32>
      tpu.vector_store %arg5[%swap3A_2032], %swap3A_2035 {strides = array<i32>} : memref<32768xi32, #tpu.memory_space<vmem>>, vector<16xi32>,
      %mul3A_2036 = arith.constant 128 : i32
      %mul3A_2037 = arith.muli %add3A_1895, %mul3A_2036 : i32
      %add3A_2038 = arith.constant 112 : i32
      %add3A_2039 = arith.addi %mul3A_2037, %add3A_2038 : i32
      %get3A_2040 = arith.index_cast %add3A_2039 : i32 to index
      %get3A_2041 = tpu.vector_load %arg5[%get3A_2040] {strides = array<i32>} : memref<32768xi32, #tpu.memory_space<vmem>>, vector<16xi32>,
      %get3A_2042 = vector.shape_cast %get3A_2041 : vector<16xi32> to vector<16xi32>
      %shift_right_logical3A_2043 = arith.constant 7 : i32
      %shift_right_logical3A_2044 = vector.broadcast %shift_right_logical3A_2043 : i32 to vector<16xi32>
      %shift_right_logical3A_2045 = arith.shrui %get3A_2042, %shift_right_logical3A_2044 : vector<16xi32>
      %mul3A_2046 = arith.constant 896 : i32
      %mul3A_2047 = vector.broadcast %mul3A_2046 : i32 to vector<16xi32>
      %mul3A_2048 = arith.muli %shift_right_logical3A_2045, %mul3A_2047 : vector<16xi32>
      %add3A_2049 = arith.addi %get3A_2042, %mul3A_2048 : vector<16xi32>
      %add3A_2050 = vector.broadcast %add3A_1887 : i32 to vector<16xi32>
      %add3A_2051 = arith.addi %add3A_2049, %add3A_2050 : vector<16xi32>
      %swap3A_2052 = arith.index_cast %add3A_2039 : i32 to index
      %swap3A_2053 = tpu.vector_load %arg5[%swap3A_2052] {strides = array<i32>} : memref<32768xi32, #tpu.memory_space<vmem>>, vector<16xi32>,
      %swap3A_2054 = vector.shape_cast %swap3A_2053 : vector<16xi32> to vector<16xi32>
      %swap3A_2055 = vector.shape_cast %add3A_2051 : vector<16xi32> to vector<16xi32>
      tpu.vector_store %arg5[%swap3A_2052], %swap3A_2055 {strides = array<i32>} : memref<32768xi32, #tpu.memory_space<vmem>>, vector<16xi32>,
      %add3A_2056 = arith.constant 512 : i32
      %add3A_2057 = arith.addi %mul3A_18, %add3A_2056 : i32
      %mul3A_2058 = arith.constant 2 : i32
      %mul3A_2059 = arith.muli %add3A_15, %mul3A_2058 : i32
      %add3A_2060 = arith.constant 1 : i32
      %add3A_2061 = arith.addi %mul3A_2059, %add3A_2060 : i32
      %mul3A_2062 = arith.constant 8 : i32
      %mul3A_2063 = arith.muli %add3A_2061, %mul3A_2062 : i32
      %add3A_2064 = arith.constant 4 : i32
      %add3A_2065 = arith.addi %mul3A_2063, %add3A_2064 : i32
      %mul3A_2066 = arith.constant 128 : i32
      %mul3A_2067 = arith.muli %add3A_2065, %mul3A_2066 : i32
      %add3A_2068 = arith.constant 0 : i32
      %add3A_2069 = arith.addi %mul3A_2067, %add3A_2068 : i32
      %get3A_2070 = arith.index_cast %add3A_2069 : i32 to index
      %get3A_2071 = tpu.vector_load %arg5[%get3A_2070] {strides = array<i32>} : memref<32768xi32, #tpu.memory_space<vmem>>, vector<16xi32>,
      %get3A_2072 = vector.shape_cast %get3A_2071 : vector<16xi32> to vector<16xi32>
      %shift_right_logical3A_2073 = arith.constant 7 : i32
      %shift_right_logical3A_2074 = vector.broadcast %shift_right_logical3A_2073 : i32 to vector<16xi32>
      %shift_right_logical3A_2075 = arith.shrui %get3A_2072, %shift_right_logical3A_2074 : vector<16xi32>
      %mul3A_2076 = arith.constant 896 : i32
      %mul3A_2077 = vector.broadcast %mul3A_2076 : i32 to vector<16xi32>
      %mul3A_2078 = arith.muli %shift_right_logical3A_2075, %mul3A_2077 : vector<16xi32>
      %add3A_2079 = arith.addi %get3A_2072, %mul3A_2078 : vector<16xi32>
      %add3A_2080 = vector.broadcast %add3A_2057 : i32 to vector<16xi32>
      %add3A_2081 = arith.addi %add3A_2079, %add3A_2080 : vector<16xi32>
      %swap3A_2082 = arith.index_cast %add3A_2069 : i32 to index
      %swap3A_2083 = tpu.vector_load %arg5[%swap3A_2082] {strides = array<i32>} : memref<32768xi32, #tpu.memory_space<vmem>>, vector<16xi32>,
      %swap3A_2084 = vector.shape_cast %swap3A_2083 : vector<16xi32> to vector<16xi32>
      %swap3A_2085 = vector.shape_cast %add3A_2081 : vector<16xi32> to vector<16xi32>
      tpu.vector_store %arg5[%swap3A_2082], %swap3A_2085 {strides = array<i32>} : memref<32768xi32, #tpu.memory_space<vmem>>, vector<16xi32>,
      %mul3A_2086 = arith.constant 128 : i32
      %mul3A_2087 = arith.muli %add3A_2065, %mul3A_2086 : i32
      %add3A_2088 = arith.constant 16 : i32
      %add3A_2089 = arith.addi %mul3A_2087, %add3A_2088 : i32
      %get3A_2090 = arith.index_cast %add3A_2089 : i32 to index
      %get3A_2091 = tpu.vector_load %arg5[%get3A_2090] {strides = array<i32>} : memref<32768xi32, #tpu.memory_space<vmem>>, vector<16xi32>,
      %get3A_2092 = vector.shape_cast %get3A_2091 : vector<16xi32> to vector<16xi32>
      %shift_right_logical3A_2093 = arith.constant 7 : i32
      %shift_right_logical3A_2094 = vector.broadcast %shift_right_logical3A_2093 : i32 to vector<16xi32>
      %shift_right_logical3A_2095 = arith.shrui %get3A_2092, %shift_right_logical3A_2094 : vector<16xi32>
      %mul3A_2096 = arith.constant 896 : i32
      %mul3A_2097 = vector.broadcast %mul3A_2096 : i32 to vector<16xi32>
      %mul3A_2098 = arith.muli %shift_right_logical3A_2095, %mul3A_2097 : vector<16xi32>
      %add3A_2099 = arith.addi %get3A_2092, %mul3A_2098 : vector<16xi32>
      %add3A_2100 = vector.broadcast %add3A_2057 : i32 to vector<16xi32>
      %add3A_2101 = arith.addi %add3A_2099, %add3A_2100 : vector<16xi32>
      %swap3A_2102 = arith.index_cast %add3A_2089 : i32 to index
      %swap3A_2103 = tpu.vector_load %arg5[%swap3A_2102] {strides = array<i32>} : memref<32768xi32, #tpu.memory_space<vmem>>, vector<16xi32>,
      %swap3A_2104 = vector.shape_cast %swap3A_2103 : vector<16xi32> to vector<16xi32>
      %swap3A_2105 = vector.shape_cast %add3A_2101 : vector<16xi32> to vector<16xi32>
      tpu.vector_store %arg5[%swap3A_2102], %swap3A_2105 {strides = array<i32>} : memref<32768xi32, #tpu.memory_space<vmem>>, vector<16xi32>,
      %mul3A_2106 = arith.constant 128 : i32
      %mul3A_2107 = arith.muli %add3A_2065, %mul3A_2106 : i32
      %add3A_2108 = arith.constant 32 : i32
      %add3A_2109 = arith.addi %mul3A_2107, %add3A_2108 : i32
      %get3A_2110 = arith.index_cast %add3A_2109 : i32 to index
      %get3A_2111 = tpu.vector_load %arg5[%get3A_2110] {strides = array<i32>} : memref<32768xi32, #tpu.memory_space<vmem>>, vector<16xi32>,
      %get3A_2112 = vector.shape_cast %get3A_2111 : vector<16xi32> to vector<16xi32>
      %shift_right_logical3A_2113 = arith.constant 7 : i32
      %shift_right_logical3A_2114 = vector.broadcast %shift_right_logical3A_2113 : i32 to vector<16xi32>
      %shift_right_logical3A_2115 = arith.shrui %get3A_2112, %shift_right_logical3A_2114 : vector<16xi32>
      %mul3A_2116 = arith.constant 896 : i32
      %mul3A_2117 = vector.broadcast %mul3A_2116 : i32 to vector<16xi32>
      %mul3A_2118 = arith.muli %shift_right_logical3A_2115, %mul3A_2117 : vector<16xi32>
      %add3A_2119 = arith.addi %get3A_2112, %mul3A_2118 : vector<16xi32>
      %add3A_2120 = vector.broadcast %add3A_2057 : i32 to vector<16xi32>
      %add3A_2121 = arith.addi %add3A_2119, %add3A_2120 : vector<16xi32>
      %swap3A_2122 = arith.index_cast %add3A_2109 : i32 to index
      %swap3A_2123 = tpu.vector_load %arg5[%swap3A_2122] {strides = array<i32>} : memref<32768xi32, #tpu.memory_space<vmem>>, vector<16xi32>,
      %swap3A_2124 = vector.shape_cast %swap3A_2123 : vector<16xi32> to vector<16xi32>
      %swap3A_2125 = vector.shape_cast %add3A_2121 : vector<16xi32> to vector<16xi32>
      tpu.vector_store %arg5[%swap3A_2122], %swap3A_2125 {strides = array<i32>} : memref<32768xi32, #tpu.memory_space<vmem>>, vector<16xi32>,
      %mul3A_2126 = arith.constant 128 : i32
      %mul3A_2127 = arith.muli %add3A_2065, %mul3A_2126 : i32
      %add3A_2128 = arith.constant 48 : i32
      %add3A_2129 = arith.addi %mul3A_2127, %add3A_2128 : i32
      %get3A_2130 = arith.index_cast %add3A_2129 : i32 to index
      %get3A_2131 = tpu.vector_load %arg5[%get3A_2130] {strides = array<i32>} : memref<32768xi32, #tpu.memory_space<vmem>>, vector<16xi32>,
      %get3A_2132 = vector.shape_cast %get3A_2131 : vector<16xi32> to vector<16xi32>
      %shift_right_logical3A_2133 = arith.constant 7 : i32
      %shift_right_logical3A_2134 = vector.broadcast %shift_right_logical3A_2133 : i32 to vector<16xi32>
      %shift_right_logical3A_2135 = arith.shrui %get3A_2132, %shift_right_logical3A_2134 : vector<16xi32>
      %mul3A_2136 = arith.constant 896 : i32
      %mul3A_2137 = vector.broadcast %mul3A_2136 : i32 to vector<16xi32>
      %mul3A_2138 = arith.muli %shift_right_logical3A_2135, %mul3A_2137 : vector<16xi32>
      %add3A_2139 = arith.addi %get3A_2132, %mul3A_2138 : vector<16xi32>
      %add3A_2140 = vector.broadcast %add3A_2057 : i32 to vector<16xi32>
      %add3A_2141 = arith.addi %add3A_2139, %add3A_2140 : vector<16xi32>
      %swap3A_2142 = arith.index_cast %add3A_2129 : i32 to index
      %swap3A_2143 = tpu.vector_load %arg5[%swap3A_2142] {strides = array<i32>} : memref<32768xi32, #tpu.memory_space<vmem>>, vector<16xi32>,
      %swap3A_2144 = vector.shape_cast %swap3A_2143 : vector<16xi32> to vector<16xi32>
      %swap3A_2145 = vector.shape_cast %add3A_2141 : vector<16xi32> to vector<16xi32>
      tpu.vector_store %arg5[%swap3A_2142], %swap3A_2145 {strides = array<i32>} : memref<32768xi32, #tpu.memory_space<vmem>>, vector<16xi32>,
      %mul3A_2146 = arith.constant 128 : i32
      %mul3A_2147 = arith.muli %add3A_2065, %mul3A_2146 : i32
      %add3A_2148 = arith.constant 64 : i32
      %add3A_2149 = arith.addi %mul3A_2147, %add3A_2148 : i32
      %get3A_2150 = arith.index_cast %add3A_2149 : i32 to index
      %get3A_2151 = tpu.vector_load %arg5[%get3A_2150] {strides = array<i32>} : memref<32768xi32, #tpu.memory_space<vmem>>, vector<16xi32>,
      %get3A_2152 = vector.shape_cast %get3A_2151 : vector<16xi32> to vector<16xi32>
      %shift_right_logical3A_2153 = arith.constant 7 : i32
      %shift_right_logical3A_2154 = vector.broadcast %shift_right_logical3A_2153 : i32 to vector<16xi32>
      %shift_right_logical3A_2155 = arith.shrui %get3A_2152, %shift_right_logical3A_2154 : vector<16xi32>
      %mul3A_2156 = arith.constant 896 : i32
      %mul3A_2157 = vector.broadcast %mul3A_2156 : i32 to vector<16xi32>
      %mul3A_2158 = arith.muli %shift_right_logical3A_2155, %mul3A_2157 : vector<16xi32>
      %add3A_2159 = arith.addi %get3A_2152, %mul3A_2158 : vector<16xi32>
      %add3A_2160 = vector.broadcast %add3A_2057 : i32 to vector<16xi32>
      %add3A_2161 = arith.addi %add3A_2159, %add3A_2160 : vector<16xi32>
      %swap3A_2162 = arith.index_cast %add3A_2149 : i32 to index
      %swap3A_2163 = tpu.vector_load %arg5[%swap3A_2162] {strides = array<i32>} : memref<32768xi32, #tpu.memory_space<vmem>>, vector<16xi32>,
      %swap3A_2164 = vector.shape_cast %swap3A_2163 : vector<16xi32> to vector<16xi32>
      %swap3A_2165 = vector.shape_cast %add3A_2161 : vector<16xi32> to vector<16xi32>
      tpu.vector_store %arg5[%swap3A_2162], %swap3A_2165 {strides = array<i32>} : memref<32768xi32, #tpu.memory_space<vmem>>, vector<16xi32>,
      %mul3A_2166 = arith.constant 128 : i32
      %mul3A_2167 = arith.muli %add3A_2065, %mul3A_2166 : i32
      %add3A_2168 = arith.constant 80 : i32
      %add3A_2169 = arith.addi %mul3A_2167, %add3A_2168 : i32
      %get3A_2170 = arith.index_cast %add3A_2169 : i32 to index
      %get3A_2171 = tpu.vector_load %arg5[%get3A_2170] {strides = array<i32>} : memref<32768xi32, #tpu.memory_space<vmem>>, vector<16xi32>,
      %get3A_2172 = vector.shape_cast %get3A_2171 : vector<16xi32> to vector<16xi32>
      %shift_right_logical3A_2173 = arith.constant 7 : i32
      %shift_right_logical3A_2174 = vector.broadcast %shift_right_logical3A_2173 : i32 to vector<16xi32>
      %shift_right_logical3A_2175 = arith.shrui %get3A_2172, %shift_right_logical3A_2174 : vector<16xi32>
      %mul3A_2176 = arith.constant 896 : i32
      %mul3A_2177 = vector.broadcast %mul3A_2176 : i32 to vector<16xi32>
      %mul3A_2178 = arith.muli %shift_right_logical3A_2175, %mul3A_2177 : vector<16xi32>
      %add3A_2179 = arith.addi %get3A_2172, %mul3A_2178 : vector<16xi32>
      %add3A_2180 = vector.broadcast %add3A_2057 : i32 to vector<16xi32>
      %add3A_2181 = arith.addi %add3A_2179, %add3A_2180 : vector<16xi32>
      %swap3A_2182 = arith.index_cast %add3A_2169 : i32 to index
      %swap3A_2183 = tpu.vector_load %arg5[%swap3A_2182] {strides = array<i32>} : memref<32768xi32, #tpu.memory_space<vmem>>, vector<16xi32>,
      %swap3A_2184 = vector.shape_cast %swap3A_2183 : vector<16xi32> to vector<16xi32>
      %swap3A_2185 = vector.shape_cast %add3A_2181 : vector<16xi32> to vector<16xi32>
      tpu.vector_store %arg5[%swap3A_2182], %swap3A_2185 {strides = array<i32>} : memref<32768xi32, #tpu.memory_space<vmem>>, vector<16xi32>,
      %mul3A_2186 = arith.constant 128 : i32
      %mul3A_2187 = arith.muli %add3A_2065, %mul3A_2186 : i32
      %add3A_2188 = arith.constant 96 : i32
      %add3A_2189 = arith.addi %mul3A_2187, %add3A_2188 : i32
      %get3A_2190 = arith.index_cast %add3A_2189 : i32 to index
      %get3A_2191 = tpu.vector_load %arg5[%get3A_2190] {strides = array<i32>} : memref<32768xi32, #tpu.memory_space<vmem>>, vector<16xi32>,
      %get3A_2192 = vector.shape_cast %get3A_2191 : vector<16xi32> to vector<16xi32>
      %shift_right_logical3A_2193 = arith.constant 7 : i32
      %shift_right_logical3A_2194 = vector.broadcast %shift_right_logical3A_2193 : i32 to vector<16xi32>
      %shift_right_logical3A_2195 = arith.shrui %get3A_2192, %shift_right_logical3A_2194 : vector<16xi32>
      %mul3A_2196 = arith.constant 896 : i32
      %mul3A_2197 = vector.broadcast %mul3A_2196 : i32 to vector<16xi32>
      %mul3A_2198 = arith.muli %shift_right_logical3A_2195, %mul3A_2197 : vector<16xi32>
      %add3A_2199 = arith.addi %get3A_2192, %mul3A_2198 : vector<16xi32>
      %add3A_2200 = vector.broadcast %add3A_2057 : i32 to vector<16xi32>
      %add3A_2201 = arith.addi %add3A_2199, %add3A_2200 : vector<16xi32>
      %swap3A_2202 = arith.index_cast %add3A_2189 : i32 to index
      %swap3A_2203 = tpu.vector_load %arg5[%swap3A_2202] {strides = array<i32>} : memref<32768xi32, #tpu.memory_space<vmem>>, vector<16xi32>,
      %swap3A_2204 = vector.shape_cast %swap3A_2203 : vector<16xi32> to vector<16xi32>
      %swap3A_2205 = vector.shape_cast %add3A_2201 : vector<16xi32> to vector<16xi32>
      tpu.vector_store %arg5[%swap3A_2202], %swap3A_2205 {strides = array<i32>} : memref<32768xi32, #tpu.memory_space<vmem>>, vector<16xi32>,
      %mul3A_2206 = arith.constant 128 : i32
      %mul3A_2207 = arith.muli %add3A_2065, %mul3A_2206 : i32
      %add3A_2208 = arith.constant 112 : i32
      %add3A_2209 = arith.addi %mul3A_2207, %add3A_2208 : i32
      %get3A_2210 = arith.index_cast %add3A_2209 : i32 to index
      %get3A_2211 = tpu.vector_load %arg5[%get3A_2210] {strides = array<i32>} : memref<32768xi32, #tpu.memory_space<vmem>>, vector<16xi32>,
      %get3A_2212 = vector.shape_cast %get3A_2211 : vector<16xi32> to vector<16xi32>
      %shift_right_logical3A_2213 = arith.constant 7 : i32
      %shift_right_logical3A_2214 = vector.broadcast %shift_right_logical3A_2213 : i32 to vector<16xi32>
      %shift_right_logical3A_2215 = arith.shrui %get3A_2212, %shift_right_logical3A_2214 : vector<16xi32>
      %mul3A_2216 = arith.constant 896 : i32
      %mul3A_2217 = vector.broadcast %mul3A_2216 : i32 to vector<16xi32>
      %mul3A_2218 = arith.muli %shift_right_logical3A_2215, %mul3A_2217 : vector<16xi32>
      %add3A_2219 = arith.addi %get3A_2212, %mul3A_2218 : vector<16xi32>
      %add3A_2220 = vector.broadcast %add3A_2057 : i32 to vector<16xi32>
      %add3A_2221 = arith.addi %add3A_2219, %add3A_2220 : vector<16xi32>
      %swap3A_2222 = arith.index_cast %add3A_2209 : i32 to index
      %swap3A_2223 = tpu.vector_load %arg5[%swap3A_2222] {strides = array<i32>} : memref<32768xi32, #tpu.memory_space<vmem>>, vector<16xi32>,
      %swap3A_2224 = vector.shape_cast %swap3A_2223 : vector<16xi32> to vector<16xi32>
      %swap3A_2225 = vector.shape_cast %add3A_2221 : vector<16xi32> to vector<16xi32>
      tpu.vector_store %arg5[%swap3A_2222], %swap3A_2225 {strides = array<i32>} : memref<32768xi32, #tpu.memory_space<vmem>>, vector<16xi32>,
      %add3A_2226 = arith.constant 640 : i32
      %add3A_2227 = arith.addi %mul3A_18, %add3A_2226 : i32
      %mul3A_2228 = arith.constant 2 : i32
      %mul3A_2229 = arith.muli %add3A_15, %mul3A_2228 : i32
      %add3A_2230 = arith.constant 1 : i32
      %add3A_2231 = arith.addi %mul3A_2229, %add3A_2230 : i32
      %mul3A_2232 = arith.constant 8 : i32
      %mul3A_2233 = arith.muli %add3A_2231, %mul3A_2232 : i32
      %add3A_2234 = arith.constant 5 : i32
      %add3A_2235 = arith.addi %mul3A_2233, %add3A_2234 : i32
      %mul3A_2236 = arith.constant 128 : i32
      %mul3A_2237 = arith.muli %add3A_2235, %mul3A_2236 : i32
      %add3A_2238 = arith.constant 0 : i32
      %add3A_2239 = arith.addi %mul3A_2237, %add3A_2238 : i32
      %get3A_2240 = arith.index_cast %add3A_2239 : i32 to index
      %get3A_2241 = tpu.vector_load %arg5[%get3A_2240] {strides = array<i32>} : memref<32768xi32, #tpu.memory_space<vmem>>, vector<16xi32>,
      %get3A_2242 = vector.shape_cast %get3A_2241 : vector<16xi32> to vector<16xi32>
      %shift_right_logical3A_2243 = arith.constant 7 : i32
      %shift_right_logical3A_2244 = vector.broadcast %shift_right_logical3A_2243 : i32 to vector<16xi32>
      %shift_right_logical3A_2245 = arith.shrui %get3A_2242, %shift_right_logical3A_2244 : vector<16xi32>
      %mul3A_2246 = arith.constant 896 : i32
      %mul3A_2247 = vector.broadcast %mul3A_2246 : i32 to vector<16xi32>
      %mul3A_2248 = arith.muli %shift_right_logical3A_2245, %mul3A_2247 : vector<16xi32>
      %add3A_2249 = arith.addi %get3A_2242, %mul3A_2248 : vector<16xi32>
      %add3A_2250 = vector.broadcast %add3A_2227 : i32 to vector<16xi32>
      %add3A_2251 = arith.addi %add3A_2249, %add3A_2250 : vector<16xi32>
      %swap3A_2252 = arith.index_cast %add3A_2239 : i32 to index
      %swap3A_2253 = tpu.vector_load %arg5[%swap3A_2252] {strides = array<i32>} : memref<32768xi32, #tpu.memory_space<vmem>>, vector<16xi32>,
      %swap3A_2254 = vector.shape_cast %swap3A_2253 : vector<16xi32> to vector<16xi32>
      %swap3A_2255 = vector.shape_cast %add3A_2251 : vector<16xi32> to vector<16xi32>
      tpu.vector_store %arg5[%swap3A_2252], %swap3A_2255 {strides = array<i32>} : memref<32768xi32, #tpu.memory_space<vmem>>, vector<16xi32>,
      %mul3A_2256 = arith.constant 128 : i32
      %mul3A_2257 = arith.muli %add3A_2235, %mul3A_2256 : i32
      %add3A_2258 = arith.constant 16 : i32
      %add3A_2259 = arith.addi %mul3A_2257, %add3A_2258 : i32
      %get3A_2260 = arith.index_cast %add3A_2259 : i32 to index
      %get3A_2261 = tpu.vector_load %arg5[%get3A_2260] {strides = array<i32>} : memref<32768xi32, #tpu.memory_space<vmem>>, vector<16xi32>,
      %get3A_2262 = vector.shape_cast %get3A_2261 : vector<16xi32> to vector<16xi32>
      %shift_right_logical3A_2263 = arith.constant 7 : i32
      %shift_right_logical3A_2264 = vector.broadcast %shift_right_logical3A_2263 : i32 to vector<16xi32>
      %shift_right_logical3A_2265 = arith.shrui %get3A_2262, %shift_right_logical3A_2264 : vector<16xi32>
      %mul3A_2266 = arith.constant 896 : i32
      %mul3A_2267 = vector.broadcast %mul3A_2266 : i32 to vector<16xi32>
      %mul3A_2268 = arith.muli %shift_right_logical3A_2265, %mul3A_2267 : vector<16xi32>
      %add3A_2269 = arith.addi %get3A_2262, %mul3A_2268 : vector<16xi32>
      %add3A_2270 = vector.broadcast %add3A_2227 : i32 to vector<16xi32>
      %add3A_2271 = arith.addi %add3A_2269, %add3A_2270 : vector<16xi32>
      %swap3A_2272 = arith.index_cast %add3A_2259 : i32 to index
      %swap3A_2273 = tpu.vector_load %arg5[%swap3A_2272] {strides = array<i32>} : memref<32768xi32, #tpu.memory_space<vmem>>, vector<16xi32>,
      %swap3A_2274 = vector.shape_cast %swap3A_2273 : vector<16xi32> to vector<16xi32>
      %swap3A_2275 = vector.shape_cast %add3A_2271 : vector<16xi32> to vector<16xi32>
      tpu.vector_store %arg5[%swap3A_2272], %swap3A_2275 {strides = array<i32>} : memref<32768xi32, #tpu.memory_space<vmem>>, vector<16xi32>,
      %mul3A_2276 = arith.constant 128 : i32
      %mul3A_2277 = arith.muli %add3A_2235, %mul3A_2276 : i32
      %add3A_2278 = arith.constant 32 : i32
      %add3A_2279 = arith.addi %mul3A_2277, %add3A_2278 : i32
      %get3A_2280 = arith.index_cast %add3A_2279 : i32 to index
      %get3A_2281 = tpu.vector_load %arg5[%get3A_2280] {strides = array<i32>} : memref<32768xi32, #tpu.memory_space<vmem>>, vector<16xi32>,
      %get3A_2282 = vector.shape_cast %get3A_2281 : vector<16xi32> to vector<16xi32>
      %shift_right_logical3A_2283 = arith.constant 7 : i32
      %shift_right_logical3A_2284 = vector.broadcast %shift_right_logical3A_2283 : i32 to vector<16xi32>
      %shift_right_logical3A_2285 = arith.shrui %get3A_2282, %shift_right_logical3A_2284 : vector<16xi32>
      %mul3A_2286 = arith.constant 896 : i32
      %mul3A_2287 = vector.broadcast %mul3A_2286 : i32 to vector<16xi32>
      %mul3A_2288 = arith.muli %shift_right_logical3A_2285, %mul3A_2287 : vector<16xi32>
      %add3A_2289 = arith.addi %get3A_2282, %mul3A_2288 : vector<16xi32>
      %add3A_2290 = vector.broadcast %add3A_2227 : i32 to vector<16xi32>
      %add3A_2291 = arith.addi %add3A_2289, %add3A_2290 : vector<16xi32>
      %swap3A_2292 = arith.index_cast %add3A_2279 : i32 to index
      %swap3A_2293 = tpu.vector_load %arg5[%swap3A_2292] {strides = array<i32>} : memref<32768xi32, #tpu.memory_space<vmem>>, vector<16xi32>,
      %swap3A_2294 = vector.shape_cast %swap3A_2293 : vector<16xi32> to vector<16xi32>
      %swap3A_2295 = vector.shape_cast %add3A_2291 : vector<16xi32> to vector<16xi32>
      tpu.vector_store %arg5[%swap3A_2292], %swap3A_2295 {strides = array<i32>} : memref<32768xi32, #tpu.memory_space<vmem>>, vector<16xi32>,
      %mul3A_2296 = arith.constant 128 : i32
      %mul3A_2297 = arith.muli %add3A_2235, %mul3A_2296 : i32
      %add3A_2298 = arith.constant 48 : i32
      %add3A_2299 = arith.addi %mul3A_2297, %add3A_2298 : i32
      %get3A_2300 = arith.index_cast %add3A_2299 : i32 to index
      %get3A_2301 = tpu.vector_load %arg5[%get3A_2300] {strides = array<i32>} : memref<32768xi32, #tpu.memory_space<vmem>>, vector<16xi32>,
      %get3A_2302 = vector.shape_cast %get3A_2301 : vector<16xi32> to vector<16xi32>
      %shift_right_logical3A_2303 = arith.constant 7 : i32
      %shift_right_logical3A_2304 = vector.broadcast %shift_right_logical3A_2303 : i32 to vector<16xi32>
      %shift_right_logical3A_2305 = arith.shrui %get3A_2302, %shift_right_logical3A_2304 : vector<16xi32>
      %mul3A_2306 = arith.constant 896 : i32
      %mul3A_2307 = vector.broadcast %mul3A_2306 : i32 to vector<16xi32>
      %mul3A_2308 = arith.muli %shift_right_logical3A_2305, %mul3A_2307 : vector<16xi32>
      %add3A_2309 = arith.addi %get3A_2302, %mul3A_2308 : vector<16xi32>
      %add3A_2310 = vector.broadcast %add3A_2227 : i32 to vector<16xi32>
      %add3A_2311 = arith.addi %add3A_2309, %add3A_2310 : vector<16xi32>
      %swap3A_2312 = arith.index_cast %add3A_2299 : i32 to index
      %swap3A_2313 = tpu.vector_load %arg5[%swap3A_2312] {strides = array<i32>} : memref<32768xi32, #tpu.memory_space<vmem>>, vector<16xi32>,
      %swap3A_2314 = vector.shape_cast %swap3A_2313 : vector<16xi32> to vector<16xi32>
      %swap3A_2315 = vector.shape_cast %add3A_2311 : vector<16xi32> to vector<16xi32>
      tpu.vector_store %arg5[%swap3A_2312], %swap3A_2315 {strides = array<i32>} : memref<32768xi32, #tpu.memory_space<vmem>>, vector<16xi32>,
      %mul3A_2316 = arith.constant 128 : i32
      %mul3A_2317 = arith.muli %add3A_2235, %mul3A_2316 : i32
      %add3A_2318 = arith.constant 64 : i32
      %add3A_2319 = arith.addi %mul3A_2317, %add3A_2318 : i32
      %get3A_2320 = arith.index_cast %add3A_2319 : i32 to index
      %get3A_2321 = tpu.vector_load %arg5[%get3A_2320] {strides = array<i32>} : memref<32768xi32, #tpu.memory_space<vmem>>, vector<16xi32>,
      %get3A_2322 = vector.shape_cast %get3A_2321 : vector<16xi32> to vector<16xi32>
      %shift_right_logical3A_2323 = arith.constant 7 : i32
      %shift_right_logical3A_2324 = vector.broadcast %shift_right_logical3A_2323 : i32 to vector<16xi32>
      %shift_right_logical3A_2325 = arith.shrui %get3A_2322, %shift_right_logical3A_2324 : vector<16xi32>
      %mul3A_2326 = arith.constant 896 : i32
      %mul3A_2327 = vector.broadcast %mul3A_2326 : i32 to vector<16xi32>
      %mul3A_2328 = arith.muli %shift_right_logical3A_2325, %mul3A_2327 : vector<16xi32>
      %add3A_2329 = arith.addi %get3A_2322, %mul3A_2328 : vector<16xi32>
      %add3A_2330 = vector.broadcast %add3A_2227 : i32 to vector<16xi32>
      %add3A_2331 = arith.addi %add3A_2329, %add3A_2330 : vector<16xi32>
      %swap3A_2332 = arith.index_cast %add3A_2319 : i32 to index
      %swap3A_2333 = tpu.vector_load %arg5[%swap3A_2332] {strides = array<i32>} : memref<32768xi32, #tpu.memory_space<vmem>>, vector<16xi32>,
      %swap3A_2334 = vector.shape_cast %swap3A_2333 : vector<16xi32> to vector<16xi32>
      %swap3A_2335 = vector.shape_cast %add3A_2331 : vector<16xi32> to vector<16xi32>
      tpu.vector_store %arg5[%swap3A_2332], %swap3A_2335 {strides = array<i32>} : memref<32768xi32, #tpu.memory_space<vmem>>, vector<16xi32>,
      %mul3A_2336 = arith.constant 128 : i32
      %mul3A_2337 = arith.muli %add3A_2235, %mul3A_2336 : i32
      %add3A_2338 = arith.constant 80 : i32
      %add3A_2339 = arith.addi %mul3A_2337, %add3A_2338 : i32
      %get3A_2340 = arith.index_cast %add3A_2339 : i32 to index
      %get3A_2341 = tpu.vector_load %arg5[%get3A_2340] {strides = array<i32>} : memref<32768xi32, #tpu.memory_space<vmem>>, vector<16xi32>,
      %get3A_2342 = vector.shape_cast %get3A_2341 : vector<16xi32> to vector<16xi32>
      %shift_right_logical3A_2343 = arith.constant 7 : i32
      %shift_right_logical3A_2344 = vector.broadcast %shift_right_logical3A_2343 : i32 to vector<16xi32>
      %shift_right_logical3A_2345 = arith.shrui %get3A_2342, %shift_right_logical3A_2344 : vector<16xi32>
      %mul3A_2346 = arith.constant 896 : i32
      %mul3A_2347 = vector.broadcast %mul3A_2346 : i32 to vector<16xi32>
      %mul3A_2348 = arith.muli %shift_right_logical3A_2345, %mul3A_2347 : vector<16xi32>
      %add3A_2349 = arith.addi %get3A_2342, %mul3A_2348 : vector<16xi32>
      %add3A_2350 = vector.broadcast %add3A_2227 : i32 to vector<16xi32>
      %add3A_2351 = arith.addi %add3A_2349, %add3A_2350 : vector<16xi32>
      %swap3A_2352 = arith.index_cast %add3A_2339 : i32 to index
      %swap3A_2353 = tpu.vector_load %arg5[%swap3A_2352] {strides = array<i32>} : memref<32768xi32, #tpu.memory_space<vmem>>, vector<16xi32>,
      %swap3A_2354 = vector.shape_cast %swap3A_2353 : vector<16xi32> to vector<16xi32>
      %swap3A_2355 = vector.shape_cast %add3A_2351 : vector<16xi32> to vector<16xi32>
      tpu.vector_store %arg5[%swap3A_2352], %swap3A_2355 {strides = array<i32>} : memref<32768xi32, #tpu.memory_space<vmem>>, vector<16xi32>,
      %mul3A_2356 = arith.constant 128 : i32
      %mul3A_2357 = arith.muli %add3A_2235, %mul3A_2356 : i32
      %add3A_2358 = arith.constant 96 : i32
      %add3A_2359 = arith.addi %mul3A_2357, %add3A_2358 : i32
      %get3A_2360 = arith.index_cast %add3A_2359 : i32 to index
      %get3A_2361 = tpu.vector_load %arg5[%get3A_2360] {strides = array<i32>} : memref<32768xi32, #tpu.memory_space<vmem>>, vector<16xi32>,
      %get3A_2362 = vector.shape_cast %get3A_2361 : vector<16xi32> to vector<16xi32>
      %shift_right_logical3A_2363 = arith.constant 7 : i32
      %shift_right_logical3A_2364 = vector.broadcast %shift_right_logical3A_2363 : i32 to vector<16xi32>
      %shift_right_logical3A_2365 = arith.shrui %get3A_2362, %shift_right_logical3A_2364 : vector<16xi32>
      %mul3A_2366 = arith.constant 896 : i32
      %mul3A_2367 = vector.broadcast %mul3A_2366 : i32 to vector<16xi32>
      %mul3A_2368 = arith.muli %shift_right_logical3A_2365, %mul3A_2367 : vector<16xi32>
      %add3A_2369 = arith.addi %get3A_2362, %mul3A_2368 : vector<16xi32>
      %add3A_2370 = vector.broadcast %add3A_2227 : i32 to vector<16xi32>
      %add3A_2371 = arith.addi %add3A_2369, %add3A_2370 : vector<16xi32>
      %swap3A_2372 = arith.index_cast %add3A_2359 : i32 to index
      %swap3A_2373 = tpu.vector_load %arg5[%swap3A_2372] {strides = array<i32>} : memref<32768xi32, #tpu.memory_space<vmem>>, vector<16xi32>,
      %swap3A_2374 = vector.shape_cast %swap3A_2373 : vector<16xi32> to vector<16xi32>
      %swap3A_2375 = vector.shape_cast %add3A_2371 : vector<16xi32> to vector<16xi32>
      tpu.vector_store %arg5[%swap3A_2372], %swap3A_2375 {strides = array<i32>} : memref<32768xi32, #tpu.memory_space<vmem>>, vector<16xi32>,
      %mul3A_2376 = arith.constant 128 : i32
      %mul3A_2377 = arith.muli %add3A_2235, %mul3A_2376 : i32
      %add3A_2378 = arith.constant 112 : i32
      %add3A_2379 = arith.addi %mul3A_2377, %add3A_2378 : i32
      %get3A_2380 = arith.index_cast %add3A_2379 : i32 to index
      %get3A_2381 = tpu.vector_load %arg5[%get3A_2380] {strides = array<i32>} : memref<32768xi32, #tpu.memory_space<vmem>>, vector<16xi32>,
      %get3A_2382 = vector.shape_cast %get3A_2381 : vector<16xi32> to vector<16xi32>
      %shift_right_logical3A_2383 = arith.constant 7 : i32
      %shift_right_logical3A_2384 = vector.broadcast %shift_right_logical3A_2383 : i32 to vector<16xi32>
      %shift_right_logical3A_2385 = arith.shrui %get3A_2382, %shift_right_logical3A_2384 : vector<16xi32>
      %mul3A_2386 = arith.constant 896 : i32
      %mul3A_2387 = vector.broadcast %mul3A_2386 : i32 to vector<16xi32>
      %mul3A_2388 = arith.muli %shift_right_logical3A_2385, %mul3A_2387 : vector<16xi32>
      %add3A_2389 = arith.addi %get3A_2382, %mul3A_2388 : vector<16xi32>
      %add3A_2390 = vector.broadcast %add3A_2227 : i32 to vector<16xi32>
      %add3A_2391 = arith.addi %add3A_2389, %add3A_2390 : vector<16xi32>
      %swap3A_2392 = arith.index_cast %add3A_2379 : i32 to index
      %swap3A_2393 = tpu.vector_load %arg5[%swap3A_2392] {strides = array<i32>} : memref<32768xi32, #tpu.memory_space<vmem>>, vector<16xi32>,
      %swap3A_2394 = vector.shape_cast %swap3A_2393 : vector<16xi32> to vector<16xi32>
      %swap3A_2395 = vector.shape_cast %add3A_2391 : vector<16xi32> to vector<16xi32>
      tpu.vector_store %arg5[%swap3A_2392], %swap3A_2395 {strides = array<i32>} : memref<32768xi32, #tpu.memory_space<vmem>>, vector<16xi32>,
      %add3A_2396 = arith.constant 768 : i32
      %add3A_2397 = arith.addi %mul3A_18, %add3A_2396 : i32
      %mul3A_2398 = arith.constant 2 : i32
      %mul3A_2399 = arith.muli %add3A_15, %mul3A_2398 : i32
      %add3A_2400 = arith.constant 1 : i32
      %add3A_2401 = arith.addi %mul3A_2399, %add3A_2400 : i32
      %mul3A_2402 = arith.constant 8 : i32
      %mul3A_2403 = arith.muli %add3A_2401, %mul3A_2402 : i32
      %add3A_2404 = arith.constant 6 : i32
      %add3A_2405 = arith.addi %mul3A_2403, %add3A_2404 : i32
      %mul3A_2406 = arith.constant 128 : i32
      %mul3A_2407 = arith.muli %add3A_2405, %mul3A_2406 : i32
      %add3A_2408 = arith.constant 0 : i32
      %add3A_2409 = arith.addi %mul3A_2407, %add3A_2408 : i32
      %get3A_2410 = arith.index_cast %add3A_2409 : i32 to index
      %get3A_2411 = tpu.vector_load %arg5[%get3A_2410] {strides = array<i32>} : memref<32768xi32, #tpu.memory_space<vmem>>, vector<16xi32>,
      %get3A_2412 = vector.shape_cast %get3A_2411 : vector<16xi32> to vector<16xi32>
      %shift_right_logical3A_2413 = arith.constant 7 : i32
      %shift_right_logical3A_2414 = vector.broadcast %shift_right_logical3A_2413 : i32 to vector<16xi32>
      %shift_right_logical3A_2415 = arith.shrui %get3A_2412, %shift_right_logical3A_2414 : vector<16xi32>
      %mul3A_2416 = arith.constant 896 : i32
      %mul3A_2417 = vector.broadcast %mul3A_2416 : i32 to vector<16xi32>
      %mul3A_2418 = arith.muli %shift_right_logical3A_2415, %mul3A_2417 : vector<16xi32>
      %add3A_2419 = arith.addi %get3A_2412, %mul3A_2418 : vector<16xi32>
      %add3A_2420 = vector.broadcast %add3A_2397 : i32 to vector<16xi32>
      %add3A_2421 = arith.addi %add3A_2419, %add3A_2420 : vector<16xi32>
      %swap3A_2422 = arith.index_cast %add3A_2409 : i32 to index
      %swap3A_2423 = tpu.vector_load %arg5[%swap3A_2422] {strides = array<i32>} : memref<32768xi32, #tpu.memory_space<vmem>>, vector<16xi32>,
      %swap3A_2424 = vector.shape_cast %swap3A_2423 : vector<16xi32> to vector<16xi32>
      %swap3A_2425 = vector.shape_cast %add3A_2421 : vector<16xi32> to vector<16xi32>
      tpu.vector_store %arg5[%swap3A_2422], %swap3A_2425 {strides = array<i32>} : memref<32768xi32, #tpu.memory_space<vmem>>, vector<16xi32>,
      %mul3A_2426 = arith.constant 128 : i32
      %mul3A_2427 = arith.muli %add3A_2405, %mul3A_2426 : i32
      %add3A_2428 = arith.constant 16 : i32
      %add3A_2429 = arith.addi %mul3A_2427, %add3A_2428 : i32
      %get3A_2430 = arith.index_cast %add3A_2429 : i32 to index
      %get3A_2431 = tpu.vector_load %arg5[%get3A_2430] {strides = array<i32>} : memref<32768xi32, #tpu.memory_space<vmem>>, vector<16xi32>,
      %get3A_2432 = vector.shape_cast %get3A_2431 : vector<16xi32> to vector<16xi32>
      %shift_right_logical3A_2433 = arith.constant 7 : i32
      %shift_right_logical3A_2434 = vector.broadcast %shift_right_logical3A_2433 : i32 to vector<16xi32>
      %shift_right_logical3A_2435 = arith.shrui %get3A_2432, %shift_right_logical3A_2434 : vector<16xi32>
      %mul3A_2436 = arith.constant 896 : i32
      %mul3A_2437 = vector.broadcast %mul3A_2436 : i32 to vector<16xi32>
      %mul3A_2438 = arith.muli %shift_right_logical3A_2435, %mul3A_2437 : vector<16xi32>
      %add3A_2439 = arith.addi %get3A_2432, %mul3A_2438 : vector<16xi32>
      %add3A_2440 = vector.broadcast %add3A_2397 : i32 to vector<16xi32>
      %add3A_2441 = arith.addi %add3A_2439, %add3A_2440 : vector<16xi32>
      %swap3A_2442 = arith.index_cast %add3A_2429 : i32 to index
      %swap3A_2443 = tpu.vector_load %arg5[%swap3A_2442] {strides = array<i32>} : memref<32768xi32, #tpu.memory_space<vmem>>, vector<16xi32>,
      %swap3A_2444 = vector.shape_cast %swap3A_2443 : vector<16xi32> to vector<16xi32>
      %swap3A_2445 = vector.shape_cast %add3A_2441 : vector<16xi32> to vector<16xi32>
      tpu.vector_store %arg5[%swap3A_2442], %swap3A_2445 {strides = array<i32>} : memref<32768xi32, #tpu.memory_space<vmem>>, vector<16xi32>,
      %mul3A_2446 = arith.constant 128 : i32
      %mul3A_2447 = arith.muli %add3A_2405, %mul3A_2446 : i32
      %add3A_2448 = arith.constant 32 : i32
      %add3A_2449 = arith.addi %mul3A_2447, %add3A_2448 : i32
      %get3A_2450 = arith.index_cast %add3A_2449 : i32 to index
      %get3A_2451 = tpu.vector_load %arg5[%get3A_2450] {strides = array<i32>} : memref<32768xi32, #tpu.memory_space<vmem>>, vector<16xi32>,
      %get3A_2452 = vector.shape_cast %get3A_2451 : vector<16xi32> to vector<16xi32>
      %shift_right_logical3A_2453 = arith.constant 7 : i32
      %shift_right_logical3A_2454 = vector.broadcast %shift_right_logical3A_2453 : i32 to vector<16xi32>
      %shift_right_logical3A_2455 = arith.shrui %get3A_2452, %shift_right_logical3A_2454 : vector<16xi32>
      %mul3A_2456 = arith.constant 896 : i32
      %mul3A_2457 = vector.broadcast %mul3A_2456 : i32 to vector<16xi32>
      %mul3A_2458 = arith.muli %shift_right_logical3A_2455, %mul3A_2457 : vector<16xi32>
      %add3A_2459 = arith.addi %get3A_2452, %mul3A_2458 : vector<16xi32>
      %add3A_2460 = vector.broadcast %add3A_2397 : i32 to vector<16xi32>
      %add3A_2461 = arith.addi %add3A_2459, %add3A_2460 : vector<16xi32>
      %swap3A_2462 = arith.index_cast %add3A_2449 : i32 to index
      %swap3A_2463 = tpu.vector_load %arg5[%swap3A_2462] {strides = array<i32>} : memref<32768xi32, #tpu.memory_space<vmem>>, vector<16xi32>,
      %swap3A_2464 = vector.shape_cast %swap3A_2463 : vector<16xi32> to vector<16xi32>
      %swap3A_2465 = vector.shape_cast %add3A_2461 : vector<16xi32> to vector<16xi32>
      tpu.vector_store %arg5[%swap3A_2462], %swap3A_2465 {strides = array<i32>} : memref<32768xi32, #tpu.memory_space<vmem>>, vector<16xi32>,
      %mul3A_2466 = arith.constant 128 : i32
      %mul3A_2467 = arith.muli %add3A_2405, %mul3A_2466 : i32
      %add3A_2468 = arith.constant 48 : i32
      %add3A_2469 = arith.addi %mul3A_2467, %add3A_2468 : i32
      %get3A_2470 = arith.index_cast %add3A_2469 : i32 to index
      %get3A_2471 = tpu.vector_load %arg5[%get3A_2470] {strides = array<i32>} : memref<32768xi32, #tpu.memory_space<vmem>>, vector<16xi32>,
      %get3A_2472 = vector.shape_cast %get3A_2471 : vector<16xi32> to vector<16xi32>
      %shift_right_logical3A_2473 = arith.constant 7 : i32
      %shift_right_logical3A_2474 = vector.broadcast %shift_right_logical3A_2473 : i32 to vector<16xi32>
      %shift_right_logical3A_2475 = arith.shrui %get3A_2472, %shift_right_logical3A_2474 : vector<16xi32>
      %mul3A_2476 = arith.constant 896 : i32
      %mul3A_2477 = vector.broadcast %mul3A_2476 : i32 to vector<16xi32>
      %mul3A_2478 = arith.muli %shift_right_logical3A_2475, %mul3A_2477 : vector<16xi32>
      %add3A_2479 = arith.addi %get3A_2472, %mul3A_2478 : vector<16xi32>
      %add3A_2480 = vector.broadcast %add3A_2397 : i32 to vector<16xi32>
      %add3A_2481 = arith.addi %add3A_2479, %add3A_2480 : vector<16xi32>
      %swap3A_2482 = arith.index_cast %add3A_2469 : i32 to index
      %swap3A_2483 = tpu.vector_load %arg5[%swap3A_2482] {strides = array<i32>} : memref<32768xi32, #tpu.memory_space<vmem>>, vector<16xi32>,
      %swap3A_2484 = vector.shape_cast %swap3A_2483 : vector<16xi32> to vector<16xi32>
      %swap3A_2485 = vector.shape_cast %add3A_2481 : vector<16xi32> to vector<16xi32>
      tpu.vector_store %arg5[%swap3A_2482], %swap3A_2485 {strides = array<i32>} : memref<32768xi32, #tpu.memory_space<vmem>>, vector<16xi32>,
      %mul3A_2486 = arith.constant 128 : i32
      %mul3A_2487 = arith.muli %add3A_2405, %mul3A_2486 : i32
      %add3A_2488 = arith.constant 64 : i32
      %add3A_2489 = arith.addi %mul3A_2487, %add3A_2488 : i32
      %get3A_2490 = arith.index_cast %add3A_2489 : i32 to index
      %get3A_2491 = tpu.vector_load %arg5[%get3A_2490] {strides = array<i32>} : memref<32768xi32, #tpu.memory_space<vmem>>, vector<16xi32>,
      %get3A_2492 = vector.shape_cast %get3A_2491 : vector<16xi32> to vector<16xi32>
      %shift_right_logical3A_2493 = arith.constant 7 : i32
      %shift_right_logical3A_2494 = vector.broadcast %shift_right_logical3A_2493 : i32 to vector<16xi32>
      %shift_right_logical3A_2495 = arith.shrui %get3A_2492, %shift_right_logical3A_2494 : vector<16xi32>
      %mul3A_2496 = arith.constant 896 : i32
      %mul3A_2497 = vector.broadcast %mul3A_2496 : i32 to vector<16xi32>
      %mul3A_2498 = arith.muli %shift_right_logical3A_2495, %mul3A_2497 : vector<16xi32>
      %add3A_2499 = arith.addi %get3A_2492, %mul3A_2498 : vector<16xi32>
      %add3A_2500 = vector.broadcast %add3A_2397 : i32 to vector<16xi32>
      %add3A_2501 = arith.addi %add3A_2499, %add3A_2500 : vector<16xi32>
      %swap3A_2502 = arith.index_cast %add3A_2489 : i32 to index
      %swap3A_2503 = tpu.vector_load %arg5[%swap3A_2502] {strides = array<i32>} : memref<32768xi32, #tpu.memory_space<vmem>>, vector<16xi32>,
      %swap3A_2504 = vector.shape_cast %swap3A_2503 : vector<16xi32> to vector<16xi32>
      %swap3A_2505 = vector.shape_cast %add3A_2501 : vector<16xi32> to vector<16xi32>
      tpu.vector_store %arg5[%swap3A_2502], %swap3A_2505 {strides = array<i32>} : memref<32768xi32, #tpu.memory_space<vmem>>, vector<16xi32>,
      %mul3A_2506 = arith.constant 128 : i32
      %mul3A_2507 = arith.muli %add3A_2405, %mul3A_2506 : i32
      %add3A_2508 = arith.constant 80 : i32
      %add3A_2509 = arith.addi %mul3A_2507, %add3A_2508 : i32
      %get3A_2510 = arith.index_cast %add3A_2509 : i32 to index
      %get3A_2511 = tpu.vector_load %arg5[%get3A_2510] {strides = array<i32>} : memref<32768xi32, #tpu.memory_space<vmem>>, vector<16xi32>,
      %get3A_2512 = vector.shape_cast %get3A_2511 : vector<16xi32> to vector<16xi32>
      %shift_right_logical3A_2513 = arith.constant 7 : i32
      %shift_right_logical3A_2514 = vector.broadcast %shift_right_logical3A_2513 : i32 to vector<16xi32>
      %shift_right_logical3A_2515 = arith.shrui %get3A_2512, %shift_right_logical3A_2514 : vector<16xi32>
      %mul3A_2516 = arith.constant 896 : i32
      %mul3A_2517 = vector.broadcast %mul3A_2516 : i32 to vector<16xi32>
      %mul3A_2518 = arith.muli %shift_right_logical3A_2515, %mul3A_2517 : vector<16xi32>
      %add3A_2519 = arith.addi %get3A_2512, %mul3A_2518 : vector<16xi32>
      %add3A_2520 = vector.broadcast %add3A_2397 : i32 to vector<16xi32>
      %add3A_2521 = arith.addi %add3A_2519, %add3A_2520 : vector<16xi32>
      %swap3A_2522 = arith.index_cast %add3A_2509 : i32 to index
      %swap3A_2523 = tpu.vector_load %arg5[%swap3A_2522] {strides = array<i32>} : memref<32768xi32, #tpu.memory_space<vmem>>, vector<16xi32>,
      %swap3A_2524 = vector.shape_cast %swap3A_2523 : vector<16xi32> to vector<16xi32>
      %swap3A_2525 = vector.shape_cast %add3A_2521 : vector<16xi32> to vector<16xi32>
      tpu.vector_store %arg5[%swap3A_2522], %swap3A_2525 {strides = array<i32>} : memref<32768xi32, #tpu.memory_space<vmem>>, vector<16xi32>,
      %mul3A_2526 = arith.constant 128 : i32
      %mul3A_2527 = arith.muli %add3A_2405, %mul3A_2526 : i32
      %add3A_2528 = arith.constant 96 : i32
      %add3A_2529 = arith.addi %mul3A_2527, %add3A_2528 : i32
      %get3A_2530 = arith.index_cast %add3A_2529 : i32 to index
      %get3A_2531 = tpu.vector_load %arg5[%get3A_2530] {strides = array<i32>} : memref<32768xi32, #tpu.memory_space<vmem>>, vector<16xi32>,
      %get3A_2532 = vector.shape_cast %get3A_2531 : vector<16xi32> to vector<16xi32>
      %shift_right_logical3A_2533 = arith.constant 7 : i32
      %shift_right_logical3A_2534 = vector.broadcast %shift_right_logical3A_2533 : i32 to vector<16xi32>
      %shift_right_logical3A_2535 = arith.shrui %get3A_2532, %shift_right_logical3A_2534 : vector<16xi32>
      %mul3A_2536 = arith.constant 896 : i32
      %mul3A_2537 = vector.broadcast %mul3A_2536 : i32 to vector<16xi32>
      %mul3A_2538 = arith.muli %shift_right_logical3A_2535, %mul3A_2537 : vector<16xi32>
      %add3A_2539 = arith.addi %get3A_2532, %mul3A_2538 : vector<16xi32>
      %add3A_2540 = vector.broadcast %add3A_2397 : i32 to vector<16xi32>
      %add3A_2541 = arith.addi %add3A_2539, %add3A_2540 : vector<16xi32>
      %swap3A_2542 = arith.index_cast %add3A_2529 : i32 to index
      %swap3A_2543 = tpu.vector_load %arg5[%swap3A_2542] {strides = array<i32>} : memref<32768xi32, #tpu.memory_space<vmem>>, vector<16xi32>,
      %swap3A_2544 = vector.shape_cast %swap3A_2543 : vector<16xi32> to vector<16xi32>
      %swap3A_2545 = vector.shape_cast %add3A_2541 : vector<16xi32> to vector<16xi32>
      tpu.vector_store %arg5[%swap3A_2542], %swap3A_2545 {strides = array<i32>} : memref<32768xi32, #tpu.memory_space<vmem>>, vector<16xi32>,
      %mul3A_2546 = arith.constant 128 : i32
      %mul3A_2547 = arith.muli %add3A_2405, %mul3A_2546 : i32
      %add3A_2548 = arith.constant 112 : i32
      %add3A_2549 = arith.addi %mul3A_2547, %add3A_2548 : i32
      %get3A_2550 = arith.index_cast %add3A_2549 : i32 to index
      %get3A_2551 = tpu.vector_load %arg5[%get3A_2550] {strides = array<i32>} : memref<32768xi32, #tpu.memory_space<vmem>>, vector<16xi32>,
      %get3A_2552 = vector.shape_cast %get3A_2551 : vector<16xi32> to vector<16xi32>
      %shift_right_logical3A_2553 = arith.constant 7 : i32
      %shift_right_logical3A_2554 = vector.broadcast %shift_right_logical3A_2553 : i32 to vector<16xi32>
      %shift_right_logical3A_2555 = arith.shrui %get3A_2552, %shift_right_logical3A_2554 : vector<16xi32>
      %mul3A_2556 = arith.constant 896 : i32
      %mul3A_2557 = vector.broadcast %mul3A_2556 : i32 to vector<16xi32>
      %mul3A_2558 = arith.muli %shift_right_logical3A_2555, %mul3A_2557 : vector<16xi32>
      %add3A_2559 = arith.addi %get3A_2552, %mul3A_2558 : vector<16xi32>
      %add3A_2560 = vector.broadcast %add3A_2397 : i32 to vector<16xi32>
      %add3A_2561 = arith.addi %add3A_2559, %add3A_2560 : vector<16xi32>
      %swap3A_2562 = arith.index_cast %add3A_2549 : i32 to index
      %swap3A_2563 = tpu.vector_load %arg5[%swap3A_2562] {strides = array<i32>} : memref<32768xi32, #tpu.memory_space<vmem>>, vector<16xi32>,
      %swap3A_2564 = vector.shape_cast %swap3A_2563 : vector<16xi32> to vector<16xi32>
      %swap3A_2565 = vector.shape_cast %add3A_2561 : vector<16xi32> to vector<16xi32>
      tpu.vector_store %arg5[%swap3A_2562], %swap3A_2565 {strides = array<i32>} : memref<32768xi32, #tpu.memory_space<vmem>>, vector<16xi32>,
      %add3A_2566 = arith.constant 896 : i32
      %add3A_2567 = arith.addi %mul3A_18, %add3A_2566 : i32
      %mul3A_2568 = arith.constant 2 : i32
      %mul3A_2569 = arith.muli %add3A_15, %mul3A_2568 : i32
      %add3A_2570 = arith.constant 1 : i32
      %add3A_2571 = arith.addi %mul3A_2569, %add3A_2570 : i32
      %mul3A_2572 = arith.constant 8 : i32
      %mul3A_2573 = arith.muli %add3A_2571, %mul3A_2572 : i32
      %add3A_2574 = arith.constant 7 : i32
      %add3A_2575 = arith.addi %mul3A_2573, %add3A_2574 : i32
      %mul3A_2576 = arith.constant 128 : i32
      %mul3A_2577 = arith.muli %add3A_2575, %mul3A_2576 : i32
      %add3A_2578 = arith.constant 0 : i32
      %add3A_2579 = arith.addi %mul3A_2577, %add3A_2578 : i32
      %get3A_2580 = arith.index_cast %add3A_2579 : i32 to index
      %get3A_2581 = tpu.vector_load %arg5[%get3A_2580] {strides = array<i32>} : memref<32768xi32, #tpu.memory_space<vmem>>, vector<16xi32>,
      %get3A_2582 = vector.shape_cast %get3A_2581 : vector<16xi32> to vector<16xi32>
      %shift_right_logical3A_2583 = arith.constant 7 : i32
      %shift_right_logical3A_2584 = vector.broadcast %shift_right_logical3A_2583 : i32 to vector<16xi32>
      %shift_right_logical3A_2585 = arith.shrui %get3A_2582, %shift_right_logical3A_2584 : vector<16xi32>
      %mul3A_2586 = arith.constant 896 : i32
      %mul3A_2587 = vector.broadcast %mul3A_2586 : i32 to vector<16xi32>
      %mul3A_2588 = arith.muli %shift_right_logical3A_2585, %mul3A_2587 : vector<16xi32>
      %add3A_2589 = arith.addi %get3A_2582, %mul3A_2588 : vector<16xi32>
      %add3A_2590 = vector.broadcast %add3A_2567 : i32 to vector<16xi32>
      %add3A_2591 = arith.addi %add3A_2589, %add3A_2590 : vector<16xi32>
      %swap3A_2592 = arith.index_cast %add3A_2579 : i32 to index
      %swap3A_2593 = tpu.vector_load %arg5[%swap3A_2592] {strides = array<i32>} : memref<32768xi32, #tpu.memory_space<vmem>>, vector<16xi32>,
      %swap3A_2594 = vector.shape_cast %swap3A_2593 : vector<16xi32> to vector<16xi32>
      %swap3A_2595 = vector.shape_cast %add3A_2591 : vector<16xi32> to vector<16xi32>
      tpu.vector_store %arg5[%swap3A_2592], %swap3A_2595 {strides = array<i32>} : memref<32768xi32, #tpu.memory_space<vmem>>, vector<16xi32>,
      %mul3A_2596 = arith.constant 128 : i32
      %mul3A_2597 = arith.muli %add3A_2575, %mul3A_2596 : i32
      %add3A_2598 = arith.constant 16 : i32
      %add3A_2599 = arith.addi %mul3A_2597, %add3A_2598 : i32
      %get3A_2600 = arith.index_cast %add3A_2599 : i32 to index
      %get3A_2601 = tpu.vector_load %arg5[%get3A_2600] {strides = array<i32>} : memref<32768xi32, #tpu.memory_space<vmem>>, vector<16xi32>,
      %get3A_2602 = vector.shape_cast %get3A_2601 : vector<16xi32> to vector<16xi32>
      %shift_right_logical3A_2603 = arith.constant 7 : i32
      %shift_right_logical3A_2604 = vector.broadcast %shift_right_logical3A_2603 : i32 to vector<16xi32>
      %shift_right_logical3A_2605 = arith.shrui %get3A_2602, %shift_right_logical3A_2604 : vector<16xi32>
      %mul3A_2606 = arith.constant 896 : i32
      %mul3A_2607 = vector.broadcast %mul3A_2606 : i32 to vector<16xi32>
      %mul3A_2608 = arith.muli %shift_right_logical3A_2605, %mul3A_2607 : vector<16xi32>
      %add3A_2609 = arith.addi %get3A_2602, %mul3A_2608 : vector<16xi32>
      %add3A_2610 = vector.broadcast %add3A_2567 : i32 to vector<16xi32>
      %add3A_2611 = arith.addi %add3A_2609, %add3A_2610 : vector<16xi32>
      %swap3A_2612 = arith.index_cast %add3A_2599 : i32 to index
      %swap3A_2613 = tpu.vector_load %arg5[%swap3A_2612] {strides = array<i32>} : memref<32768xi32, #tpu.memory_space<vmem>>, vector<16xi32>,
      %swap3A_2614 = vector.shape_cast %swap3A_2613 : vector<16xi32> to vector<16xi32>
      %swap3A_2615 = vector.shape_cast %add3A_2611 : vector<16xi32> to vector<16xi32>
      tpu.vector_store %arg5[%swap3A_2612], %swap3A_2615 {strides = array<i32>} : memref<32768xi32, #tpu.memory_space<vmem>>, vector<16xi32>,
      %mul3A_2616 = arith.constant 128 : i32
      %mul3A_2617 = arith.muli %add3A_2575, %mul3A_2616 : i32
      %add3A_2618 = arith.constant 32 : i32
      %add3A_2619 = arith.addi %mul3A_2617, %add3A_2618 : i32
      %get3A_2620 = arith.index_cast %add3A_2619 : i32 to index
      %get3A_2621 = tpu.vector_load %arg5[%get3A_2620] {strides = array<i32>} : memref<32768xi32, #tpu.memory_space<vmem>>, vector<16xi32>,
      %get3A_2622 = vector.shape_cast %get3A_2621 : vector<16xi32> to vector<16xi32>
      %shift_right_logical3A_2623 = arith.constant 7 : i32
      %shift_right_logical3A_2624 = vector.broadcast %shift_right_logical3A_2623 : i32 to vector<16xi32>
      %shift_right_logical3A_2625 = arith.shrui %get3A_2622, %shift_right_logical3A_2624 : vector<16xi32>
      %mul3A_2626 = arith.constant 896 : i32
      %mul3A_2627 = vector.broadcast %mul3A_2626 : i32 to vector<16xi32>
      %mul3A_2628 = arith.muli %shift_right_logical3A_2625, %mul3A_2627 : vector<16xi32>
      %add3A_2629 = arith.addi %get3A_2622, %mul3A_2628 : vector<16xi32>
      %add3A_2630 = vector.broadcast %add3A_2567 : i32 to vector<16xi32>
      %add3A_2631 = arith.addi %add3A_2629, %add3A_2630 : vector<16xi32>
      %swap3A_2632 = arith.index_cast %add3A_2619 : i32 to index
      %swap3A_2633 = tpu.vector_load %arg5[%swap3A_2632] {strides = array<i32>} : memref<32768xi32, #tpu.memory_space<vmem>>, vector<16xi32>,
      %swap3A_2634 = vector.shape_cast %swap3A_2633 : vector<16xi32> to vector<16xi32>
      %swap3A_2635 = vector.shape_cast %add3A_2631 : vector<16xi32> to vector<16xi32>
      tpu.vector_store %arg5[%swap3A_2632], %swap3A_2635 {strides = array<i32>} : memref<32768xi32, #tpu.memory_space<vmem>>, vector<16xi32>,
      %mul3A_2636 = arith.constant 128 : i32
      %mul3A_2637 = arith.muli %add3A_2575, %mul3A_2636 : i32
      %add3A_2638 = arith.constant 48 : i32
      %add3A_2639 = arith.addi %mul3A_2637, %add3A_2638 : i32
      %get3A_2640 = arith.index_cast %add3A_2639 : i32 to index
      %get3A_2641 = tpu.vector_load %arg5[%get3A_2640] {strides = array<i32>} : memref<32768xi32, #tpu.memory_space<vmem>>, vector<16xi32>,
      %get3A_2642 = vector.shape_cast %get3A_2641 : vector<16xi32> to vector<16xi32>
      %shift_right_logical3A_2643 = arith.constant 7 : i32
      %shift_right_logical3A_2644 = vector.broadcast %shift_right_logical3A_2643 : i32 to vector<16xi32>
      %shift_right_logical3A_2645 = arith.shrui %get3A_2642, %shift_right_logical3A_2644 : vector<16xi32>
      %mul3A_2646 = arith.constant 896 : i32
      %mul3A_2647 = vector.broadcast %mul3A_2646 : i32 to vector<16xi32>
      %mul3A_2648 = arith.muli %shift_right_logical3A_2645, %mul3A_2647 : vector<16xi32>
      %add3A_2649 = arith.addi %get3A_2642, %mul3A_2648 : vector<16xi32>
      %add3A_2650 = vector.broadcast %add3A_2567 : i32 to vector<16xi32>
      %add3A_2651 = arith.addi %add3A_2649, %add3A_2650 : vector<16xi32>
      %swap3A_2652 = arith.index_cast %add3A_2639 : i32 to index
      %swap3A_2653 = tpu.vector_load %arg5[%swap3A_2652] {strides = array<i32>} : memref<32768xi32, #tpu.memory_space<vmem>>, vector<16xi32>,
      %swap3A_2654 = vector.shape_cast %swap3A_2653 : vector<16xi32> to vector<16xi32>
      %swap3A_2655 = vector.shape_cast %add3A_2651 : vector<16xi32> to vector<16xi32>
      tpu.vector_store %arg5[%swap3A_2652], %swap3A_2655 {strides = array<i32>} : memref<32768xi32, #tpu.memory_space<vmem>>, vector<16xi32>,
      %mul3A_2656 = arith.constant 128 : i32
      %mul3A_2657 = arith.muli %add3A_2575, %mul3A_2656 : i32
      %add3A_2658 = arith.constant 64 : i32
      %add3A_2659 = arith.addi %mul3A_2657, %add3A_2658 : i32
      %get3A_2660 = arith.index_cast %add3A_2659 : i32 to index
      %get3A_2661 = tpu.vector_load %arg5[%get3A_2660] {strides = array<i32>} : memref<32768xi32, #tpu.memory_space<vmem>>, vector<16xi32>,
      %get3A_2662 = vector.shape_cast %get3A_2661 : vector<16xi32> to vector<16xi32>
      %shift_right_logical3A_2663 = arith.constant 7 : i32
      %shift_right_logical3A_2664 = vector.broadcast %shift_right_logical3A_2663 : i32 to vector<16xi32>
      %shift_right_logical3A_2665 = arith.shrui %get3A_2662, %shift_right_logical3A_2664 : vector<16xi32>
      %mul3A_2666 = arith.constant 896 : i32
      %mul3A_2667 = vector.broadcast %mul3A_2666 : i32 to vector<16xi32>
      %mul3A_2668 = arith.muli %shift_right_logical3A_2665, %mul3A_2667 : vector<16xi32>
      %add3A_2669 = arith.addi %get3A_2662, %mul3A_2668 : vector<16xi32>
      %add3A_2670 = vector.broadcast %add3A_2567 : i32 to vector<16xi32>
      %add3A_2671 = arith.addi %add3A_2669, %add3A_2670 : vector<16xi32>
      %swap3A_2672 = arith.index_cast %add3A_2659 : i32 to index
      %swap3A_2673 = tpu.vector_load %arg5[%swap3A_2672] {strides = array<i32>} : memref<32768xi32, #tpu.memory_space<vmem>>, vector<16xi32>,
      %swap3A_2674 = vector.shape_cast %swap3A_2673 : vector<16xi32> to vector<16xi32>
      %swap3A_2675 = vector.shape_cast %add3A_2671 : vector<16xi32> to vector<16xi32>
      tpu.vector_store %arg5[%swap3A_2672], %swap3A_2675 {strides = array<i32>} : memref<32768xi32, #tpu.memory_space<vmem>>, vector<16xi32>,
      %mul3A_2676 = arith.constant 128 : i32
      %mul3A_2677 = arith.muli %add3A_2575, %mul3A_2676 : i32
      %add3A_2678 = arith.constant 80 : i32
      %add3A_2679 = arith.addi %mul3A_2677, %add3A_2678 : i32
      %get3A_2680 = arith.index_cast %add3A_2679 : i32 to index
      %get3A_2681 = tpu.vector_load %arg5[%get3A_2680] {strides = array<i32>} : memref<32768xi32, #tpu.memory_space<vmem>>, vector<16xi32>,
      %get3A_2682 = vector.shape_cast %get3A_2681 : vector<16xi32> to vector<16xi32>
      %shift_right_logical3A_2683 = arith.constant 7 : i32
      %shift_right_logical3A_2684 = vector.broadcast %shift_right_logical3A_2683 : i32 to vector<16xi32>
      %shift_right_logical3A_2685 = arith.shrui %get3A_2682, %shift_right_logical3A_2684 : vector<16xi32>
      %mul3A_2686 = arith.constant 896 : i32
      %mul3A_2687 = vector.broadcast %mul3A_2686 : i32 to vector<16xi32>
      %mul3A_2688 = arith.muli %shift_right_logical3A_2685, %mul3A_2687 : vector<16xi32>
      %add3A_2689 = arith.addi %get3A_2682, %mul3A_2688 : vector<16xi32>
      %add3A_2690 = vector.broadcast %add3A_2567 : i32 to vector<16xi32>
      %add3A_2691 = arith.addi %add3A_2689, %add3A_2690 : vector<16xi32>
      %swap3A_2692 = arith.index_cast %add3A_2679 : i32 to index
      %swap3A_2693 = tpu.vector_load %arg5[%swap3A_2692] {strides = array<i32>} : memref<32768xi32, #tpu.memory_space<vmem>>, vector<16xi32>,
      %swap3A_2694 = vector.shape_cast %swap3A_2693 : vector<16xi32> to vector<16xi32>
      %swap3A_2695 = vector.shape_cast %add3A_2691 : vector<16xi32> to vector<16xi32>
      tpu.vector_store %arg5[%swap3A_2692], %swap3A_2695 {strides = array<i32>} : memref<32768xi32, #tpu.memory_space<vmem>>, vector<16xi32>,
      %mul3A_2696 = arith.constant 128 : i32
      %mul3A_2697 = arith.muli %add3A_2575, %mul3A_2696 : i32
      %add3A_2698 = arith.constant 96 : i32
      %add3A_2699 = arith.addi %mul3A_2697, %add3A_2698 : i32
      %get3A_2700 = arith.index_cast %add3A_2699 : i32 to index
      %get3A_2701 = tpu.vector_load %arg5[%get3A_2700] {strides = array<i32>} : memref<32768xi32, #tpu.memory_space<vmem>>, vector<16xi32>,
      %get3A_2702 = vector.shape_cast %get3A_2701 : vector<16xi32> to vector<16xi32>
      %shift_right_logical3A_2703 = arith.constant 7 : i32
      %shift_right_logical3A_2704 = vector.broadcast %shift_right_logical3A_2703 : i32 to vector<16xi32>
      %shift_right_logical3A_2705 = arith.shrui %get3A_2702, %shift_right_logical3A_2704 : vector<16xi32>
      %mul3A_2706 = arith.constant 896 : i32
      %mul3A_2707 = vector.broadcast %mul3A_2706 : i32 to vector<16xi32>
      %mul3A_2708 = arith.muli %shift_right_logical3A_2705, %mul3A_2707 : vector<16xi32>
      %add3A_2709 = arith.addi %get3A_2702, %mul3A_2708 : vector<16xi32>
      %add3A_2710 = vector.broadcast %add3A_2567 : i32 to vector<16xi32>
      %add3A_2711 = arith.addi %add3A_2709, %add3A_2710 : vector<16xi32>
      %swap3A_2712 = arith.index_cast %add3A_2699 : i32 to index
      %swap3A_2713 = tpu.vector_load %arg5[%swap3A_2712] {strides = array<i32>} : memref<32768xi32, #tpu.memory_space<vmem>>, vector<16xi32>,
      %swap3A_2714 = vector.shape_cast %swap3A_2713 : vector<16xi32> to vector<16xi32>
      %swap3A_2715 = vector.shape_cast %add3A_2711 : vector<16xi32> to vector<16xi32>
      tpu.vector_store %arg5[%swap3A_2712], %swap3A_2715 {strides = array<i32>} : memref<32768xi32, #tpu.memory_space<vmem>>, vector<16xi32>,
      %mul3A_2716 = arith.constant 128 : i32
      %mul3A_2717 = arith.muli %add3A_2575, %mul3A_2716 : i32
      %add3A_2718 = arith.constant 112 : i32
      %add3A_2719 = arith.addi %mul3A_2717, %add3A_2718 : i32
      %get3A_2720 = arith.index_cast %add3A_2719 : i32 to index
      %get3A_2721 = tpu.vector_load %arg5[%get3A_2720] {strides = array<i32>} : memref<32768xi32, #tpu.memory_space<vmem>>, vector<16xi32>,
      %get3A_2722 = vector.shape_cast %get3A_2721 : vector<16xi32> to vector<16xi32>
      %shift_right_logical3A_2723 = arith.constant 7 : i32
      %shift_right_logical3A_2724 = vector.broadcast %shift_right_logical3A_2723 : i32 to vector<16xi32>
      %shift_right_logical3A_2725 = arith.shrui %get3A_2722, %shift_right_logical3A_2724 : vector<16xi32>
      %mul3A_2726 = arith.constant 896 : i32
      %mul3A_2727 = vector.broadcast %mul3A_2726 : i32 to vector<16xi32>
      %mul3A_2728 = arith.muli %shift_right_logical3A_2725, %mul3A_2727 : vector<16xi32>
      %add3A_2729 = arith.addi %get3A_2722, %mul3A_2728 : vector<16xi32>
      %add3A_2730 = vector.broadcast %add3A_2567 : i32 to vector<16xi32>
      %add3A_2731 = arith.addi %add3A_2729, %add3A_2730 : vector<16xi32>
      %swap3A_2732 = arith.index_cast %add3A_2719 : i32 to index
      %swap3A_2733 = tpu.vector_load %arg5[%swap3A_2732] {strides = array<i32>} : memref<32768xi32, #tpu.memory_space<vmem>>, vector<16xi32>,
      %swap3A_2734 = vector.shape_cast %swap3A_2733 : vector<16xi32> to vector<16xi32>
      %swap3A_2735 = vector.shape_cast %add3A_2731 : vector<16xi32> to vector<16xi32>
      tpu.vector_store %arg5[%swap3A_2732], %swap3A_2735 {strides = array<i32>} : memref<32768xi32, #tpu.memory_space<vmem>>, vector<16xi32>,
    }
    %scan3A_8 = arith.constant 16 : i32
    %dma_start3A = arith.constant 0 : i32
    %dma_start3A_9 = tpu.memref_slice %arg2[%dma_start3A] : memref<131072000xf32, #tpu.memory_space<hbm>> -> memref<131072000xf32, #tpu.memory_space<hbm>>
    tpu.enqueue_indirect_dma source(%dma_start3A_9 : memref<131072000xf32, #tpu.memory_space<hbm>>) target(%arg6 : memref<32768xf32, #tpu.memory_space<vmem>>) offsets(%arg5 : memref<32768xi32, #tpu.memory_space<vmem>>) semaphore(%arg7 : memref<!tpu.dma_semaphore, #tpu.memory_space<semaphore_mem>>)
    %dma_wait3A = arith.constant 0 : i32
    %dma_wait3A_10 = tpu.memref_slice %arg2[%dma_wait3A] : memref<131072000xf32, #tpu.memory_space<hbm>> -> memref<131072000xf32, #tpu.memory_space<hbm>>
    tpu.wait_indirect_dma semaphore(%arg7 : memref<!tpu.dma_semaphore, #tpu.memory_space<semaphore_mem>>) src(%dma_wait3A_10 : memref<131072000xf32, #tpu.memory_space<hbm>>) dst(%arg6 : memref<32768xf32, #tpu.memory_space<vmem>>)
    "tpu.region"() ({
      %run_scoped3A = tpu.sem_alloc : memref<!tpu.dma_semaphore, #tpu.memory_space<semaphore_mem>>
      %dma_start3A_11 = tpu.memref_slice %arg4[%mul3A_2] : memref<1048576xf32, #tpu.memory_space<hbm>> -> memref<32768xf32, #tpu.memory_space<hbm>>
      %dma_start3A_12 = tpu.memref_slice %arg4[%mul3A_2] : memref<1048576xf32, #tpu.memory_space<hbm>> -> memref<32768xf32, #tpu.memory_space<hbm>>
      tpu.enqueue_dma source(%arg6 : memref<32768xf32, #tpu.memory_space<vmem>>) target(%dma_start3A_12 : memref<32768xf32, #tpu.memory_space<hbm>>) target_semaphore(%run_scoped3A : memref<!tpu.dma_semaphore, #tpu.memory_space<semaphore_mem>>)
      %dma_wait3A_13 = tpu.memref_slice %arg4[%mul3A_2] : memref<1048576xf32, #tpu.memory_space<hbm>> -> memref<32768xf32, #tpu.memory_space<hbm>>
      %dma_wait3A_14 = tpu.memref_slice %arg4[%mul3A_2] : memref<1048576xf32, #tpu.memory_space<hbm>> -> memref<32768xf32, #tpu.memory_space<hbm>>
      tpu.wait_dma2 semaphore(%run_scoped3A : memref<!tpu.dma_semaphore, #tpu.memory_space<semaphore_mem>>) src(%arg6 : memref<32768xf32, #tpu.memory_space<vmem>>) dst(%dma_wait3A_14 : memref<32768xf32, #tpu.memory_space<hbm>>)
      tpu.yield
    }) : () -> ()
    return
  }
}

module attributes {stable_mosaic.version = 14 : i64} {
  func.func @_tc_loss_body(%arg0: i32, %arg1: memref<2048x256xf32, #tpu.memory_space<vmem>>, %arg2: memref<2048x256xf32, #tpu.memory_space<vmem>>, %arg3: memref<1x1x2048xf32, #tpu.memory_space<vmem>>, %arg4: memref<1x1xf32, #tpu.memory_space<vmem>>, %arg5: memref<2xf32, #tpu.memory_space<smem>>) attributes {dimension_semantics = [#tpu.dimension_semantics<arbitrary>], iteration_bounds = array<i64: 2>, scalar_prefetch = 0 : i64, scratch_operands = 1 : i64, tpu.core_type = #tpu.core_type<tc>, window_params = [{transform_indices = @transform_0, window_bounds = array<i64: 2048, 256>}, {transform_indices = @transform_1, window_bounds = array<i64: 2048, 256>}, {transform_indices = @transform_2, window_bounds = array<i64: 1, 1, 2048>}, {pipeline_mode = #tpu.pipeline_mode<synchronous>, transform_indices = @transform_3, window_bounds = array<i64: 1, 1>}]} {
    %get3A = arith.constant 0 : index
    %get3A_0 = arith.constant 0 : index
    %get3A_1 = vector.load %arg1[%get3A, %get3A_0] : memref<2048x256xf32, #tpu.memory_space<vmem>>, vector<2048x256xf32>
    %get3A_2 = arith.constant 0 : index
    %get3A_3 = arith.constant 0 : index
    %get3A_4 = vector.load %arg2[%get3A_2, %get3A_3] : memref<2048x256xf32, #tpu.memory_space<vmem>>, vector<2048x256xf32>
    %mul3A = arith.constant 0.333333343 : f32
    %mul3A_5 = vector.broadcast %mul3A : f32 to vector<2048x256xf32>
    %mul3A_6 = arith.mulf %get3A_4, %mul3A_5 : vector<2048x256xf32>
    %exp3A = math.exp %mul3A_6 : vector<2048x256xf32>
    %mul3A_7 = arith.constant 0.333333343 : f32
    %mul3A_8 = vector.broadcast %mul3A_7 : f32 to vector<2048x256xf32>
    %mul3A_9 = arith.mulf %get3A_1, %mul3A_8 : vector<2048x256xf32>
    %exp3A_10 = math.exp %mul3A_9 : vector<2048x256xf32>
    %reduce_sum3A = arith.constant dense<0.000000e+00> : vector<2048xf32>
    %reduce_sum3A_11 = vector.multi_reduction <add>, %exp3A, %reduce_sum3A [1] : vector<2048x256xf32> to vector<2048xf32>
    %reduce_sum3A_12 = arith.constant dense<0.000000e+00> : vector<2048xf32>
    %reduce_sum3A_13 = vector.multi_reduction <add>, %exp3A_10, %reduce_sum3A_12 [1] : vector<2048x256xf32> to vector<2048xf32>
    %sub3A = arith.subf %get3A_4, %get3A_1 : vector<2048x256xf32>
    %mul3A_14 = arith.mulf %exp3A, %sub3A : vector<2048x256xf32>
    %reduce_sum3A_15 = arith.constant dense<0.000000e+00> : vector<2048xf32>
    %reduce_sum3A_16 = vector.multi_reduction <add>, %mul3A_14, %reduce_sum3A_15 [1] : vector<2048x256xf32> to vector<2048xf32>
    %mul3A_17 = arith.constant 0.333333343 : f32
    %mul3A_18 = vector.broadcast %mul3A_17 : f32 to vector<2048xf32>
    %mul3A_19 = arith.mulf %mul3A_18, %reduce_sum3A_16 : vector<2048xf32>
    %div3A = arith.divf %mul3A_19, %reduce_sum3A_11 : vector<2048xf32>
    %log3A = math.log %reduce_sum3A_13 : vector<2048xf32>
    %add3A = arith.addf %div3A, %log3A : vector<2048xf32>
    %log3A_20 = math.log %reduce_sum3A_11 : vector<2048xf32>
    %sub3A_21 = arith.subf %add3A, %log3A_20 : vector<2048xf32>
    %get3A_22 = arith.constant 0 : index
    %get3A_23 = arith.constant 0 : index
    %get3A_24 = arith.constant 0 : index
    %get3A_25 = vector.load %arg3[%get3A_22, %get3A_23, %get3A_24] : memref<1x1x2048xf32, #tpu.memory_space<vmem>>, vector<1x1x2048xf32>
    %get3A_26 = vector.shape_cast %get3A_25 : vector<1x1x2048xf32> to vector<2048xf32>
    %mul3A_27 = arith.mulf %sub3A_21, %get3A_26 : vector<2048xf32>
    %reduce_sum3A_28 = vector.shape_cast %mul3A_27 : vector<2048xf32> to vector<1x2048xf32>
    %reduce_sum3A_29 = arith.constant dense<0.000000e+00> : vector<1xf32>
    %reduce_sum3A_30 = vector.multi_reduction <add>, %reduce_sum3A_28, %reduce_sum3A_29 [1] : vector<1x2048xf32> to vector<1xf32>
    %reduce_sum3A_31 = vector.shape_cast %reduce_sum3A_30 : vector<1xf32> to vector<1x1xf32>
    %reduce_sum3A_32 = vector.extract %reduce_sum3A_31[0, 0] : f32 from vector<1x1xf32>
    %reduce_sum3A_33 = vector.shape_cast %get3A_26 : vector<2048xf32> to vector<1x2048xf32>
    %reduce_sum3A_34 = arith.constant dense<0.000000e+00> : vector<1xf32>
    %reduce_sum3A_35 = vector.multi_reduction <add>, %reduce_sum3A_33, %reduce_sum3A_34 [1] : vector<1x2048xf32> to vector<1xf32>
    %reduce_sum3A_36 = vector.shape_cast %reduce_sum3A_35 : vector<1xf32> to vector<1x1xf32>
    %reduce_sum3A_37 = vector.extract %reduce_sum3A_36[0, 0] : f32 from vector<1x1xf32>
    %eq3A = arith.constant 0 : i32
    %eq3A_38 = arith.cmpi eq, %arg0, %eq3A : i32
    %convert_element_type3A = arith.extui %eq3A_38 : i1 to i32
    %cond3A = arith.constant 0 : i32
    %cond3A_39 = arith.cmpi ne, %convert_element_type3A, %cond3A : i32
    scf.if %cond3A_39 {
      %swap3A_54 = arith.constant 0.000000e+00 : f32
      %swap3A_55 = arith.constant 0 : index
      %swap3A_56 = memref.load %arg5[%swap3A_55] : memref<2xf32, #tpu.memory_space<smem>>
      memref.store %swap3A_54, %arg5[%swap3A_55] : memref<2xf32, #tpu.memory_space<smem>>
      %swap3A_57 = arith.constant 0.000000e+00 : f32
      %swap3A_58 = arith.constant 1 : index
      %swap3A_59 = memref.load %arg5[%swap3A_58] : memref<2xf32, #tpu.memory_space<smem>>
      memref.store %swap3A_57, %arg5[%swap3A_58] : memref<2xf32, #tpu.memory_space<smem>>
    } else {
    }
    %get3A_40 = arith.constant 0 : index
    %get3A_41 = memref.load %arg5[%get3A_40] : memref<2xf32, #tpu.memory_space<smem>>
    %add3A_42 = arith.addf %get3A_41, %reduce_sum3A_32 : f32
    %swap3A = arith.constant 0 : index
    %swap3A_43 = memref.load %arg5[%swap3A] : memref<2xf32, #tpu.memory_space<smem>>
    memref.store %add3A_42, %arg5[%swap3A] : memref<2xf32, #tpu.memory_space<smem>>
    %get3A_44 = arith.constant 1 : index
    %get3A_45 = memref.load %arg5[%get3A_44] : memref<2xf32, #tpu.memory_space<smem>>
    %add3A_46 = arith.addf %get3A_45, %reduce_sum3A_37 : f32
    %swap3A_47 = arith.constant 1 : index
    %swap3A_48 = memref.load %arg5[%swap3A_47] : memref<2xf32, #tpu.memory_space<smem>>
    memref.store %add3A_46, %arg5[%swap3A_47] : memref<2xf32, #tpu.memory_space<smem>>
    %eq3A_49 = arith.constant 1 : i32
    %eq3A_50 = arith.cmpi eq, %arg0, %eq3A_49 : i32
    %convert_element_type3A_51 = arith.extui %eq3A_50 : i1 to i32
    %cond3A_52 = arith.constant 0 : i32
    %cond3A_53 = arith.cmpi ne, %convert_element_type3A_51, %cond3A_52 : i32
    scf.if %cond3A_53 {
      %get3A_54 = arith.constant 0 : index
      %get3A_55 = memref.load %arg5[%get3A_54] : memref<2xf32, #tpu.memory_space<smem>>
      %mul3A_56 = arith.constant 9.000000e+00 : f32
      %mul3A_57 = arith.mulf %get3A_55, %mul3A_56 : f32
      %get3A_58 = arith.constant 1 : index
      %get3A_59 = memref.load %arg5[%get3A_58] : memref<2xf32, #tpu.memory_space<smem>>
      %max3A = arith.constant 1.000000e+00 : f32
      %max3A_60 = arith.maximumf %get3A_59, %max3A : f32
      %div3A_61 = arith.divf %mul3A_57, %max3A_60 : f32
      %reshape3A = vector.broadcast %div3A_61 : f32 to vector<1x1xf32>
      %swap3A_62 = arith.constant 0 : index
      %swap3A_63 = arith.constant 0 : index
      %swap3A_64 = vector.load %arg4[%swap3A_62, %swap3A_63] : memref<1x1xf32, #tpu.memory_space<vmem>>, vector<1x1xf32>
      tpu.vector_store %arg4[%swap3A_62, %swap3A_63], %reshape3A {strides = array<i32>} : memref<1x1xf32, #tpu.memory_space<vmem>>, vector<1x1xf32>,
    } else {
    }
    return
  }
  func.func @transform_0(%arg0: i32) -> (i32, i32) {
    %c0_i32 = arith.constant 0 : i32
    %c0_i32_0 = arith.constant 0 : i32
    return %arg0, %c0_i32 : i32, i32
  }
  func.func @transform_1(%arg0: i32) -> (i32, i32) {
    %c0_i32 = arith.constant 0 : i32
    %c0_i32_0 = arith.constant 0 : i32
    return %arg0, %c0_i32 : i32, i32
  }
  func.func @transform_2(%arg0: i32) -> (i32, i32, i32) {
    %c0_i32 = arith.constant 0 : i32
    %c0_i32_0 = arith.constant 0 : i32
    %c0_i32_1 = arith.constant 0 : i32
    return %arg0, %c0_i32, %c0_i32_0 : i32, i32, i32
  }
  func.func @transform_3(%arg0: i32) -> (i32, i32) {
    %c0_i32 = arith.constant 0 : i32
    %c0_i32_0 = arith.constant 0 : i32
    %c0_i32_1 = arith.constant 0 : i32
    return %c0_i32, %c0_i32_0 : i32, i32
  }
}

</mosaic_0001>

<sc_bundles>
// kernel: kernel.4.cloned.1.call-start
scs
__scs_entry_jumppad:
0x0: {  	(pc) =	sbr.rel $0x88, $3  }
0x1: {  	(tag) =	ssettag $0x0;
	lr =	simm.s32 $0x1  }
0x2: {  	[smem:$0x3F9D] =	sst lr;
	_ =	strace $0xD0000000  }
0x3: {  	_ = 	snop  }
0x4: {  	_ = 	snop  }
0x5: {  	_ = 	snop  }
0x6: {  	_ = 	snop  }
0x7: {  	_ = 	snop  }
__scs_overlays_trampoline_lowered:
0x8: {  	[smem:$0x3FAC] =	sst s0  }
0x9: {  	[smem:$0x3FAD] =	sst s1  }
0xa: {  	[smem:$0x3FAE] =	sst s2  }
0xb: {  	[smem:$0x3FAF] =	sst s3  }
0xc: {  	[smem:$0x3FB0] =	sst s4  }
0xd: {  	[smem:$0x3FB1] =	sst s5  }
0xe: {  	[smem:$0x3FB2] =	sst s6  }
0xf: {  	[smem:$0x3FB3] =	sst s7  }
0x10: {  	[smem:$0x3FB4] =	sst s8  }
0x11: {  	[smem:$0x3FB5] =	sst s9;
	s0 =	simm.s32 @!p0 $0x0  }
0x12: {  	s1 =	sld [smem:$0x3F9B];
	s0 =	simm.s32 @p0 $0x1  }
0x13: {  	[smem:$0x3FB6] =	sst s0;
	s0 =	simm.s32 @!p1 $0x0  }
0x14: {  	s2 =	sld [smem:$0x3F9A];
	s0 =	simm.s32 @p1 $0x1  }
0x15: {  	[smem:$0x3FB7] =	sst s0;
	s0 =	simm.s32 @!p2 $0x0  }
0x16: {  	s3 =	sld [smem:$0x3FDB];
	s0 =	simm.s32 @p2 $0x1  }
0x17: {  	s4 =	simm.s32 $0x1BF5;
	[smem:$0x3FB9] =	sst s0  }
0x18: {  	s0 =	sld [smem:$0x3F9C];
	_ =	swait.ge [sflag:s4], $0x0  }
0x19: {  	s7 =	sld [smem:$0x3F9D]  }
0x1a: {  	s8 =	sadd.s32 $0xFFFFE003, lr  }
0x1b: {  	s9 =	sadd.s32 $0xFFFFFEF7, lr;
	s5 =	simm.s32 $0xFFFFFFFF;
	p2 =	slt.u32 s8, $0xFFFFF086  }
0x1c: {  	p1 =	slt.u32 s9, $0xF7A;
	s5 =	simm.s32 @!p2 $0x0  }
0x1d: {  	s5 =	simm.s32 @p1 $0x1;
	p0 =	seq.s32 s7, s2  }
0x1e: {  	s7 =	smul.u32 @!p0 $0xF7A, s2;
	p2 =	seq.s32 @!p0 s5, $0x0  }
0x1f: {  	s9 =	smul.u32 $0xF7A, s1;
	s8 =	simm.s32 @!p0 $0x1BF5;
	p2 =	por !p2, p0  }
0x20: {  	[sflag:s8] =	ssyncset.s32 @!p0 $0xFFFFF086;
	s6 =	sadd.s32 @!p0 s3, s7;
	s7 =	simm.s32 @!p0 $0x108  }
0x21: {  	s3 =	sadd.s32 s3, s9;
	s6 =	sadd.s32 @!p0 $0x88, s6;
	s7 =	simm.s32 @p2 $0x1082  }
0x22: {  	[simem:s7], [sflag:s8] =	dma.local @!p0 [hbm:s6], $0xF7A  }
0x23: {  	s9 =	sor.u32 $0xD0000000, s2;
	s6 =	simm.s32 $0x108;
	_ =	swait.ge @!p0 [sflag:s8], $0x0  }
0x24: {  	s3 =	sadd.s32 $0x88, s3;
	s6 =	simm.s32 @!p1 $0x1082;
	[sflag:s4] =	ssyncset.s32 $0xFFFFF086  }
0x25: {  	[simem:s6], [sflag:s4] =	dma.local [hbm:s3], $0xF7A  }
0x26: {  	[smem:$0x3F9D] =	sst s1;
	(tag) =	ssettag s2;
	_ =	strace s9  }
0x27: {  	s1 =	sld [smem:$0x3FAD]  }
0x28: {  	s2 =	sld [smem:$0x3FAE]  }
0x29: {  	s4 =	sld [smem:$0x3FB0]  }
0x2a: {  	p0 =	seq.s32 s5, $0x0;
	s5 =	sld [smem:$0x3FB1]  }
0x2b: {  	s6 =	sld [smem:$0x3FB2]  }
0x2c: {  	s7 =	sld [smem:$0x3FB3]  }
0x2d: {  	s3 =	simm.s32 $0x108;
	s8 =	sld [smem:$0x3FB4]  }
0x2e: {  	s3 =	simm.s32 @!p0 $0x1082;
	s9 =	sld [smem:$0x3FB5]  }
0x2f: {  	lr =	sadd.s32 s0, s3;
	s0 =	sld [smem:$0x3FAC]  }
0x30: {  	s3 =	sld [smem:$0x3FAF]  }
0x31: {  	[smem:$0x3FB8] =	sst s10  }
0x32: {  	s10 =	sld [smem:$0x3FB6];
	_ =	sdelay $0x3  }
0x33: {  	p0 =	seq.s32 s10, $0x1;
	s10 =	sld [smem:$0x3FB8];
	_ =	sdelay $0x3  }
0x34: {  	[smem:$0x3FB8] =	sst s10  }
0x35: {  	s10 =	sld [smem:$0x3FB7];
	_ =	sdelay $0x3  }
0x36: {  	p1 =	seq.s32 s10, $0x1;
	s10 =	sld [smem:$0x3FB8];
	_ =	sdelay $0x3  }
0x37: {  	[smem:$0x3FB8] =	sst s10  }
0x38: {  	s10 =	sld [smem:$0x3FB9]  }
0x39: {  	_ = 	snop;
	(pc) =	sbr.ind lr, $3  }
0x3a: {  	_ = 	snop  }
0x3b: {  	_ = 	snop  }
0x3c: {  	p2 =	seq.s32 s10, $0x1;
	s10 =	sld [smem:$0x3FB8]  }
0x3d: {  	_ =	shalt  }
0x3e: {  	_ =	shalt  }
0x3f: {  	_ =	shalt  }
0x40: {  	_ =	shalt  }
0x41: {  	_ =	shalt  }
0x42: {  	_ =	shalt  }
0x43: {  	_ =	shalt  }
0x44: {  	_ =	shalt  }
0x45: {  	_ =	shalt  }
0x46: {  	_ =	shalt  }
0x47: {  	_ =	shalt  }
0x48: {  	_ =	shalt  }
0x49: {  	_ =	shalt  }
0x4a: {  	_ =	shalt  }
0x4b: {  	_ =	shalt  }
0x4c: {  	_ =	shalt  }
0x4d: {  	_ =	shalt  }
0x4e: {  	_ =	shalt  }
0x4f: {  	_ =	shalt  }
0x50: {  	_ =	shalt  }
0x51: {  	_ =	shalt  }
0x52: {  	_ =	shalt  }
0x53: {  	_ =	shalt  }
0x54: {  	_ =	shalt  }
0x55: {  	_ =	shalt  }
0x56: {  	_ =	shalt  }
0x57: {  	_ =	shalt  }
0x58: {  	_ =	shalt  }
0x59: {  	_ =	shalt  }
0x5a: {  	_ =	shalt  }
0x5b: {  	_ =	shalt  }
0x5c: {  	_ =	shalt  }
0x5d: {  	_ =	shalt  }
0x5e: {  	_ =	shalt  }
0x5f: {  	_ =	shalt  }
0x60: {  	_ =	shalt  }
0x61: {  	_ =	shalt  }
0x62: {  	_ =	shalt  }
0x63: {  	_ =	shalt  }
0x64: {  	_ =	shalt  }
0x65: {  	_ =	shalt  }
0x66: {  	_ =	shalt  }
0x67: {  	_ =	shalt  }
0x68: {  	_ =	shalt  }
0x69: {  	_ =	shalt  }
0x6a: {  	_ =	shalt  }
0x6b: {  	_ =	shalt  }
0x6c: {  	_ =	shalt  }
0x6d: {  	_ =	shalt  }
0x6e: {  	_ =	shalt  }
0x6f: {  	_ =	shalt  }
0x70: {  	_ =	shalt  }
0x71: {  	_ =	shalt  }
0x72: {  	_ =	shalt  }
0x73: {  	_ =	shalt  }
0x74: {  	_ =	shalt  }
0x75: {  	_ =	shalt  }
0x76: {  	_ =	shalt  }
0x77: {  	_ =	shalt  }
0x78: {  	_ =	shalt  }
0x79: {  	_ =	shalt  }
0x7a: {  	_ =	shalt  }
0x7b: {  	_ =	shalt  }
0x7c: {  	_ =	shalt  }
0x7d: {  	_ =	shalt  }
0x7e: {  	_ =	shalt  }
0x7f: {  	_ =	shalt  }
0x80: {  	_ =	shalt  }
0x81: {  	_ =	shalt  }
0x82: {  	_ =	shalt  }
0x83: {  	_ =	shalt  }
0x84: {  	_ =	shalt  }
0x85: {  	_ =	shalt  }
0x86: {  	_ =	shalt  }
0x87: {  	_ =	shalt  }
.Lfunc_end0:
.L_simem_size_0:
called_computation_lowered:
.L_overlay_start_0:
0x88: {  	s2 =	sld [smem:$0x3FD9]  }
0x89: {  	s3 =	sld [smem:$0x3FFE];
	_ =	sdelay $0x1  }
0x8a: {  	s1 =	srdreg.scid  }
0x8b: {  	s0 =	sand.u32 $0x1, s1  }
0x8c: {  	s17 =	sshll.u32 s0, $0xA;
	s2 =	sadd.s32 s3, s2  }
0x8d: {  	s2 =	sadd.s32 s2, s17  }
0x8e: {  	[smem:$0x3FC4] =	sst s2  }
0x8f: {  	_ = 	snop  }
0x90: {  	s2 =	sld [smem:$0x3FC9]  }
0x91: {  	s18 =	sld [smem:$0x3FC7];
	(tm) =	ssettm $0x1  }
0x92: {  	s4 =	sld [smem:$0x3FFB];
	_ =	sdelay $0x3  }
0x93: {  	_ =	strace s4  }
0x94: {  	s4 =	sld [smem:$0x3FFC];
	_ =	sdelay $0x3  }
0x95: {  	_ =	strace s4  }
0x96: {  	s4 =	sld [smem:$0x3FFD];
	_ =	sdelay $0x3  }
0x97: {  	_ =	strace s4  }
0x98: {  	_ =	strace $0x8FFFFFFF  }
0x99: {  	s19 =	sld [smem:$0x3FDB];
	_ =	sdelay $0x1  }
0x9a: {  	s5 =	simm.s32 $_scs_section_size  }
0x9b: {  	s6 =	simm.s32 $_size__tile_overlayer_lowered;
	s7 =	simm.s32 $_tile_overlayer_lowered  }
0x9c: {  	s22 =	simm.s32 $0x1BFF;
	s21 =	sshll.u32 s7, $0x1;
	s4 =	sadd.s32 s5, s19  }
0x9d: {  	s8 =	simm.s32 $0x0;
	s20 =	sshll.u32 s6, $0x1;
	s6 =	sadd.s32 s21, s4  }
0x9e: {  	[timem:s8], [sflag:s22] =	dma.local [hbm:s6], s20  }
0x9f: {  	_ =	swait.ge [sflag:s22], s20  }
0xa0: {  	s5 =	ssub.s32 $0x0, s20;
	[sflag:s22] =	ssyncset.done $0x0  }
0xa1: {  	[sflag:s22] =	ssyncadd.s32 s5;
	_ =	sdelay $0x1  }
0xa2: {  	s23 =	simm.s32 $0x1B8B  }
0xa3: {  	_ =	swait.ge [sflag:s23], $0x1  }
0xa4: {  	[sflag:s23] =	ssyncset.done $0x0  }
0xa5: {  	s25 =	simm.s32 $0x1B8E;
	s24 =	sld [smem:$0x3FFE];
	[sflag:s23] =	ssyncadd.s32 $0xFFFFFFFF  }
0xa6: {  	s26 =	simm.s32 $execute0_lowered;
	[smem:$0x3FD2] =	sst s25  }
0xa7: {  	s6 =	sshll.u32 s26, $0x1;
	_ =	strace $0x80000046;
	[dreg:$0x1] =	wrdreg $0xFFFFFFFF  }
0xa8: {  	s28 =	simm.s32 $_size_execute0_lowered;
	s4 =	sadd.s32 s4, s6;
	[dreg:$0x0] =	wrdreg $0x0  }
0xa9: {  	s6 =	sshll.u32 s28, $0x1;
	[dreg:$0x2] =	wrdreg s4  }
0xaa: {  	[dreg:$0x3] =	wrdreg s6  }
0xab: {  	[dreg:$0x4] =	wrdreg $0xC0  }
0xac: {  	_ =	task [dreg:s8], $0x5FFFF  }
0xad: {  	[dreg:$0x1] =	wrdreg $0xFFFFFFFF  }
0xae: {  	[dreg:$0x0] =	wrdreg $0x60  }
0xaf: {  	[dreg:$0x2] =	wrdreg s2  }
0xb0: {  	[dreg:$0x3] =	wrdreg s18  }
0xb1: {  	[dreg:$0x4] =	wrdreg s24  }
0xb2: {  	[dreg:$0x5] =	wrdreg $0x9  }
0xb3: {  	_ =	task.clear_ibuf [dreg:s8], $0x6FFFF;
	_ =	strace $0x90000046  }
0xb4: {  	s29 =	simm.s32 $0x9;
	_ =	strace $0x80000048  }
0xb5: {  	_ =	swait.ge [sflag:s29], $0x1  }
0xb6: {  	[sflag:s29] =	ssyncadd.s32 $0xFFFFFFFF  }
0xb7: {  	_ =	strace $0x90000048  }
0xb8: {  	_ =	sfence  }
0xb9: {  	s30 =	sld [smem:$0x0];
	_ =	sdelay $0x2  }
0xba: {  	s31 =	sshll.u32 s1, $0xD;
	s1 =	sshrl.u32 s1, $0x2  }
0xbb: {  	s3 =	sand.u32 $0x4000, s31;
	s1 =	sadd.s32 s1, s30  }
0xbc: {  	s0 =	sor.u32 s3, s0;
	s1 =	sshll.u32 s1, $0x11  }
0xbd: {  	s0 =	sor.u32 s1, s0  }
0xbe: {  	s0 =	sadd.s32 $0x8F2B, s0  }
0xbf: {  	[sflag:s0] =	ssyncadd.remote.s32 $0x1  }
0xc0: {  	_ =	sfence.sel $0xFFFF  }
0xc1: {  	[dreg:$0x0] =	wrdreg $0xFFFFFFFF;
	(pc) =	sbr.abs _section_cstart, $3  }
0xc2: {  	[dreg:$0x1] =	wrdreg $0xFFFFFFFF  }
0xc3: {  	_ =	task.clear_ibuf [dreg:s8], $0x2FFFF;
	_ =	strace $0x9FFFFFFF  }
0xc4: {  	(tm) =	ssettm $0x7FFFFFFF  }
0xc5: {  	_ =	shalt  }
tec
execute0_lowered:
.L_overlay_start_1:
0x0: {  	(tag) =	ssettag $0x1  }
0x1: {  	s1 =	rddreg [dreg:$0x0]  }
0x2: {  	s4 =	rddreg [dreg:$0x1]  }
0x3: {  	s2 =	srdreg.scid;
	s0 =	stileid.u32  }
0x4: {  	s5 =	rddreg [dreg:$0x2];
	s3 =	simm.s32 $0x0;
	s11 =	simm.s32 $0x0  }
0x5: {  	s6 =	sand.u32 $0x1, s2;
	s7 =	sshll.u32 s0, $0x1;
	s2 =	rddreg [dreg:$0x3]  }
0x6: {  	[smem:$0x7FF] =	sst s3;
	s7 =	sor.u32 s6, s7;
	s6 =	ssub.s32 $0x2, s6  }
0x7: {  	_ =	strace $0x80000047;
	s8 =	sshll.u32 s7, $0xC;
	s31 =	sshrl.u32 s6, $0x1  }
0x8: {  	s9 =	sadd.s32 s8, s5;
	s10 =	ssub.s32 s6, s31;
	s4 =	sadd.s32 s4, s8  }
0x9: {  	s5 =	sshll.u32 s7, $0x4;
	s8 =	simm.s32 $0x2;
	s6 =	sadd.s32 $0xA00, s9  }
0xa: {  	s7 =	smax.u32 s10, $0x1;
	s9 =	simm.s32 $0x8000;
	s10 =	simm.s32 $0x1  }
.LBB2_1:
0xb: {  	[tilespmem:s3], [sflag:$0x2] =	stream.linear.gather [hbm4b:s4+s3], $0x8000, $0x38;
	[tilespmem:$0x10000] =	vst v63  }
0xc: {  	_ =	swait.ge [sflag:s8], $0x8000  }
0xd: {  	s12 =	simm.s32 $0x0;
	[sflag:s8] =	ssyncset.done $0x0  }
0xe: {  	s12 =	sand.u32 $0x3FFFF800, s12;
	[sflag:s8] =	ssyncadd.s32 $0xFFFF8000  }
0xf: {  	v0 =	vld [tilespmem:s12+$0x0]  }
0x10: {  	v2 =	vld [tilespmem:s12+$0x10]  }
0x11: {  	v4 =	vld [tilespmem:s12+$0x20]  }
0x12: {  	v6 =	vld [tilespmem:s12+$0x30]  }
0x13: {  	v7 =	vld [tilespmem:s12+$0x40]  }
0x14: {  	v8 =	vld [tilespmem:s12+$0x50]  }
0x15: {  	v12 =	vld [tilespmem:s12+$0x70]  }
0x16: {  	v13 =	vld [tilespmem:s12+$0x80]  }
0x17: {  	v15 =	vld [tilespmem:s12+$0x90]  }
0x18: {  	v16 =	vld [tilespmem:s12+$0xA0]  }
0x19: {  	s13 =	sadd.s32 $0x0, s5;
	v18 =	vld [tilespmem:s12+$0xB0]  }
0x1a: {  	s14 =	smul.u32 $0x3E800, s13;
	v19 =	vld [tilespmem:s12+$0xC0]  }
0x1b: {  	v33 =	vld [tilespmem:s12+$0xD0];
	v1 =	vshrl.u32 v0, $0x7;
	v38 =	vshrl.u32 v2, $0x7  }
0x1c: {  	v34 =	vld [tilespmem:s12+$0xE0];
	v0 =	vadd.s32 s14, v0;
	v2 =	vadd.s32 s14, v2;
	v39 =	vshrl.u32 v4, $0x7  }
0x1d: {  	v35 =	vld [tilespmem:s12+$0xF0];
	v46 =	vshrl.u32 v6, $0x7;
	v4 =	vadd.s32 s14, v4;
	v40 =	vshrl.u32 v7, $0x7  }
0x1e: {  	v36 =	vld [tilespmem:s12+$0x100];
	v6 =	vadd.s32 s14, v6;
	v7 =	vadd.s32 s14, v7;
	v48 =	vshrl.u32 v8, $0x7  }
0x1f: {  	s15 =	sor.u32 $0x80, s14;
	v37 =	vld [tilespmem:s12+$0x110];
	v8 =	vadd.s32 s14, v8;
	v50 =	vshrl.u32 v12, $0x7;
	v51 =	vshrl.u32 v13, $0x7  }
0x20: {  	v12 =	vadd.s32 s14, v12;
	v52 =	vshrl.u32 v15, $0x7;
	v13 =	vadd.s32 s15, v13  }
0x21: {  	v15 =	vadd.s32 s15, v15;
	v54 =	vadd.s32 s15, v16;
	v55 =	vshrl.u32 v18, $0x7  }
0x22: {  	v32 =	vld [tilespmem:s12+$0x130];
	v57 =	vshrl.u32 v19, $0x7;
	v18 =	vadd.s32 s15, v18;
	v58 =	vshrl.u32 v33, $0x7  }
0x23: {  	s16 =	sor.u32 $0x100, s14;
	v26 =	vld [tilespmem:s12+$0x180];
	v59 =	vadd.s32 s15, v19;
	v61 =	vadd.s32 s15, v33;
	v62 =	vshrl.u32 v34, $0x7  }
0x24: {  	v25 =	vld [tilespmem:s12+$0x1D0];
	v41 =	vadd.s32 s15, v35;
	v42 =	vadd.s32 s16, v36;
	v43 =	vshrl.u32 v37, $0x7  }
0x25: {  	v21 =	vld [tilespmem:s12+$0x1E0];
	v1 =	vmul.u32 $0x380, v1;
	v38 =	vmul.u32 $0x380, v38;
	v45 =	vmul.u32 $0x380, v39  }
0x26: {  	v14 =	vld [tilespmem:s12+$0x200];
	v39 =	vmul.u32 $0x380, v46;
	v47 =	vmul.u32 $0x380, v40;
	v49 =	vmul.u32 $0x380, v48  }
0x27: {  	v56 =	vmul.u32 $0x380, v55;
	v60 =	vmul.u32 $0x380, v58;
	v40 =	vshrl.u32 v36, $0x7  }
0x28: {  	s17 =	sor.u32 $0x180, s14;
	v11 =	vld [tilespmem:s12+$0x60];
	v44 =	vmul.u32 $0x380, v43;
	v46 =	vadd.s32 s16, v37;
	v48 =	vshrl.u32 v32, $0x7  }
0x29: {  	v20 =	vld [tilespmem:s12+$0x120];
	v32 =	vadd.s32 s16, v32;
	v58 =	vadd.s32 s17, v26;
	v36 =	vshrl.u32 v25, $0x7  }
0x2a: {  	s18 =	sor.u32 $0x200, s14;
	v23 =	vld [tilespmem:s12+$0x150];
	v37 =	vshrl.u32 v21, $0x7;
	v25 =	vadd.s32 s17, v25;
	v21 =	vadd.s32 s17, v21  }
0x2b: {  	v30 =	vld [tilespmem:s12+$0x1B0];
	v43 =	vadd.s32 s18, v14;
	v0 =	vadd.s32 v1, v0;
	v2 =	vadd.s32 v38, v2  }
0x2c: {  	v22 =	vld [tilespmem:s12+$0x140];
	v4 =	vadd.s32 v45, v4;
	v6 =	vadd.s32 v39, v6;
	v7 =	vadd.s32 v47, v7  }
0x2d: {  	v29 =	vld [tilespmem:s12+$0x1C0];
	v8 =	vadd.s32 v49, v8;
	v38 =	vmul.u32 $0x380, v51;
	v63 =	vadd.s32 v60, v61  }
0x2e: {  	v5 =	vld [tilespmem:s12+$0x230];
	v39 =	vadd.s32 s15, v34;
	v34 =	vmul.u32 $0x380, v40;
	v45 =	vshrl.u32 v20, $0x7  }
0x2f: {  	v20 =	vadd.s32 s16, v20;
	v49 =	vmul.u32 $0x380, v48;
	v51 =	vshrl.u32 v23, $0x7  }
0x30: {  	v10 =	vld [tilespmem:s12+$0x210];
	v23 =	vadd.s32 s16, v23;
	v60 =	vshrl.u32 v30, $0x7;
	v30 =	vadd.s32 s17, v30;
	[tilespmem:s12+$0x30] =	vst v6  }
0x31: {  	v9 =	vld [tilespmem:s12+$0x220];
	v6 =	vshrl.u32 v11, $0x7;
	v11 =	vadd.s32 s14, v11;
	[tilespmem:s12+$0x50] =	vst v8;
	v8 =	vmul.u32 $0x380, v50  }
0x32: {  	v47 =	vmul.u32 $0x380, v45;
	v50 =	vshrl.u32 v22, $0x7;
	v61 =	vmul.u32 $0x380, v60  }
0x33: {  	v3 =	vld [tilespmem:s12+$0x240];
	[tilespmem:s12+$0xD0] =	vst v63;
	v63 =	vadd.s32 s17, v29;
	v45 =	vshrl.u32 v5, $0x7;
	v5 =	vadd.s32 s18, v5  }
0x34: {  	[tilespmem:s12+$0x40] =	vst v7;
	v7 =	vmul.u32 $0x380, v6;
	v13 =	vadd.s32 v38, v13;
	v38 =	vshrl.u32 v35, $0x7  }
0x35: {  	[tilespmem:s12+$0x0] =	vst v0;
	v33 =	vadd.s32 v34, v42;
	v34 =	vadd.s32 v44, v46;
	v35 =	vmul.u32 $0x380, v50  }
0x36: {  	[tilespmem:s12+$0x10] =	vst v2;
	v32 =	vadd.s32 v49, v32;
	v42 =	vshrl.u32 v10, $0x7;
	v44 =	vshrl.u32 v9, $0x7  }
0x37: {  	v1 =	vld [tilespmem:s12+$0x250];
	[tilespmem:s12+$0x20] =	vst v4;
	v10 =	vadd.s32 s18, v10;
	v9 =	vadd.s32 s18, v9;
	v46 =	vmul.u32 $0x380, v45  }
0x38: {  	v27 =	vld [tilespmem:s12+$0x190];
	v49 =	vadd.s32 s18, v3;
	v19 =	vmul.u32 $0x380, v38;
	[tilespmem:s12+$0x100] =	vst v33;
	v33 =	vadd.s32 v47, v20  }
0x39: {  	v0 =	vld [tilespmem:s12+$0x260];
	v30 =	vadd.s32 v61, v30;
	v47 =	vshrl.u32 v3, $0x7;
	v11 =	vadd.s32 v7, v11;
	[tilespmem:s12+$0x120] =	vst v33  }
0x3a: {  	v2 =	vld [tilespmem:s12+$0x270];
	v33 =	vmul.u32 $0x380, v51;
	[tilespmem:s12+$0x1B0] =	vst v30;
	v30 =	vmul.u32 $0x380, v37;
	v5 =	vadd.s32 v46, v5  }
0x3b: {  	v4 =	vld [tilespmem:s12+$0x280];
	[tilespmem:s12+$0x60] =	vst v11;
	v11 =	vadd.s32 v8, v12;
	v12 =	vmul.u32 $0x380, v52;
	v19 =	vadd.s32 v19, v41  }
0x3c: {  	v52 =	vadd.s32 s16, v22;
	v41 =	vshrl.u32 v14, $0x7;
	v48 =	vshrl.u32 v1, $0x7  }
0x3d: {  	v1 =	vadd.s32 s18, v1;
	[tilespmem:s12+$0x70] =	vst v11;
	v11 =	vshrl.u32 v16, $0x7;
	v16 =	vmul.u32 $0x380, v57  }
0x3e: {  	[tilespmem:s12+$0x110] =	vst v34;
	v34 =	vadd.s32 v35, v52;
	v33 =	vadd.s32 v33, v23;
	v57 =	vshrl.u32 v27, $0x7  }
0x3f: {  	[tilespmem:s12+$0x230] =	vst v5;
	v27 =	vadd.s32 s17, v27;
	v30 =	vadd.s32 v30, v21;
	v5 =	vshrl.u32 v0, $0x7  }
0x40: {  	s19 =	sor.u32 $0x280, s14;
	v28 =	vld [tilespmem:s12+$0x1A0];
	v50 =	vshrl.u32 v2, $0x7;
	v0 =	vadd.s32 s18, v0;
	v52 =	vshrl.u32 v4, $0x7  }
0x41: {  	v24 =	vld [tilespmem:s12+$0x160];
	v2 =	vadd.s32 s18, v2;
	v4 =	vadd.s32 s19, v4;
	v53 =	vmul.u32 $0x380, v11  }
0x42: {  	v31 =	vld [tilespmem:s12+$0x170];
	[tilespmem:s12+$0x80] =	vst v13;
	v12 =	vadd.s32 v12, v15;
	v15 =	vadd.s32 v56, v18;
	v18 =	vmul.u32 $0x380, v62  }
0x43: {  	v17 =	vld [tilespmem:s12+$0x1F0];
	v56 =	vshrl.u32 v26, $0x7;
	v62 =	vshrl.u32 v29, $0x7;
	[tilespmem:s12+$0x1E0] =	vst v30;
	v30 =	vmul.u32 $0x380, v42  }
0x44: {  	v6 =	vld [tilespmem:s12+$0x290];
	[tilespmem:s12+$0x130] =	vst v32;
	v5 =	vmul.u32 $0x380, v5;
	v51 =	vmul.u32 $0x380, v50;
	v16 =	vadd.s32 v16, v59  }
0x45: {  	v20 =	vld [tilespmem:s12+$0x330];
	[tilespmem:s12+$0x140] =	vst v34;
	v34 =	vmul.u32 $0x380, v56;
	v59 =	vshrl.u32 v28, $0x7;
	v28 =	vadd.s32 s17, v28  }
0x46: {  	v8 =	vld [tilespmem:s12+$0x2B0];
	[tilespmem:s12+$0xF0] =	vst v19;
	v13 =	vadd.s32 v53, v54;
	v18 =	vadd.s32 v18, v39;
	v53 =	vshrl.u32 v24, $0x7  }
0x47: {  	v22 =	vld [tilespmem:s12+$0x340];
	[tilespmem:s12+$0x150] =	vst v33;
	v24 =	vadd.s32 s16, v24;
	v54 =	vshrl.u32 v31, $0x7;
	v31 =	vadd.s32 s16, v31  }
0x48: {  	v7 =	vld [tilespmem:s12+$0x2A0];
	[tilespmem:s12+$0xB0] =	vst v15;
	v39 =	vshrl.u32 v17, $0x7;
	v17 =	vadd.s32 s17, v17;
	v30 =	vadd.s32 v30, v10  }
0x49: {  	[tilespmem:s12+$0xC0] =	vst v16;
	v5 =	vadd.s32 v5, v0;
	v32 =	vmul.u32 $0x380, v53;
	v55 =	vmul.u32 $0x380, v54  }
0x4a: {  	v11 =	vld [tilespmem:s12+$0x2C0];
	v33 =	vadd.s32 v34, v58;
	v40 =	vmul.u32 $0x380, v39;
	[tilespmem:s12+$0x260] =	vst v5;
	v5 =	vadd.s32 v51, v2  }
0x4b: {  	s20 =	sor.u32 $0x300, s14;
	v23 =	vld [tilespmem:s12+$0x350];
	[tilespmem:s12+$0xA0] =	vst v13;
	v53 =	vshrl.u32 v6, $0x7;
	v6 =	vadd.s32 s19, v6;
	v54 =	vshrl.u32 v8, $0x7  }
0x4c: {  	v15 =	vld [tilespmem:s12+$0x2F0];
	v8 =	vadd.s32 s19, v8;
	v34 =	vadd.s32 s20, v20;
	v35 =	vadd.s32 s20, v22;
	[tilespmem:s12+$0x180] =	vst v33  }
0x4d: {  	v16 =	vld [tilespmem:s12+$0x300];
	v33 =	vmul.u32 $0x380, v62;
	[tilespmem:s12+$0x270] =	vst v5;
	v5 =	vshrl.u32 v7, $0x7;
	v7 =	vadd.s32 s19, v7  }
0x4e: {  	v13 =	vld [tilespmem:s12+$0x2E0];
	[tilespmem:s12+$0xE0] =	vst v18;
	v32 =	vadd.s32 v32, v24;
	v31 =	vadd.s32 v55, v31;
	v17 =	vadd.s32 v40, v17  }
0x4f: {  	v18 =	vld [tilespmem:s12+$0x310];
	v5 =	vmul.u32 $0x380, v5;
	v55 =	vshrl.u32 v11, $0x7;
	v11 =	vadd.s32 s19, v11;
	[tilespmem:s12+$0x160] =	vst v32  }
0x50: {  	v40 =	vadd.s32 s20, v23;
	v32 =	vmul.u32 $0x380, v57;
	[tilespmem:s12+$0x170] =	vst v31;
	v31 =	vmul.u32 $0x380, v59  }
0x51: {  	v19 =	vld [tilespmem:s12+$0x320];
	[tilespmem:s12+$0x1F0] =	vst v17;
	v17 =	vmul.u32 $0x380, v44;
	v57 =	vshrl.u32 v15, $0x7;
	v15 =	vadd.s32 s19, v15  }
0x52: {  	v24 =	vld [tilespmem:s12+$0x360];
	v7 =	vadd.s32 v5, v7;
	v58 =	vmul.u32 $0x380, v57;
	v32 =	vadd.s32 v32, v27  }
0x53: {  	v59 =	vshrl.u32 v16, $0x7;
	v61 =	vadd.s32 s20, v16;
	v31 =	vadd.s32 v31, v28;
	[tilespmem:s12+$0x190] =	vst v32  }
0x54: {  	v17 =	vadd.s32 v17, v9;
	v56 =	vadd.s32 s19, v13;
	v60 =	vshrl.u32 v18, $0x7;
	[tilespmem:s12+$0x1A0] =	vst v31  }
0x55: {  	v26 =	vld [tilespmem:s12+$0x370];
	v31 =	vadd.s32 v33, v63;
	v32 =	vmul.u32 $0x380, v36;
	[tilespmem:s12+$0x220] =	vst v17;
	v17 =	vmul.u32 $0x380, v48  }
0x56: {  	[tilespmem:s12+$0x90] =	vst v12;
	v28 =	vld [tilespmem:s12+$0x390];
	v62 =	vmul.u32 $0x380, v60;
	v63 =	vadd.s32 s20, v18;
	v18 =	vshrl.u32 v19, $0x7  }
0x57: {  	v57 =	vld [tilespmem:s12+$0x500];
	v33 =	vshrl.u32 v22, $0x7;
	v36 =	vshrl.u32 v23, $0x7;
	v39 =	vshrl.u32 v24, $0x7  }
0x58: {  	v27 =	vld [tilespmem:s12+$0x380];
	[tilespmem:s12+$0x1C0] =	vst v31;
	v38 =	vadd.s32 v32, v25;
	v32 =	vmul.u32 $0x380, v41;
	v17 =	vadd.s32 v17, v1  }
0x59: {  	v44 =	vadd.s32 s20, v24;
	v41 =	vmul.u32 $0x380, v39;
	[tilespmem:s12+$0x250] =	vst v17;
	v17 =	vmul.u32 $0x380, v53  }
0x5a: {  	v29 =	vld [tilespmem:s12+$0x3A0];
	[tilespmem:s12+$0x1D0] =	vst v38;
	v38 =	vmul.u32 $0x380, v36;
	v31 =	vadd.s32 v32, v43;
	v32 =	vadd.s32 s20, v19  }
0x5b: {  	v43 =	vshrl.u32 v26, $0x7;
	v46 =	vadd.s32 v41, v44;
	v51 =	vshrl.u32 v28, $0x7  }
0x5c: {  	v41 =	vadd.s32 s16, v57;
	[tilespmem:s12+$0x200] =	vst v31;
	v31 =	vmul.u32 $0x380, v47;
	v6 =	vadd.s32 v17, v6  }
0x5d: {  	s13 =	sor.u32 $0x380, s14;
	v12 =	vld [tilespmem:s12+$0x2D0];
	v17 =	vmul.u32 $0x380, v55;
	v45 =	vmul.u32 $0x380, v43;
	v47 =	vshrl.u32 v27, $0x7  }
0x5e: {  	v22 =	vmul.u32 $0x380, v51;
	v55 =	vadd.s32 s13, v28;
	[tilespmem:s12+$0x290] =	vst v6;
	v6 =	vmul.u32 $0x380, v54  }
0x5f: {  	[tilespmem:s12+$0x210] =	vst v30;
	v54 =	vshrl.u32 v29, $0x7;
	v30 =	vadd.s32 v31, v49;
	v11 =	vadd.s32 v17, v11  }
0x60: {  	[tilespmem:s12+$0x2A0] =	vst v7;
	v25 =	vld [tilespmem:s12+$0x3B0];
	v31 =	vshrl.u32 v20, $0x7;
	v49 =	vadd.s32 s20, v26;
	v20 =	vmul.u32 $0x380, v47  }
0x61: {  	v19 =	vmul.u32 $0x380, v54;
	[tilespmem:s12+$0x240] =	vst v30;
	v30 =	vmul.u32 $0x380, v52;
	v7 =	vadd.s32 v6, v8  }
0x62: {  	v3 =	vld [tilespmem:s12+$0x400];
	v8 =	vshrl.u32 v12, $0x7;
	v12 =	vadd.s32 s19, v12;
	v16 =	vmul.u32 $0x380, v31  }
0x63: {  	v21 =	vld [tilespmem:s12+$0x3C0];
	v50 =	vadd.s32 v45, v49;
	v52 =	vadd.s32 s13, v27;
	v8 =	vmul.u32 $0x380, v8  }
0x64: {  	v10 =	vld [tilespmem:s12+$0x3E0];
	[tilespmem:s12+$0x2B0] =	vst v7;
	v7 =	vshrl.u32 v13, $0x7;
	v13 =	vmul.u32 $0x380, v59;
	v20 =	vadd.s32 v20, v52  }
0x65: {  	v59 =	vshrl.u32 v25, $0x7;
	v25 =	vadd.s32 s13, v25;
	v4 =	vadd.s32 v30, v4  }
0x66: {  	v9 =	vld [tilespmem:s12+$0x3F0];
	[tilespmem:s12+$0x2C0] =	vst v11;
	v11 =	vmul.u32 $0x380, v7;
	v30 =	vadd.s32 v62, v63;
	v16 =	vadd.s32 v16, v34  }
0x67: {  	v34 =	vshrl.u32 v3, $0x7;
	v8 =	vadd.s32 v8, v12;
	v12 =	vadd.s32 v58, v15  }
0x68: {  	v1 =	vld [tilespmem:s12+$0x410];
	v13 =	vadd.s32 v13, v61;
	v15 =	vmul.u32 $0x380, v18;
	v61 =	vshrl.u32 v21, $0x7  }
0x69: {  	v58 =	vadd.s32 s13, v29;
	v29 =	vshrl.u32 v10, $0x7;
	v23 =	vmul.u32 $0x380, v61  }
0x6a: {  	v0 =	vld [tilespmem:s12+$0x420];
	[tilespmem:s12+$0x310] =	vst v30;
	v21 =	vadd.s32 s13, v21;
	v10 =	vadd.s32 s13, v10;
	v30 =	vmul.u32 $0x380, v29  }
0x6b: {  	v2 =	vld [tilespmem:s12+$0x430];
	[tilespmem:s12+$0x280] =	vst v4;
	v15 =	vadd.s32 v15, v32;
	v32 =	vshrl.u32 v9, $0x7;
	v21 =	vadd.s32 v23, v21  }
0x6c: {  	v18 =	vmul.u32 $0x380, v33;
	v33 =	vmul.u32 $0x380, v32;
	v10 =	vadd.s32 v30, v10;
	[tilespmem:s12+$0x3C0] =	vst v21  }
0x6d: {  	v4 =	vld [tilespmem:s12+$0x440];
	v9 =	vadd.s32 s13, v9;
	v21 =	vmul.u32 $0x380, v34;
	[tilespmem:s12+$0x3E0] =	vst v10;
	v10 =	vshrl.u32 v1, $0x7  }
0x6e: {  	v5 =	vld [tilespmem:s12+$0x450];
	v3 =	vadd.s32 s14, v3;
	[tilespmem:s12+$0x2D0] =	vst v8;
	v9 =	vadd.s32 v33, v9;
	v10 =	vmul.u32 $0x380, v10  }
0x6f: {  	v6 =	vld [tilespmem:s12+$0x460];
	v1 =	vadd.s32 s14, v1;
	v3 =	vadd.s32 v21, v3;
	[tilespmem:s12+$0x3F0] =	vst v9;
	v9 =	vshrl.u32 v0, $0x7  }
0x70: {  	[tilespmem:s12+$0x400] =	vst v3;
	v3 =	vmul.u32 $0x380, v9;
	v1 =	vadd.s32 v10, v1;
	v10 =	vshrl.u32 v2, $0x7  }
0x71: {  	v7 =	vld [tilespmem:s12+$0x470];
	v11 =	vadd.s32 v11, v56;
	v0 =	vadd.s32 s14, v0;
	[tilespmem:s12+$0x410] =	vst v1;
	v1 =	vmul.u32 $0x380, v10  }
0x72: {  	v8 =	vld [tilespmem:s12+$0x480];
	[tilespmem:s12+$0x2E0] =	vst v11;
	v2 =	vadd.s32 s14, v2;
	v0 =	vadd.s32 v3, v0;
	v3 =	vshrl.u32 v4, $0x7  }
0x73: {  	v11 =	vld [tilespmem:s12+$0x490];
	v3 =	vmul.u32 $0x380, v3;
	[tilespmem:s12+$0x420] =	vst v0;
	v0 =	vadd.s32 v1, v2;
	v1 =	vshrl.u32 v5, $0x7  }
0x74: {  	v2 =	vadd.s32 s14, v4;
	v1 =	vmul.u32 $0x380, v1;
	[tilespmem:s12+$0x430] =	vst v0;
	v0 =	vshrl.u32 v6, $0x7  }
0x75: {  	[tilespmem:s12+$0x2F0] =	vst v12;
	v12 =	vld [tilespmem:s12+$0x4A0];
	v2 =	vadd.s32 v3, v2;
	v3 =	vadd.s32 s14, v5;
	v0 =	vmul.u32 $0x380, v0  }
0x76: {  	[tilespmem:s12+$0x300] =	vst v13;
	v13 =	vld [tilespmem:s12+$0x4B0];
	v5 =	vshrl.u32 v7, $0x7;
	v1 =	vadd.s32 v1, v3;
	v3 =	vadd.s32 s14, v6  }
0x77: {  	v37 =	vld [tilespmem:s12+$0x4C0];
	[tilespmem:s12+$0x450] =	vst v1;
	v0 =	vadd.s32 v0, v3;
	v1 =	vmul.u32 $0x380, v5;
	v3 =	vshrl.u32 v8, $0x7  }
0x78: {  	v6 =	vadd.s32 s14, v7;
	v3 =	vmul.u32 $0x380, v3;
	[tilespmem:s12+$0x460] =	vst v0;
	v0 =	vshrl.u32 v11, $0x7  }
0x79: {  	v42 =	vld [tilespmem:s12+$0x4D0];
	v1 =	vadd.s32 v1, v6;
	v6 =	vadd.s32 s15, v8;
	v0 =	vmul.u32 $0x380, v0  }
0x7a: {  	v3 =	vadd.s32 v3, v6;
	[tilespmem:s12+$0x470] =	vst v1;
	v1 =	vadd.s32 s15, v11;
	v6 =	vshrl.u32 v12, $0x7  }
0x7b: {  	v48 =	vld [tilespmem:s12+$0x4E0];
	v0 =	vadd.s32 v0, v1;
	v1 =	vmul.u32 $0x380, v6;
	v6 =	vshrl.u32 v13, $0x7  }
0x7c: {  	v53 =	vld [tilespmem:s12+$0x4F0];
	v8 =	vadd.s32 s15, v12;
	[tilespmem:s12+$0x490] =	vst v0;
	v0 =	vmul.u32 $0x380, v6;
	v6 =	vshrl.u32 v37, $0x7  }
0x7d: {  	v11 =	vadd.s32 s15, v13;
	v1 =	vadd.s32 v1, v8;
	v6 =	vmul.u32 $0x380, v6  }
0x7e: {  	v14 =	vld [tilespmem:s12+$0x3D0];
	[tilespmem:s12+$0x4A0] =	vst v1;
	v0 =	vadd.s32 v0, v11;
	v1 =	vadd.s32 s15, v37;
	v11 =	vshrl.u32 v42, $0x7  }
0x7f: {  	v60 =	vmul.u32 $0x380, v59;
	v62 =	vld [tilespmem:s12+$0x510];
	v1 =	vadd.s32 v6, v1;
	v6 =	vmul.u32 $0x380, v11  }
0x80: {  	v28 =	vld [tilespmem:s12+$0x520];
	v17 =	vadd.s32 v18, v35;
	[tilespmem:s12+$0x4B0] =	vst v0;
	v0 =	vshrl.u32 v48, $0x7;
	v11 =	vadd.s32 s15, v42  }
0x81: {  	[tilespmem:s12+$0x4C0] =	vst v1;
	v0 =	vmul.u32 $0x380, v0;
	v1 =	vadd.s32 v6, v11;
	v11 =	vshrl.u32 v53, $0x7  }
0x82: {  	v31 =	vld [tilespmem:s12+$0x530];
	v18 =	vadd.s32 v38, v40;
	v38 =	vadd.s32 s15, v48;
	[tilespmem:s12+$0x4D0] =	vst v1;
	v1 =	vmul.u32 $0x380, v11  }
0x83: {  	[tilespmem:s12+$0x360] =	vst v46;
	v63 =	vshrl.u32 v14, $0x7;
	v35 =	vld [tilespmem:s12+$0x540];
	v40 =	vadd.s32 s15, v53;
	v0 =	vadd.s32 v0, v38  }
0x84: {  	v36 =	vld [tilespmem:s12+$0x550];
	v14 =	vadd.s32 s13, v14;
	[tilespmem:s12+$0x4E0] =	vst v0;
	v0 =	vadd.s32 v1, v40;
	v1 =	vshrl.u32 v62, $0x7  }
0x85: {  	v44 =	vadd.s32 s16, v28;
	v1 =	vmul.u32 $0x380, v1;
	[tilespmem:s12+$0x4F0] =	vst v0;
	v0 =	vshrl.u32 v28, $0x7  }
0x86: {  	[tilespmem:s12+$0x370] =	vst v50;
	v56 =	vadd.s32 v22, v55;
	v43 =	vadd.s32 s16, v62;
	v9 =	vld [tilespmem:s12+$0x560];
	v0 =	vmul.u32 $0x380, v0  }
0x87: {  	v19 =	vadd.s32 v19, v58;
	v45 =	vshrl.u32 v31, $0x7;
	[tilespmem:s12+$0x320] =	vst v15;
	v4 =	vld [tilespmem:s12+$0x580];
	v1 =	vadd.s32 v1, v43  }
0x88: {  	v46 =	vshrl.u32 v35, $0x7;
	v10 =	vld [tilespmem:s12+$0x570];
	[tilespmem:s12+$0x510] =	vst v1;
	v0 =	vadd.s32 v0, v44;
	v1 =	vmul.u32 $0x380, v45  }
0x89: {  	v15 =	vmul.u32 $0x380, v46;
	v48 =	vadd.s32 s16, v31;
	[tilespmem:s12+$0x520] =	vst v0;
	v0 =	vshrl.u32 v36, $0x7  }
0x8a: {  	v49 =	vadd.s32 s16, v35;
	[tilespmem:s12+$0x440] =	vst v2;
	v2 =	vld [tilespmem:s12+$0x590];
	v1 =	vadd.s32 v1, v48;
	v0 =	vmul.u32 $0x380, v0  }
0x8b: {  	v15 =	vadd.s32 v15, v49;
	v51 =	vshrl.u32 v9, $0x7;
	[tilespmem:s12+$0x530] =	vst v1;
	v1 =	vadd.s32 s16, v36  }
0x8c: {  	[tilespmem:s12+$0x540] =	vst v15;
	v5 =	vld [tilespmem:s12+$0x5A0];
	v54 =	vshrl.u32 v4, $0x7;
	v0 =	vadd.s32 v0, v1;
	v1 =	vmul.u32 $0x380, v51  }
0x8d: {  	v9 =	vadd.s32 s16, v9;
	v7 =	vld [tilespmem:s12+$0x5B0];
	v15 =	vmul.u32 $0x380, v54;
	[tilespmem:s12+$0x480] =	vst v3;
	v53 =	vshrl.u32 v10, $0x7  }
0x8e: {  	v10 =	vadd.s32 s16, v10;
	[tilespmem:s12+$0x550] =	vst v0;
	v0 =	vmul.u32 $0x380, v53;
	v1 =	vadd.s32 v1, v9  }
0x8f: {  	v3 =	vld [tilespmem:s12+$0x5C0];
	v11 =	vshrl.u32 v57, $0x7;
	[tilespmem:s12+$0x560] =	vst v1;
	v1 =	vadd.s32 s17, v4;
	v4 =	vshrl.u32 v2, $0x7  }
0x90: {  	[tilespmem:s12+$0x380] =	vst v20;
	v8 =	vld [tilespmem:s12+$0x5D0];
	v11 =	vmul.u32 $0x380, v11;
	v0 =	vadd.s32 v0, v10;
	v4 =	vmul.u32 $0x380, v4  }
0x91: {  	v37 =	vld [tilespmem:s12+$0x5E0];
	v2 =	vadd.s32 s17, v2;
	v1 =	vadd.s32 v15, v1;
	[tilespmem:s12+$0x570] =	vst v0;
	v0 =	vshrl.u32 v5, $0x7  }
0x92: {  	[tilespmem:s12+$0x580] =	vst v1;
	v0 =	vmul.u32 $0x380, v0;
	v1 =	vadd.s32 v4, v2;
	v4 =	vshrl.u32 v7, $0x7  }
0x93: {  	v6 =	vld [tilespmem:s12+$0x5F0];
	v11 =	vadd.s32 v11, v41;
	v5 =	vadd.s32 s17, v5;
	[tilespmem:s12+$0x590] =	vst v1;
	v1 =	vmul.u32 $0x380, v4  }
0x94: {  	v39 =	vld [tilespmem:s12+$0x600];
	[tilespmem:s12+$0x330] =	vst v16;
	v7 =	vadd.s32 s17, v7;
	v0 =	vadd.s32 v0, v5;
	v4 =	vshrl.u32 v3, $0x7  }
0x95: {  	v42 =	vld [tilespmem:s12+$0x610];
	v4 =	vmul.u32 $0x380, v4;
	[tilespmem:s12+$0x5A0] =	vst v0;
	v0 =	vadd.s32 v1, v7;
	v1 =	vshrl.u32 v8, $0x7  }
0x96: {  	v3 =	vadd.s32 s17, v3;
	v1 =	vmul.u32 $0x380, v1;
	[tilespmem:s12+$0x5B0] =	vst v0;
	v0 =	vshrl.u32 v37, $0x7  }
0x97: {  	[tilespmem:s12+$0x500] =	vst v11;
	v11 =	vld [tilespmem:s12+$0x620];
	v3 =	vadd.s32 v4, v3;
	v4 =	vadd.s32 s17, v8;
	v0 =	vmul.u32 $0x380, v0  }
0x98: {  	v47 =	vld [tilespmem:s12+$0x630];
	[tilespmem:s12+$0x390] =	vst v56;
	v8 =	vshrl.u32 v6, $0x7;
	v1 =	vadd.s32 v1, v4;
	v4 =	vadd.s32 s17, v37  }
0x99: {  	v50 =	vld [tilespmem:s12+$0x640];
	[tilespmem:s12+$0x5D0] =	vst v1;
	v0 =	vadd.s32 v0, v4;
	v1 =	vmul.u32 $0x380, v8;
	v4 =	vshrl.u32 v39, $0x7  }
0x9a: {  	v6 =	vadd.s32 s17, v6;
	v4 =	vmul.u32 $0x380, v4;
	[tilespmem:s12+$0x5E0] =	vst v0;
	v0 =	vshrl.u32 v42, $0x7  }
0x9b: {  	v52 =	vld [tilespmem:s12+$0x650];
	[tilespmem:s12+$0x3A0] =	vst v19;
	v1 =	vadd.s32 v1, v6;
	v6 =	vadd.s32 s18, v39;
	v0 =	vmul.u32 $0x380, v0  }
0x9c: {  	v4 =	vadd.s32 v4, v6;
	[tilespmem:s12+$0x5F0] =	vst v1;
	v1 =	vadd.s32 s18, v42;
	v6 =	vshrl.u32 v11, $0x7  }
0x9d: {  	[tilespmem:s12+$0x340] =	vst v17;
	v9 =	vld [tilespmem:s12+$0x660];
	v0 =	vadd.s32 v0, v1;
	v1 =	vmul.u32 $0x380, v6;
	v6 =	vshrl.u32 v47, $0x7  }
0x9e: {  	v10 =	vld [tilespmem:s12+$0x670];
	v11 =	vadd.s32 s18, v11;
	[tilespmem:s12+$0x610] =	vst v0;
	v0 =	vmul.u32 $0x380, v6;
	v6 =	vshrl.u32 v50, $0x7  }
0x9f: {  	v20 =	vadd.s32 v60, v25;
	[tilespmem:s12+$0x350] =	vst v18;
	v1 =	vadd.s32 v1, v11;
	v6 =	vmul.u32 $0x380, v6  }
0xa0: {  	v56 =	vadd.s32 s18, v47;
	v57 =	vshrl.u32 v52, $0x7;
	v2 =	vld [tilespmem:s12+$0x680];
	[tilespmem:s12+$0x620] =	vst v1;
	v1 =	vadd.s32 s18, v50  }
0xa1: {  	v5 =	vld [tilespmem:s12+$0x690];
	[tilespmem:s12+$0x5C0] =	vst v3;
	v0 =	vadd.s32 v0, v56;
	v1 =	vadd.s32 v6, v1;
	v6 =	vmul.u32 $0x380, v57  }
0xa2: {  	v19 =	vmul.u32 $0x380, v63;
	v59 =	vadd.s32 s18, v52;
	v7 =	vld [tilespmem:s12+$0x6A0];
	[tilespmem:s12+$0x630] =	vst v0;
	v0 =	vshrl.u32 v9, $0x7  }
0xa3: {  	v60 =	vshrl.u32 v10, $0x7;
	[tilespmem:s12+$0x640] =	vst v1;
	v0 =	vmul.u32 $0x380, v0;
	v1 =	vadd.s32 v6, v59  }
0xa4: {  	v14 =	vadd.s32 v19, v14;
	v3 =	vld [tilespmem:s12+$0x6B0];
	v9 =	vadd.s32 s18, v9;
	[tilespmem:s12+$0x650] =	vst v1;
	v1 =	vmul.u32 $0x380, v60  }
0xa5: {  	[tilespmem:s12+$0x3B0] =	vst v20;
	v10 =	vadd.s32 s18, v10;
	v8 =	vld [tilespmem:s12+$0x6C0];
	v0 =	vadd.s32 v0, v9;
	v9 =	vshrl.u32 v2, $0x7  }
0xa6: {  	v55 =	vld [tilespmem:s12+$0x6D0];
	v9 =	vmul.u32 $0x380, v9;
	[tilespmem:s12+$0x660] =	vst v0;
	v0 =	vadd.s32 v1, v10;
	v1 =	vshrl.u32 v5, $0x7  }
0xa7: {  	v2 =	vadd.s32 s19, v2;
	v1 =	vmul.u32 $0x380, v1;
	[tilespmem:s12+$0x670] =	vst v0;
	v0 =	vshrl.u32 v7, $0x7  }
0xa8: {  	[tilespmem:s12+$0x600] =	vst v4;
	v4 =	vld [tilespmem:s12+$0x6E0];
	v5 =	vadd.s32 s19, v5;
	v2 =	vadd.s32 v9, v2;
	v0 =	vmul.u32 $0x380, v0  }
0xa9: {  	[tilespmem:s12+$0x3D0] =	vst v14;
	v11 =	vld [tilespmem:s12+$0x6F0];
	v1 =	vadd.s32 v1, v5;
	v5 =	vadd.s32 s19, v7;
	v7 =	vshrl.u32 v3, $0x7  }
0xaa: {  	v58 =	vld [tilespmem:s12+$0x700];
	[tilespmem:s12+$0x690] =	vst v1;
	v0 =	vadd.s32 v0, v5;
	v1 =	vmul.u32 $0x380, v7;
	v5 =	vshrl.u32 v8, $0x7  }
0xab: {  	v3 =	vadd.s32 s19, v3;
	v5 =	vmul.u32 $0x380, v5;
	[tilespmem:s12+$0x6A0] =	vst v0;
	v0 =	vshrl.u32 v55, $0x7  }
0xac: {  	v6 =	vld [tilespmem:s12+$0x710];
	v1 =	vadd.s32 v1, v3;
	v3 =	vadd.s32 s19, v8;
	v0 =	vmul.u32 $0x380, v0  }
0xad: {  	v61 =	vld [tilespmem:s12+$0x720];
	v3 =	vadd.s32 v5, v3;
	[tilespmem:s12+$0x6B0] =	vst v1;
	v1 =	vadd.s32 s19, v55;
	v5 =	vshrl.u32 v4, $0x7  }
0xae: {  	v10 =	vld [tilespmem:s12+$0x730];
	[tilespmem:s12+$0x6C0] =	vst v3;
	v0 =	vadd.s32 v0, v1;
	v1 =	vmul.u32 $0x380, v5;
	v3 =	vshrl.u32 v11, $0x7  }
0xaf: {  	[tilespmem:s12+$0x680] =	vst v2;
	v4 =	vadd.s32 s19, v4;
	v5 =	vshrl.u32 v58, $0x7;
	v3 =	vmul.u32 $0x380, v3  }
0xb0: {  	v2 =	vld [tilespmem:s12+$0x740];
	[tilespmem:s12+$0x6D0] =	vst v0;
	v0 =	vadd.s32 v1, v4;
	v1 =	vadd.s32 s19, v11;
	v4 =	vmul.u32 $0x380, v5  }
0xb1: {  	v7 =	vld [tilespmem:s12+$0x750];
	v5 =	vshrl.u32 v6, $0x7;
	v1 =	vadd.s32 v3, v1;
	v3 =	vadd.s32 s20, v58  }
0xb2: {  	v8 =	vld [tilespmem:s12+$0x760];
	v3 =	vadd.s32 v4, v3;
	v4 =	vmul.u32 $0x380, v5;
	v5 =	vshrl.u32 v61, $0x7  }
0xb3: {  	v62 =	vshrl.u32 v10, $0x7;
	v6 =	vadd.s32 s20, v6;
	v5 =	vmul.u32 $0x380, v5  }
0xb4: {  	v9 =	vld [tilespmem:s12+$0x770];
	[tilespmem:s12+$0x6F0] =	vst v1;
	v1 =	vadd.s32 s20, v61;
	v4 =	vadd.s32 v4, v6;
	v6 =	vmul.u32 $0x380, v62  }
0xb5: {  	v11 =	vld [tilespmem:s12+$0x780];
	[tilespmem:s12+$0x700] =	vst v3;
	v3 =	vadd.s32 v5, v1;
	v5 =	vadd.s32 s20, v10;
	v10 =	vshrl.u32 v2, $0x7  }
0xb6: {  	[tilespmem:s12+$0x6E0] =	vst v0;
	v0 =	vld [tilespmem:s12+$0x790];
	v12 =	vadd.s32 v6, v5;
	v5 =	vmul.u32 $0x380, v10;
	v6 =	vshrl.u32 v7, $0x7  }
0xb7: {  	[tilespmem:s12+$0x710] =	vst v4;
	v4 =	vadd.s32 s20, v2;
	v10 =	vshrl.u32 v8, $0x7;
	v6 =	vmul.u32 $0x380, v6  }
0xb8: {  	v1 =	vld [tilespmem:s12+$0x7A0];
	v4 =	vadd.s32 v5, v4;
	v5 =	vadd.s32 s20, v7;
	v7 =	vmul.u32 $0x380, v10  }
0xb9: {  	v2 =	vld [tilespmem:s12+$0x7B0];
	v6 =	vadd.s32 v6, v5;
	v5 =	vadd.s32 s20, v8;
	v8 =	vshrl.u32 v9, $0x7  }
0xba: {  	[tilespmem:s12+$0x720] =	vst v3;
	v3 =	vld [tilespmem:s12+$0x7C0];
	v5 =	vadd.s32 v7, v5;
	v7 =	vmul.u32 $0x380, v8;
	v8 =	vshrl.u32 v11, $0x7  }
0xbb: {  	v63 =	vshrl.u32 v0, $0x7;
	[tilespmem:s12+$0x730] =	vst v12;
	v9 =	vadd.s32 s20, v9;
	v8 =	vmul.u32 $0x380, v8  }
0xbc: {  	s14 =	simm.s32 $0x1;
	v10 =	vadd.s32 s13, v11;
	[tilespmem:s12+$0x740] =	vst v4;
	v4 =	vld [tilespmem:s12+$0x7D0];
	v7 =	vadd.s32 v7, v9;
	v9 =	vmul.u32 $0x380, v63  }
.LBB2_2:
0xbd: {  	p0 =	sne.s32 s14, $0xF;
	[tilespmem:s12+$0x750] =	vst v6;
	v6 =	vadd.s32 v8, v10;
	v0 =	vadd.s32 s13, v0;
	v8 =	vshrl.u32 v1, $0x7;
	v10 =	vld [tilespmem:s12+$0x7E0]  }
0xbe: {  	s15 =	sshll.u32 s14, $0xB;
	[tilespmem:s12+$0x760] =	vst v5;
	v0 =	vadd.s32 v9, v0;
	v5 =	vmul.u32 $0x380, v8;
	v8 =	vshrl.u32 v2, $0x7;
	v9 =	vld [tilespmem:s12+$0x7F0]  }
0xbf: {  	v1 =	vadd.s32 s13, v1;
	s15 =	sand.u32 $0x3FFFF800, s15;
	[tilespmem:s12+$0x770] =	vst v7;
	v7 =	vmul.u32 $0x380, v8;
	v8 =	vshrl.u32 v3, $0x7  }
0xc0: {  	v2 =	vadd.s32 s13, v2;
	v11 =	vld [tilespmem:s15+$0x0];
	[tilespmem:s12+$0x780] =	vst v6;
	v1 =	vadd.s32 v5, v1;
	v5 =	vmul.u32 $0x380, v8  }
0xc1: {  	v6 =	vld [tilespmem:s15+$0x10];
	[tilespmem:s12+$0x790] =	vst v0;
	v0 =	vadd.s32 v7, v2;
	v2 =	vadd.s32 s13, v3;
	v3 =	vshrl.u32 v4, $0x7  }
0xc2: {  	[tilespmem:s12+$0x7A0] =	vst v1;
	v1 =	vadd.s32 v5, v2;
	v2 =	vmul.u32 $0x380, v3;
	v3 =	vshrl.u32 v10, $0x7  }
0xc3: {  	v5 =	vld [tilespmem:s15+$0x20];
	[tilespmem:s12+$0x7B0] =	vst v0;
	v0 =	vadd.s32 s13, v4;
	v3 =	vmul.u32 $0x380, v3;
	v4 =	vshrl.u32 v9, $0x7  }
0xc4: {  	s16 =	sadd.s32 s5, s14;
	v7 =	vld [tilespmem:s15+$0x30];
	[tilespmem:s12+$0x7C0] =	vst v1;
	v0 =	vadd.s32 v2, v0;
	v1 =	vadd.s32 s13, v10;
	v2 =	vmul.u32 $0x380, v4  }
0xc5: {  	s20 =	smul.u32 $0x3E800, s16;
	v4 =	vshrl.u32 v11, $0x7;
	v8 =	vld [tilespmem:s15+$0x40];
	[tilespmem:s12+$0x7D0] =	vst v0;
	v0 =	vadd.s32 v3, v1;
	v1 =	vadd.s32 s13, v9  }
0xc6: {  	v3 =	vmul.u32 $0x380, v4;
	v4 =	vshrl.u32 v6, $0x7;
	[tilespmem:s12+$0x7E0] =	vst v0;
	v0 =	vadd.s32 v2, v1  }
0xc7: {  	v1 =	vadd.s32 s20, v11;
	v2 =	vmul.u32 $0x380, v4;
	v9 =	vld [tilespmem:s15+$0x50];
	[tilespmem:s12+$0x7F0] =	vst v0;
	s12 =	smov.u32 s15  }
0xc8: {  	v0 =	vadd.s32 s20, v6;
	v1 =	vadd.s32 v3, v1;
	v3 =	vshrl.u32 v5, $0x7;
	v6 =	vld [tilespmem:s12+$0x60]  }
0xc9: {  	v0 =	vadd.s32 v2, v0;
	v2 =	vmul.u32 $0x380, v3;
	v3 =	vshrl.u32 v7, $0x7;
	v10 =	vld [tilespmem:s12+$0x70]  }
0xca: {  	v4 =	vadd.s32 s20, v5;
	v3 =	vmul.u32 $0x380, v3;
	v5 =	vshrl.u32 v8, $0x7  }
0xcb: {  	v4 =	vadd.s32 v2, v4;
	v2 =	vadd.s32 s20, v7;
	v5 =	vmul.u32 $0x380, v5;
	v11 =	vld [tilespmem:s12+$0x80]  }
0xcc: {  	v2 =	vadd.s32 v3, v2;
	v3 =	vadd.s32 s20, v8;
	v7 =	vshrl.u32 v9, $0x7;
	v8 =	vld [tilespmem:s12+$0x90]  }
0xcd: {  	v3 =	vadd.s32 v5, v3;
	v5 =	vmul.u32 $0x380, v7;
	v7 =	vshrl.u32 v6, $0x7;
	v12 =	vld [tilespmem:s12+$0xA0]  }
0xce: {  	v9 =	vadd.s32 s20, v9;
	v13 =	vmul.u32 $0x380, v7;
	v14 =	vshrl.u32 v10, $0x7  }
0xcf: {  	v7 =	vadd.s32 v5, v9;
	v5 =	vadd.s32 s20, v6;
	v9 =	vmul.u32 $0x380, v14;
	v14 =	vld [tilespmem:s12+$0xB0]  }
0xd0: {  	v6 =	vadd.s32 v13, v5;
	v5 =	vadd.s32 s20, v10;
	v10 =	vshrl.u32 v11, $0x7;
	v13 =	vld [tilespmem:s12+$0xC0]  }
0xd1: {  	s21 =	sor.u32 $0x80, s20;
	v5 =	vadd.s32 v9, v5;
	v9 =	vmul.u32 $0x380, v10;
	v10 =	vshrl.u32 v8, $0x7;
	v15 =	vld [tilespmem:s12+$0xD0]  }
0xd2: {  	v11 =	vadd.s32 s21, v11;
	v10 =	vmul.u32 $0x380, v10;
	v16 =	vshrl.u32 v12, $0x7  }
0xd3: {  	v8 =	vadd.s32 s21, v8;
	v11 =	vadd.s32 v9, v11;
	v16 =	vmul.u32 $0x380, v16;
	v17 =	vld [tilespmem:s12+$0xE0]  }
0xd4: {  	v9 =	vadd.s32 v10, v8;
	v8 =	vadd.s32 s21, v12;
	v10 =	vshrl.u32 v14, $0x7;
	v18 =	vld [tilespmem:s12+$0xF0]  }
0xd5: {  	v8 =	vadd.s32 v16, v8;
	v10 =	vmul.u32 $0x380, v10;
	v12 =	vshrl.u32 v13, $0x7;
	v16 =	vld [tilespmem:s12+$0x100]  }
0xd6: {  	v14 =	vadd.s32 s21, v14;
	v19 =	vmul.u32 $0x380, v12;
	v20 =	vshrl.u32 v15, $0x7  }
0xd7: {  	v12 =	vadd.s32 v10, v14;
	v10 =	vadd.s32 s21, v13;
	v14 =	vmul.u32 $0x380, v20;
	v20 =	vld [tilespmem:s12+$0x110]  }
0xd8: {  	v13 =	vadd.s32 v19, v10;
	v10 =	vadd.s32 s21, v15;
	v15 =	vshrl.u32 v17, $0x7;
	v19 =	vld [tilespmem:s12+$0x120]  }
0xd9: {  	v10 =	vadd.s32 v14, v10;
	v14 =	vmul.u32 $0x380, v15;
	v15 =	vshrl.u32 v18, $0x7;
	v21 =	vld [tilespmem:s12+$0x130]  }
0xda: {  	v17 =	vadd.s32 s21, v17;
	v15 =	vmul.u32 $0x380, v15;
	v22 =	vshrl.u32 v16, $0x7  }
0xdb: {  	s19 =	sor.u32 $0x100, s20;
	v14 =	vadd.s32 v14, v17;
	v17 =	vadd.s32 s21, v18;
	v18 =	vmul.u32 $0x380, v22;
	v22 =	vld [tilespmem:s12+$0x140]  }
0xdc: {  	v16 =	vadd.s32 s19, v16;
	v15 =	vadd.s32 v15, v17;
	v17 =	vshrl.u32 v20, $0x7;
	v23 =	vld [tilespmem:s12+$0x150]  }
0xdd: {  	v16 =	vadd.s32 v18, v16;
	v17 =	vmul.u32 $0x380, v17;
	v18 =	vshrl.u32 v19, $0x7;
	v24 =	vld [tilespmem:s12+$0x160]  }
0xde: {  	v20 =	vadd.s32 s19, v20;
	v18 =	vmul.u32 $0x380, v18;
	v25 =	vshrl.u32 v21, $0x7  }
0xdf: {  	v20 =	vadd.s32 v17, v20;
	v17 =	vadd.s32 s19, v19;
	v19 =	vmul.u32 $0x380, v25;
	v25 =	vld [tilespmem:s12+$0x170]  }
0xe0: {  	v18 =	vadd.s32 v18, v17;
	v17 =	vadd.s32 s19, v21;
	v21 =	vshrl.u32 v22, $0x7;
	v26 =	vld [tilespmem:s12+$0x180]  }
0xe1: {  	v17 =	vadd.s32 v19, v17;
	v19 =	vmul.u32 $0x380, v21;
	v21 =	vshrl.u32 v23, $0x7;
	v27 =	vld [tilespmem:s12+$0x190]  }
0xe2: {  	v22 =	vadd.s32 s19, v22;
	v21 =	vmul.u32 $0x380, v21;
	v28 =	vshrl.u32 v24, $0x7  }
0xe3: {  	v22 =	vadd.s32 v19, v22;
	v19 =	vadd.s32 s19, v23;
	v23 =	vmul.u32 $0x380, v28;
	v28 =	vld [tilespmem:s12+$0x1A0]  }
0xe4: {  	v21 =	vadd.s32 v21, v19;
	v19 =	vadd.s32 s19, v24;
	v24 =	vshrl.u32 v25, $0x7;
	v30 =	vld [tilespmem:s12+$0x1B0]  }
0xe5: {  	v19 =	vadd.s32 v23, v19;
	v23 =	vmul.u32 $0x380, v24;
	v24 =	vshrl.u32 v26, $0x7;
	v31 =	vld [tilespmem:s12+$0x1C0]  }
0xe6: {  	s18 =	sor.u32 $0x180, s20;
	v25 =	vadd.s32 s19, v25;
	v29 =	vmul.u32 $0x380, v24;
	v32 =	vshrl.u32 v27, $0x7  }
0xe7: {  	v24 =	vadd.s32 v23, v25;
	v23 =	vadd.s32 s18, v26;
	v26 =	vmul.u32 $0x380, v32;
	v32 =	vld [tilespmem:s12+$0x1D0]  }
0xe8: {  	v25 =	vadd.s32 v29, v23;
	v23 =	vadd.s32 s18, v27;
	v27 =	vshrl.u32 v28, $0x7;
	v33 =	vld [tilespmem:s12+$0x1E0]  }
0xe9: {  	v23 =	vadd.s32 v26, v23;
	v26 =	vmul.u32 $0x380, v27;
	v27 =	vshrl.u32 v30, $0x7;
	v34 =	vld [tilespmem:s12+$0x1F0]  }
0xea: {  	v28 =	vadd.s32 s18, v28;
	v27 =	vmul.u32 $0x380, v27;
	v35 =	vshrl.u32 v31, $0x7  }
0xeb: {  	v29 =	vadd.s32 v26, v28;
	v26 =	vadd.s32 s18, v30;
	v28 =	vmul.u32 $0x380, v35;
	v35 =	vld [tilespmem:s12+$0x200]  }
0xec: {  	v26 =	vadd.s32 v27, v26;
	v27 =	vadd.s32 s18, v31;
	v30 =	vshrl.u32 v32, $0x7;
	v36 =	vld [tilespmem:s12+$0x210]  }
0xed: {  	v27 =	vadd.s32 v28, v27;
	v28 =	vmul.u32 $0x380, v30;
	v30 =	vshrl.u32 v33, $0x7;
	v37 =	vld [tilespmem:s12+$0x220]  }
0xee: {  	v31 =	vadd.s32 s18, v32;
	v30 =	vmul.u32 $0x380, v30;
	v32 =	vshrl.u32 v34, $0x7  }
0xef: {  	v31 =	vadd.s32 v28, v31;
	v28 =	vadd.s32 s18, v33;
	v32 =	vmul.u32 $0x380, v32;
	v33 =	vld [tilespmem:s12+$0x230]  }
0xf0: {  	v30 =	vadd.s32 v30, v28;
	v28 =	vadd.s32 s18, v34;
	v34 =	vshrl.u32 v35, $0x7;
	v38 =	vld [tilespmem:s12+$0x240]  }
0xf1: {  	s17 =	sor.u32 $0x200, s20;
	v28 =	vadd.s32 v32, v28;
	v32 =	vmul.u32 $0x380, v34;
	v34 =	vshrl.u32 v36, $0x7;
	v39 =	vld [tilespmem:s12+$0x250]  }
0xf2: {  	v35 =	vadd.s32 s17, v35;
	v34 =	vmul.u32 $0x380, v34;
	v40 =	vshrl.u32 v37, $0x7  }
0xf3: {  	[tilespmem:s12+$0x0] =	vst v1;
	v1 =	vadd.s32 v32, v35;
	v32 =	vadd.s32 s17, v36;
	v35 =	vmul.u32 $0x380, v40;
	v36 =	vld [tilespmem:s12+$0x260]  }
0xf4: {  	[tilespmem:s12+$0x10] =	vst v0;
	v0 =	vadd.s32 v34, v32;
	v32 =	vadd.s32 s17, v37;
	v34 =	vshrl.u32 v33, $0x7;
	v37 =	vld [tilespmem:s12+$0x270]  }
0xf5: {  	[tilespmem:s12+$0x20] =	vst v4;
	v4 =	vadd.s32 v35, v32;
	v32 =	vmul.u32 $0x380, v34;
	v34 =	vshrl.u32 v38, $0x7;
	v35 =	vld [tilespmem:s12+$0x280]  }
0xf6: {  	[tilespmem:s12+$0x30] =	vst v2;
	v2 =	vadd.s32 s17, v33;
	v33 =	vmul.u32 $0x380, v34;
	v34 =	vshrl.u32 v39, $0x7  }
0xf7: {  	[tilespmem:s12+$0x40] =	vst v3;
	v2 =	vadd.s32 v32, v2;
	v3 =	vadd.s32 s17, v38;
	v32 =	vmul.u32 $0x380, v34;
	v34 =	vld [tilespmem:s12+$0x290]  }
0xf8: {  	[tilespmem:s12+$0x50] =	vst v7;
	v3 =	vadd.s32 v33, v3;
	v7 =	vadd.s32 s17, v39;
	v33 =	vshrl.u32 v36, $0x7;
	v38 =	vld [tilespmem:s12+$0x2A0]  }
0xf9: {  	[tilespmem:s12+$0x60] =	vst v6;
	v6 =	vadd.s32 v32, v7;
	v7 =	vmul.u32 $0x380, v33;
	v32 =	vshrl.u32 v37, $0x7;
	v33 =	vld [tilespmem:s12+$0x2B0]  }
0xfa: {  	[tilespmem:s12+$0x70] =	vst v5;
	v5 =	vadd.s32 s17, v36;
	v32 =	vmul.u32 $0x380, v32;
	v36 =	vshrl.u32 v35, $0x7  }
0xfb: {  	s15 =	sor.u32 $0x280, s20;
	[tilespmem:s12+$0x80] =	vst v11;
	v5 =	vadd.s32 v7, v5;
	v7 =	vadd.s32 s17, v37;
	v11 =	vmul.u32 $0x380, v36;
	v36 =	vld [tilespmem:s12+$0x2C0]  }
0xfc: {  	[tilespmem:s12+$0x90] =	vst v9;
	v7 =	vadd.s32 v32, v7;
	v9 =	vadd.s32 s15, v35;
	v32 =	vshrl.u32 v34, $0x7;
	v35 =	vld [tilespmem:s12+$0x2D0]  }
0xfd: {  	[tilespmem:s12+$0xA0] =	vst v8;
	v8 =	vadd.s32 v11, v9;
	v9 =	vmul.u32 $0x380, v32;
	v11 =	vshrl.u32 v38, $0x7;
	v32 =	vld [tilespmem:s12+$0x2E0]  }
0xfe: {  	[tilespmem:s12+$0xB0] =	vst v12;
	v12 =	vadd.s32 s15, v34;
	v11 =	vmul.u32 $0x380, v11;
	v34 =	vshrl.u32 v33, $0x7  }
0xff: {  	[tilespmem:s12+$0xC0] =	vst v13;
	v9 =	vadd.s32 v9, v12;
	v12 =	vadd.s32 s15, v38;
	v13 =	vmul.u32 $0x380, v34;
	v34 =	vld [tilespmem:s12+$0x2F0]  }
0x100: {  	[tilespmem:s12+$0xD0] =	vst v10;
	v10 =	vadd.s32 v11, v12;
	v11 =	vadd.s32 s15, v33;
	v12 =	vshrl.u32 v36, $0x7;
	v33 =	vld [tilespmem:s12+$0x300]  }
0x101: {  	[tilespmem:s12+$0xE0] =	vst v14;
	v11 =	vadd.s32 v13, v11;
	v12 =	vmul.u32 $0x380, v12;
	v13 =	vshrl.u32 v35, $0x7;
	v37 =	vld [tilespmem:s12+$0x310]  }
0x102: {  	v14 =	vadd.s32 s15, v36;
	[tilespmem:s12+$0xF0] =	vst v15;
	v13 =	vmul.u32 $0x380, v13;
	v15 =	vshrl.u32 v32, $0x7  }
0x103: {  	[tilespmem:s12+$0x100] =	vst v16;
	v12 =	vadd.s32 v12, v14;
	v14 =	vadd.s32 s15, v35;
	v15 =	vmul.u32 $0x380, v15;
	v35 =	vld [tilespmem:s12+$0x320]  }
0x104: {  	[tilespmem:s12+$0x110] =	vst v20;
	v13 =	vadd.s32 v13, v14;
	v14 =	vadd.s32 s15, v32;
	v16 =	vshrl.u32 v34, $0x7;
	v20 =	vld [tilespmem:s12+$0x330]  }
0x105: {  	[tilespmem:s12+$0x120] =	vst v18;
	v14 =	vadd.s32 v15, v14;
	v15 =	vmul.u32 $0x380, v16;
	v16 =	vshrl.u32 v33, $0x7;
	v32 =	vld [tilespmem:s12+$0x340]  }
0x106: {  	s16 =	sor.u32 $0x300, s20;
	[tilespmem:s12+$0x130] =	vst v17;
	v17 =	vadd.s32 s15, v34;
	v16 =	vmul.u32 $0x380, v16;
	v18 =	vshrl.u32 v37, $0x7  }
0x107: {  	[tilespmem:s12+$0x140] =	vst v22;
	v15 =	vadd.s32 v15, v17;
	v17 =	vadd.s32 s16, v33;
	v18 =	vmul.u32 $0x380, v18;
	v22 =	vld [tilespmem:s12+$0x350]  }
0x108: {  	[tilespmem:s12+$0x150] =	vst v21;
	v16 =	vadd.s32 v16, v17;
	v17 =	vadd.s32 s16, v37;
	v21 =	vshrl.u32 v35, $0x7;
	v33 =	vld [tilespmem:s12+$0x360]  }
0x109: {  	[tilespmem:s12+$0x160] =	vst v19;
	v17 =	vadd.s32 v18, v17;
	v18 =	vmul.u32 $0x380, v21;
	v19 =	vshrl.u32 v20, $0x7;
	v34 =	vld [tilespmem:s12+$0x370]  }
0x10a: {  	v21 =	vadd.s32 s16, v35;
	[tilespmem:s12+$0x170] =	vst v24;
	v19 =	vmul.u32 $0x380, v19;
	v24 =	vshrl.u32 v32, $0x7  }
0x10b: {  	v20 =	vadd.s32 s16, v20;
	[tilespmem:s12+$0x180] =	vst v25;
	v18 =	vadd.s32 v18, v21;
	v21 =	vmul.u32 $0x380, v24;
	v24 =	vld [tilespmem:s12+$0x380]  }
0x10c: {  	[tilespmem:s12+$0x190] =	vst v23;
	v19 =	vadd.s32 v19, v20;
	v20 =	vadd.s32 s16, v32;
	v23 =	vshrl.u32 v22, $0x7;
	v25 =	vld [tilespmem:s12+$0x390]  }
0x10d: {  	[tilespmem:s12+$0x1A0] =	vst v29;
	v20 =	vadd.s32 v21, v20;
	v21 =	vmul.u32 $0x380, v23;
	v23 =	vshrl.u32 v33, $0x7;
	v29 =	vld [tilespmem:s12+$0x3A0]  }
0x10e: {  	v22 =	vadd.s32 s16, v22;
	[tilespmem:s12+$0x1B0] =	vst v26;
	v23 =	vmul.u32 $0x380, v23;
	v26 =	vshrl.u32 v34, $0x7  }
0x10f: {  	[tilespmem:s12+$0x1C0] =	vst v27;
	v21 =	vadd.s32 v21, v22;
	v22 =	vadd.s32 s16, v33;
	v26 =	vmul.u32 $0x380, v26;
	v27 =	vld [tilespmem:s12+$0x3B0]  }
0x110: {  	[tilespmem:s12+$0x1D0] =	vst v31;
	v22 =	vadd.s32 v23, v22;
	v23 =	vadd.s32 s16, v34;
	v31 =	vshrl.u32 v24, $0x7;
	v32 =	vld [tilespmem:s12+$0x3C0]  }
0x111: {  	s13 =	sor.u32 $0x380, s20;
	[tilespmem:s12+$0x1E0] =	vst v30;
	v23 =	vadd.s32 v26, v23;
	v26 =	vmul.u32 $0x380, v31;
	v30 =	vshrl.u32 v25, $0x7;
	v31 =	vld [tilespmem:s12+$0x3D0]  }
0x112: {  	v24 =	vadd.s32 s13, v24;
	[tilespmem:s12+$0x1F0] =	vst v28;
	v28 =	vmul.u32 $0x380, v30;
	v30 =	vshrl.u32 v29, $0x7  }
0x113: {  	[tilespmem:s12+$0x200] =	vst v1;
	v1 =	vadd.s32 v26, v24;
	v24 =	vadd.s32 s13, v25;
	v25 =	vmul.u32 $0x380, v30;
	v26 =	vld [tilespmem:s12+$0x3E0]  }
0x114: {  	[tilespmem:s12+$0x210] =	vst v0;
	v0 =	vadd.s32 v28, v24;
	v24 =	vadd.s32 s13, v29;
	v28 =	vshrl.u32 v27, $0x7;
	v29 =	vld [tilespmem:s12+$0x3F0]  }
0x115: {  	[tilespmem:s12+$0x220] =	vst v4;
	v4 =	vadd.s32 v25, v24;
	v24 =	vmul.u32 $0x380, v28;
	v25 =	vshrl.u32 v32, $0x7;
	v28 =	vld [tilespmem:s12+$0x400]  }
0x116: {  	[tilespmem:s12+$0x230] =	vst v2;
	v2 =	vadd.s32 s13, v27;
	v25 =	vmul.u32 $0x380, v25;
	v27 =	vshrl.u32 v31, $0x7  }
0x117: {  	[tilespmem:s12+$0x240] =	vst v3;
	v2 =	vadd.s32 v24, v2;
	v3 =	vadd.s32 s13, v32;
	v24 =	vmul.u32 $0x380, v27;
	v27 =	vld [tilespmem:s12+$0x410]  }
0x118: {  	[tilespmem:s12+$0x250] =	vst v6;
	v3 =	vadd.s32 v25, v3;
	v6 =	vadd.s32 s13, v31;
	v25 =	vshrl.u32 v26, $0x7;
	v30 =	vld [tilespmem:s12+$0x420]  }
0x119: {  	[tilespmem:s12+$0x260] =	vst v5;
	v5 =	vadd.s32 v24, v6;
	v6 =	vmul.u32 $0x380, v25;
	v24 =	vshrl.u32 v29, $0x7;
	v25 =	vld [tilespmem:s12+$0x430]  }
0x11a: {  	[tilespmem:s12+$0x270] =	vst v7;
	v7 =	vadd.s32 s13, v26;
	v24 =	vmul.u32 $0x380, v24;
	v26 =	vshrl.u32 v28, $0x7  }
0x11b: {  	[tilespmem:s12+$0x280] =	vst v8;
	v6 =	vadd.s32 v6, v7;
	v7 =	vadd.s32 s13, v29;
	v8 =	vmul.u32 $0x380, v26;
	v26 =	vld [tilespmem:s12+$0x440]  }
0x11c: {  	[tilespmem:s12+$0x290] =	vst v9;
	v7 =	vadd.s32 v24, v7;
	v9 =	vadd.s32 s20, v28;
	v24 =	vshrl.u32 v27, $0x7;
	v28 =	vld [tilespmem:s12+$0x450]  }
0x11d: {  	[tilespmem:s12+$0x2A0] =	vst v10;
	v8 =	vadd.s32 v8, v9;
	v9 =	vmul.u32 $0x380, v24;
	v10 =	vshrl.u32 v30, $0x7;
	v24 =	vld [tilespmem:s12+$0x460]  }
0x11e: {  	[tilespmem:s12+$0x2B0] =	vst v11;
	v11 =	vadd.s32 s20, v27;
	v10 =	vmul.u32 $0x380, v10;
	v27 =	vshrl.u32 v25, $0x7  }
0x11f: {  	[tilespmem:s12+$0x2C0] =	vst v12;
	v9 =	vadd.s32 v9, v11;
	v11 =	vadd.s32 s20, v30;
	v12 =	vmul.u32 $0x380, v27;
	v27 =	vld [tilespmem:s12+$0x470]  }
0x120: {  	[tilespmem:s12+$0x2D0] =	vst v13;
	v10 =	vadd.s32 v10, v11;
	v11 =	vadd.s32 s20, v25;
	v13 =	vshrl.u32 v26, $0x7;
	v25 =	vld [tilespmem:s12+$0x480]  }
0x121: {  	[tilespmem:s12+$0x2E0] =	vst v14;
	v11 =	vadd.s32 v12, v11;
	v12 =	vmul.u32 $0x380, v13;
	v13 =	vshrl.u32 v28, $0x7;
	v14 =	vld [tilespmem:s12+$0x490]  }
0x122: {  	[tilespmem:s12+$0x2F0] =	vst v15;
	v15 =	vadd.s32 s20, v26;
	v13 =	vmul.u32 $0x380, v13;
	v26 =	vshrl.u32 v24, $0x7  }
0x123: {  	[tilespmem:s12+$0x300] =	vst v16;
	v12 =	vadd.s32 v12, v15;
	v15 =	vadd.s32 s20, v28;
	v16 =	vmul.u32 $0x380, v26;
	v26 =	vld [tilespmem:s12+$0x4A0]  }
0x124: {  	[tilespmem:s12+$0x310] =	vst v17;
	v13 =	vadd.s32 v13, v15;
	v15 =	vadd.s32 s20, v24;
	v17 =	vshrl.u32 v27, $0x7;
	v24 =	vld [tilespmem:s12+$0x4B0]  }
0x125: {  	[tilespmem:s12+$0x320] =	vst v18;
	v15 =	vadd.s32 v16, v15;
	v16 =	vmul.u32 $0x380, v17;
	v17 =	vshrl.u32 v25, $0x7;
	v18 =	vld [tilespmem:s12+$0x4C0]  }
0x126: {  	[tilespmem:s12+$0x330] =	vst v19;
	v19 =	vadd.s32 s20, v27;
	v17 =	vmul.u32 $0x380, v17;
	v27 =	vshrl.u32 v14, $0x7  }
0x127: {  	[tilespmem:s12+$0x340] =	vst v20;
	v16 =	vadd.s32 v16, v19;
	v19 =	vadd.s32 s21, v25;
	v20 =	vmul.u32 $0x380, v27;
	v25 =	vld [tilespmem:s12+$0x4D0]  }
0x128: {  	v14 =	vadd.s32 s21, v14;
	[tilespmem:s12+$0x350] =	vst v21;
	v17 =	vadd.s32 v17, v19;
	v19 =	vshrl.u32 v26, $0x7;
	v21 =	vld [tilespmem:s12+$0x4E0]  }
0x129: {  	[tilespmem:s12+$0x360] =	vst v22;
	v14 =	vadd.s32 v20, v14;
	v19 =	vmul.u32 $0x380, v19;
	v20 =	vshrl.u32 v24, $0x7;
	v22 =	vld [tilespmem:s12+$0x4F0]  }
0x12a: {  	[tilespmem:s12+$0x370] =	vst v23;
	v23 =	vadd.s32 s21, v26;
	v20 =	vmul.u32 $0x380, v20;
	v26 =	vshrl.u32 v18, $0x7  }
0x12b: {  	[tilespmem:s12+$0x380] =	vst v1;
	v1 =	vadd.s32 v19, v23;
	v19 =	vadd.s32 s21, v24;
	v23 =	vmul.u32 $0x380, v26;
	v24 =	vld [tilespmem:s12+$0x500]  }
0x12c: {  	v18 =	vadd.s32 s21, v18;
	[tilespmem:s12+$0x390] =	vst v0;
	v0 =	vadd.s32 v20, v19;
	v19 =	vshrl.u32 v25, $0x7;
	v20 =	vld [tilespmem:s12+$0x510]  }
0x12d: {  	[tilespmem:s12+$0x3A0] =	vst v4;
	v4 =	vadd.s32 v23, v18;
	v18 =	vmul.u32 $0x380, v19;
	v19 =	vshrl.u32 v21, $0x7;
	v23 =	vld [tilespmem:s12+$0x520]  }
0x12e: {  	[tilespmem:s12+$0x3B0] =	vst v2;
	v2 =	vadd.s32 s21, v25;
	v19 =	vmul.u32 $0x380, v19;
	v25 =	vshrl.u32 v22, $0x7  }
0x12f: {  	[tilespmem:s12+$0x3C0] =	vst v3;
	v2 =	vadd.s32 v18, v2;
	v3 =	vadd.s32 s21, v21;
	v18 =	vmul.u32 $0x380, v25;
	v21 =	vld [tilespmem:s12+$0x530]  }
0x130: {  	[tilespmem:s12+$0x3D0] =	vst v5;
	v3 =	vadd.s32 v19, v3;
	v5 =	vadd.s32 s21, v22;
	v19 =	vshrl.u32 v24, $0x7;
	v22 =	vld [tilespmem:s12+$0x540]  }
0x131: {  	[tilespmem:s12+$0x3E0] =	vst v6;
	v5 =	vadd.s32 v18, v5;
	v6 =	vmul.u32 $0x380, v19;
	v18 =	vshrl.u32 v20, $0x7;
	v19 =	vld [tilespmem:s12+$0x550]  }
0x132: {  	[tilespmem:s12+$0x3F0] =	vst v7;
	v7 =	vadd.s32 s19, v24;
	v18 =	vmul.u32 $0x380, v18;
	v24 =	vshrl.u32 v23, $0x7  }
0x133: {  	[tilespmem:s12+$0x400] =	vst v8;
	v6 =	vadd.s32 v6, v7;
	v7 =	vadd.s32 s19, v20;
	v8 =	vmul.u32 $0x380, v24;
	v20 =	vld [tilespmem:s12+$0x560]  }
0x134: {  	[tilespmem:s12+$0x410] =	vst v9;
	v7 =	vadd.s32 v18, v7;
	v9 =	vadd.s32 s19, v23;
	v18 =	vshrl.u32 v21, $0x7;
	v23 =	vld [tilespmem:s12+$0x570]  }
0x135: {  	[tilespmem:s12+$0x420] =	vst v10;
	v8 =	vadd.s32 v8, v9;
	v9 =	vmul.u32 $0x380, v18;
	v10 =	vshrl.u32 v22, $0x7;
	v18 =	vld [tilespmem:s12+$0x580]  }
0x136: {  	[tilespmem:s12+$0x430] =	vst v11;
	v11 =	vadd.s32 s19, v21;
	v10 =	vmul.u32 $0x380, v10;
	v21 =	vshrl.u32 v19, $0x7  }
0x137: {  	[tilespmem:s12+$0x440] =	vst v12;
	v9 =	vadd.s32 v9, v11;
	v11 =	vadd.s32 s19, v22;
	v12 =	vmul.u32 $0x380, v21;
	v21 =	vld [tilespmem:s12+$0x590]  }
0x138: {  	[tilespmem:s12+$0x450] =	vst v13;
	v10 =	vadd.s32 v10, v11;
	v11 =	vadd.s32 s19, v19;
	v13 =	vshrl.u32 v20, $0x7;
	v19 =	vld [tilespmem:s12+$0x5A0]  }
0x139: {  	[tilespmem:s12+$0x460] =	vst v15;
	v11 =	vadd.s32 v12, v11;
	v12 =	vmul.u32 $0x380, v13;
	v13 =	vshrl.u32 v23, $0x7;
	v15 =	vld [tilespmem:s12+$0x5B0]  }
0x13a: {  	[tilespmem:s12+$0x470] =	vst v16;
	v16 =	vadd.s32 s19, v20;
	v13 =	vmul.u32 $0x380, v13;
	v20 =	vshrl.u32 v18, $0x7  }
0x13b: {  	[tilespmem:s12+$0x480] =	vst v17;
	v12 =	vadd.s32 v12, v16;
	v16 =	vadd.s32 s19, v23;
	v17 =	vmul.u32 $0x380, v20;
	v20 =	vld [tilespmem:s12+$0x5C0]  }
0x13c: {  	[tilespmem:s12+$0x490] =	vst v14;
	v13 =	vadd.s32 v13, v16;
	v14 =	vadd.s32 s18, v18;
	v16 =	vshrl.u32 v21, $0x7;
	v18 =	vld [tilespmem:s12+$0x5D0]  }
0x13d: {  	[tilespmem:s12+$0x4A0] =	vst v1;
	v1 =	vadd.s32 v17, v14;
	v14 =	vmul.u32 $0x380, v16;
	v16 =	vshrl.u32 v19, $0x7;
	v17 =	vld [tilespmem:s12+$0x5E0]  }
0x13e: {  	[tilespmem:s12+$0x4B0] =	vst v0;
	v0 =	vadd.s32 s18, v21;
	v16 =	vmul.u32 $0x380, v16;
	v21 =	vshrl.u32 v15, $0x7  }
0x13f: {  	[tilespmem:s12+$0x4C0] =	vst v4;
	v0 =	vadd.s32 v14, v0;
	v4 =	vadd.s32 s18, v19;
	v14 =	vmul.u32 $0x380, v21;
	v19 =	vld [tilespmem:s12+$0x5F0]  }
0x140: {  	[tilespmem:s12+$0x4D0] =	vst v2;
	v2 =	vadd.s32 v16, v4;
	v4 =	vadd.s32 s18, v15;
	v15 =	vshrl.u32 v20, $0x7;
	v16 =	vld [tilespmem:s12+$0x600]  }
0x141: {  	[tilespmem:s12+$0x4E0] =	vst v3;
	v3 =	vadd.s32 v14, v4;
	v4 =	vmul.u32 $0x380, v15;
	v14 =	vshrl.u32 v18, $0x7;
	v15 =	vld [tilespmem:s12+$0x610]  }
0x142: {  	[tilespmem:s12+$0x4F0] =	vst v5;
	v5 =	vadd.s32 s18, v20;
	v14 =	vmul.u32 $0x380, v14;
	v20 =	vshrl.u32 v17, $0x7  }
0x143: {  	[tilespmem:s12+$0x500] =	vst v6;
	v4 =	vadd.s32 v4, v5;
	v5 =	vadd.s32 s18, v18;
	v6 =	vmul.u32 $0x380, v20;
	v18 =	vld [tilespmem:s12+$0x620]  }
0x144: {  	[tilespmem:s12+$0x510] =	vst v7;
	v5 =	vadd.s32 v14, v5;
	v7 =	vadd.s32 s18, v17;
	v14 =	vshrl.u32 v19, $0x7;
	v17 =	vld [tilespmem:s12+$0x630]  }
0x145: {  	[tilespmem:s12+$0x520] =	vst v8;
	v6 =	vadd.s32 v6, v7;
	v7 =	vmul.u32 $0x380, v14;
	v8 =	vshrl.u32 v16, $0x7;
	v14 =	vld [tilespmem:s12+$0x640]  }
0x146: {  	[tilespmem:s12+$0x530] =	vst v9;
	v9 =	vadd.s32 s18, v19;
	v8 =	vmul.u32 $0x380, v8;
	v19 =	vshrl.u32 v15, $0x7  }
0x147: {  	[tilespmem:s12+$0x540] =	vst v10;
	v7 =	vadd.s32 v7, v9;
	v9 =	vadd.s32 s17, v16;
	v10 =	vmul.u32 $0x380, v19;
	v16 =	vld [tilespmem:s12+$0x650]  }
0x148: {  	[tilespmem:s12+$0x550] =	vst v11;
	v8 =	vadd.s32 v8, v9;
	v9 =	vadd.s32 s17, v15;
	v11 =	vshrl.u32 v18, $0x7;
	v15 =	vld [tilespmem:s12+$0x660]  }
0x149: {  	[tilespmem:s12+$0x560] =	vst v12;
	v9 =	vadd.s32 v10, v9;
	v10 =	vmul.u32 $0x380, v11;
	v11 =	vshrl.u32 v17, $0x7;
	v12 =	vld [tilespmem:s12+$0x670]  }
0x14a: {  	[tilespmem:s12+$0x570] =	vst v13;
	v13 =	vadd.s32 s17, v18;
	v11 =	vmul.u32 $0x380, v11;
	v18 =	vshrl.u32 v14, $0x7  }
0x14b: {  	[tilespmem:s12+$0x580] =	vst v1;
	v1 =	vadd.s32 v10, v13;
	v10 =	vadd.s32 s17, v17;
	v13 =	vmul.u32 $0x380, v18;
	v17 =	vld [tilespmem:s12+$0x680]  }
0x14c: {  	[tilespmem:s12+$0x590] =	vst v0;
	v0 =	vadd.s32 v11, v10;
	v10 =	vadd.s32 s17, v14;
	v11 =	vshrl.u32 v16, $0x7;
	v14 =	vld [tilespmem:s12+$0x690]  }
0x14d: {  	[tilespmem:s12+$0x5A0] =	vst v2;
	v2 =	vadd.s32 v13, v10;
	v10 =	vmul.u32 $0x380, v11;
	v11 =	vshrl.u32 v15, $0x7;
	v13 =	vld [tilespmem:s12+$0x6A0]  }
0x14e: {  	[tilespmem:s12+$0x5B0] =	vst v3;
	v3 =	vadd.s32 s17, v16;
	v11 =	vmul.u32 $0x380, v11;
	v16 =	vshrl.u32 v12, $0x7  }
0x14f: {  	[tilespmem:s12+$0x5C0] =	vst v4;
	v3 =	vadd.s32 v10, v3;
	v4 =	vadd.s32 s17, v15;
	v10 =	vmul.u32 $0x380, v16;
	v15 =	vld [tilespmem:s12+$0x6B0]  }
0x150: {  	[tilespmem:s12+$0x5D0] =	vst v5;
	v4 =	vadd.s32 v11, v4;
	v5 =	vadd.s32 s17, v12;
	v11 =	vshrl.u32 v17, $0x7;
	v12 =	vld [tilespmem:s12+$0x6C0]  }
0x151: {  	[tilespmem:s12+$0x5E0] =	vst v6;
	v5 =	vadd.s32 v10, v5;
	v6 =	vmul.u32 $0x380, v11;
	v10 =	vshrl.u32 v14, $0x7;
	v11 =	vld [tilespmem:s12+$0x6D0]  }
0x152: {  	[tilespmem:s12+$0x5F0] =	vst v7;
	v7 =	vadd.s32 s15, v17;
	v10 =	vmul.u32 $0x380, v10;
	v16 =	vshrl.u32 v13, $0x7  }
0x153: {  	[tilespmem:s12+$0x600] =	vst v8;
	v6 =	vadd.s32 v6, v7;
	v7 =	vadd.s32 s15, v14;
	v8 =	vmul.u32 $0x380, v16;
	v14 =	vld [tilespmem:s12+$0x6E0]  }
0x154: {  	[tilespmem:s12+$0x610] =	vst v9;
	v7 =	vadd.s32 v10, v7;
	v9 =	vadd.s32 s15, v13;
	v10 =	vshrl.u32 v15, $0x7;
	v13 =	vld [tilespmem:s12+$0x6F0]  }
0x155: {  	[tilespmem:s12+$0x620] =	vst v1;
	v1 =	vadd.s32 v8, v9;
	v8 =	vmul.u32 $0x380, v10;
	v9 =	vshrl.u32 v12, $0x7;
	v10 =	vld [tilespmem:s12+$0x700]  }
0x156: {  	[tilespmem:s12+$0x630] =	vst v0;
	v0 =	vadd.s32 s15, v15;
	v9 =	vmul.u32 $0x380, v9;
	v15 =	vshrl.u32 v11, $0x7  }
0x157: {  	[tilespmem:s12+$0x640] =	vst v2;
	v0 =	vadd.s32 v8, v0;
	v2 =	vadd.s32 s15, v12;
	v8 =	vmul.u32 $0x380, v15;
	v12 =	vld [tilespmem:s12+$0x710]  }
0x158: {  	[tilespmem:s12+$0x650] =	vst v3;
	v2 =	vadd.s32 v9, v2;
	v3 =	vadd.s32 s15, v11;
	v9 =	vshrl.u32 v14, $0x7;
	v11 =	vld [tilespmem:s12+$0x720]  }
0x159: {  	[tilespmem:s12+$0x660] =	vst v4;
	v3 =	vadd.s32 v8, v3;
	v4 =	vmul.u32 $0x380, v9;
	v8 =	vshrl.u32 v13, $0x7;
	v9 =	vld [tilespmem:s12+$0x730]  }
0x15a: {  	[tilespmem:s12+$0x670] =	vst v5;
	v5 =	vadd.s32 s15, v14;
	v8 =	vmul.u32 $0x380, v8;
	v14 =	vshrl.u32 v10, $0x7  }
0x15b: {  	[tilespmem:s12+$0x680] =	vst v6;
	v4 =	vadd.s32 v4, v5;
	v5 =	vadd.s32 s15, v13;
	v6 =	vmul.u32 $0x380, v14;
	v13 =	vld [tilespmem:s12+$0x740]  }
0x15c: {  	[tilespmem:s12+$0x690] =	vst v7;
	v5 =	vadd.s32 v8, v5;
	v7 =	vadd.s32 s16, v10;
	v8 =	vshrl.u32 v12, $0x7;
	v10 =	vld [tilespmem:s12+$0x750]  }
0x15d: {  	[tilespmem:s12+$0x6A0] =	vst v1;
	v1 =	vadd.s32 v6, v7;
	v6 =	vmul.u32 $0x380, v8;
	v7 =	vshrl.u32 v11, $0x7;
	v8 =	vld [tilespmem:s12+$0x760]  }
0x15e: {  	[tilespmem:s12+$0x6B0] =	vst v0;
	v0 =	vadd.s32 s16, v12;
	v7 =	vmul.u32 $0x380, v7;
	v12 =	vshrl.u32 v9, $0x7  }
0x15f: {  	[tilespmem:s12+$0x6C0] =	vst v2;
	v2 =	vadd.s32 v6, v0;
	v0 =	vadd.s32 s16, v11;
	v6 =	vmul.u32 $0x380, v12;
	v11 =	vld [tilespmem:s12+$0x770]  }
0x160: {  	[tilespmem:s12+$0x6D0] =	vst v3;
	v3 =	vadd.s32 v7, v0;
	v0 =	vadd.s32 s16, v9;
	v7 =	vshrl.u32 v13, $0x7;
	v9 =	vld [tilespmem:s12+$0x780]  }
0x161: {  	[tilespmem:s12+$0x6E0] =	vst v4;
	v4 =	vadd.s32 v6, v0;
	v6 =	vmul.u32 $0x380, v7;
	v7 =	vshrl.u32 v10, $0x7;
	v0 =	vld [tilespmem:s12+$0x790]  }
0x162: {  	[tilespmem:s12+$0x6F0] =	vst v5;
	v5 =	vadd.s32 s16, v13;
	v7 =	vmul.u32 $0x380, v7;
	v12 =	vshrl.u32 v8, $0x7  }
.Ltmp0:
0x163: {  	[tilespmem:s12+$0x700] =	vst v1;
	v13 =	vadd.s32 v6, v5;
	v5 =	vadd.s32 s16, v10;
	v10 =	vmul.u32 $0x380, v12;
	v1 =	vld [tilespmem:s12+$0x7A0];
	(pc) =	sbr.rel @p0 .LBB2_2-.Ltmp0, $4  }
0x164: {  	[tilespmem:s12+$0x710] =	vst v2;
	v6 =	vadd.s32 v7, v5;
	v5 =	vadd.s32 s16, v8;
	v7 =	vshrl.u32 v11, $0x7;
	v2 =	vld [tilespmem:s12+$0x7B0]  }
0x165: {  	[tilespmem:s12+$0x720] =	vst v3;
	v5 =	vadd.s32 v10, v5;
	v7 =	vmul.u32 $0x380, v7;
	v8 =	vshrl.u32 v9, $0x7;
	v3 =	vld [tilespmem:s12+$0x7C0]  }
0x166: {  	[tilespmem:s12+$0x730] =	vst v4;
	v4 =	vadd.s32 s16, v11;
	v8 =	vmul.u32 $0x380, v8;
	v11 =	vshrl.u32 v0, $0x7  }
0x167: {  	s14 =	sadd.s32 $0x1, s14;
	v10 =	vadd.s32 s13, v9;
	[tilespmem:s12+$0x740] =	vst v13;
	v7 =	vadd.s32 v7, v4;
	v9 =	vmul.u32 $0x380, v11;
	v4 =	vld [tilespmem:s12+$0x7D0]  }
0x168: {  	[tilespmem:s12+$0x750] =	vst v6;
	v41 =	vld [tilespmem:s12+$0x7E0];
	v8 =	vadd.s32 v8, v10;
	v0 =	vadd.s32 s13, v0;
	v42 =	vshrl.u32 v1, $0x7  }
0x169: {  	[tilespmem:s12+$0x760] =	vst v5;
	v45 =	vld [tilespmem:s12+$0x7F0];
	v46 =	vadd.s32 s13, v1;
	v43 =	vmul.u32 $0x380, v42;
	v44 =	vshrl.u32 v2, $0x7  }
0x16a: {  	[tilespmem:s12+$0x770] =	vst v7;
	v0 =	vadd.s32 v9, v0;
	v49 =	vadd.s32 s13, v2;
	v47 =	vmul.u32 $0x380, v44  }
0x16b: {  	[tilespmem:s12+$0x780] =	vst v8;
	v48 =	vshrl.u32 v3, $0x7;
	v52 =	vadd.s32 s13, v3;
	v1 =	vadd.s32 v43, v46  }
0x16c: {  	[tilespmem:s12+$0x790] =	vst v0;
	v50 =	vmul.u32 $0x380, v48;
	v51 =	vadd.s32 v47, v49;
	v53 =	vshrl.u32 v4, $0x7  }
0x16d: {  	[tilespmem:s12+$0x7A0] =	vst v1;
	v57 =	vadd.s32 s13, v4;
	v55 =	vmul.u32 $0x380, v53;
	v56 =	vshrl.u32 v41, $0x7  }
0x16e: {  	v54 =	vadd.s32 v50, v52;
	[tilespmem:s12+$0x7B0] =	vst v51;
	v58 =	vshrl.u32 v45, $0x7;
	v3 =	vmul.u32 $0x380, v56  }
0x16f: {  	v59 =	vadd.s32 s13, v41;
	[tilespmem:s12+$0x7C0] =	vst v54;
	v60 =	vmul.u32 $0x380, v58;
	v0 =	vadd.s32 v55, v57  }
0x170: {  	v62 =	vadd.s32 s13, v45;
	[tilespmem:s12+$0x7D0] =	vst v0;
	v61 =	vadd.s32 v3, v59  }
0x171: {  	v63 =	vadd.s32 v60, v62;
	[tilespmem:s12+$0x7E0] =	vst v61  }
0x172: {  	[tilespmem:s12+$0x7F0] =	vst v63  }
0x173: {  	[tilespmem:s9], [sflag:$0x1] =	stream.indirect.gather [hbm4b:s1+s9], $0x1, s3, s9, $0xb8;
	[tilespmem:$0x10000] =	vst v63  }
0x174: {  	s11 =	sadd.s32 $0x1, s11;
	_ =	swait.ge [sflag:s10], $0x8000  }
0x175: {  	p0 =	sne.s32 s11, s7;
	[sflag:s10] =	ssyncset.done $0x0  }
.Ltmp1:
0x176: {  	[sflag:s10] =	ssyncadd.s32 $0xFFFF8000;
	(pc) =	sbr.rel @p0 .LBB2_1-.Ltmp1, $4  }
0x177: {  	[hbm4b:s6+s3] =	stream.linear.scatter [tilespmem:s9], [sflag:$0x2], $0x8000, $0x38;
	[tilespmem:$0x10000] =	vst v63  }
0x178: {  	_ =	swait.ge [sflag:s8], $0x8000  }
0x179: {  	[sflag:s8] =	ssyncset.done $0x0  }
0x17a: {  	[sflag:s8] =	ssyncadd.s32 $0xFFFF8000  }
0x17b: {  	_ =	sfence.sel $0x180000  }
0x17c: {  	[bflag:$0x0] =	sbarrier.arrive $0xFFFF  }
0x17d: {  	p0 =	sne.s32 s0, $0x0;
	_ =	strace $0x90000047  }
0x17e: {  	s0 =	sadd.s32 @!p0 $0x100000, s2;
	[bflag:$0x2] =	sbarrier.arrive $0xFFFF  }
0x17f: {  	[sflag:s0] =	ssyncadd.tile.s32 @!p0 $0x1;
	_ =	shalt  }
.Lfunc_end2:
_tile_overlayer_lowered:
.L_overlay_start_2:
0x180: {  	(tag) =	ssettag $0x2  }
0x181: {  	s0 =	rddreg [dreg:$0x0];
	s2 =	stileid.u32  }
0x182: {  	s1 =	rddreg [dreg:$0x1];
	p0 =	sne.s32 s2, $0x0  }
0x183: {  	s3 =	rddreg [dreg:$0x2];
	[bflag:$0x3] =	sbarrier.arrive $0xFFFF;
	s2 =	simm.s32 @!p0 $0x1C02  }
0x184: {  	[timem:s3], [sflag:s2] =	dma.local @!p0 [hbm:s0], s1  }
0x185: {  	s0 =	simm.s32 @!p0 $0x2  }
0x186: {  	_ =	swait.ge @!p0 [sflag:s0], s1  }
0x187: {  	s1 =	ssub.s32 @!p0 $0x0, s1;
	[sflag:s0] =	ssyncset.done @!p0 $0x0  }
0x188: {  	[sflag:s0] =	ssyncadd.s32 @!p0 s1  }
0x189: {  	[bflag:$0x3] =	sbarrier.arrive $0xFFFF  }
0x18a: {  	_ =	shalt  }

</sc_bundles>
